<compile_context>
chip_gen: v7x
topology: tpu7x:2x2x1
jax: 0.10.2.dev20260603
libtpu: 0.0.44.dev20260713+nightly
codegen_flags: <defaults>
</compile_context>

<pallas_src>
import functools
import math

import jax
import jax.numpy as jnp
from jax import lax
from jax.experimental import pallas as pl
from jax.experimental.pallas import tpu as pltpu
from jax.experimental.pallas import tpu_sc as plsc

_F = 16
_H = 512
_W = 512
_N = _H * _W
_GRID_N = (32, 64, 128, 256, 512)
_NUM_LOOKUPS = 9

_NW = 32
_CHUNK = 128
_QPR = _W // _CHUNK
_NCHUNKS = _N // _CHUNK
_PER_W = _NCHUNKS // _NW
_ROWS_W = _H // _NW
_SUPR = 2
_SUP = _SUPR * _QPR


def _idx_body(hc_ref, wc_ref, out_ref):
    hc = hc_ref[...]
    wc = wc_ref[...]
    n0 = _GRID_N[0]
    ih = (hc * float(n0 - 1)).astype(jnp.int32)
    iw = (wc * float(n0 - 1)).astype(jnp.int32)
    out_ref[0] = ih * n0 + iw
    off = n0 * n0
    k = 1
    for i in range(1, 5):
        n = _GRID_N[i]
        m = math.pi * (2.0 ** i)
        xh = hc * m
        xw = wc * m
        sh = jnp.abs(jnp.sin(xh))
        sw = jnp.abs(jnp.sin(xw))
        out_ref[k] = (off + (sh * float(n - 1)).astype(jnp.int32) * n
                      + (sw * float(n - 1)).astype(jnp.int32))
        k += 1
        ch = jnp.abs(jnp.cos(xh))
        cw = jnp.abs(jnp.cos(xw))
        out_ref[k] = (off + (ch * float(n - 1)).astype(jnp.int32) * n
                      + (cw * float(n - 1)).astype(jnp.int32))
        k += 1
        off += n * n


def _idx_tc(hc, wc):
    return pl.pallas_call(
        _idx_body,
        grid=(8,),
        in_specs=[pl.BlockSpec((_H // 8, _W), lambda i: (i, 0)),
                  pl.BlockSpec((_H // 8, _W), lambda i: (i, 0))],
        out_specs=pl.BlockSpec((_NUM_LOOKUPS, _H // 8, _W),
                               lambda i: (0, i, 0)),
        out_shape=jax.ShapeDtypeStruct((_NUM_LOOKUPS, _H, _W), jnp.int32),
    )(hc, wc)


def _sc_gather(table, idx):
    mesh = plsc.VectorSubcoreMesh(core_axis_name="c", subcore_axis_name="s")

    @functools.partial(
        pl.kernel,
        mesh=mesh,
        compiler_params=pltpu.CompilerParams(use_tc_tiling_on_sc=False),
        out_type=jax.ShapeDtypeStruct((_H, _W, _NUM_LOOKUPS * _F),
                                      jnp.float32),
        scratch_types=[
            pltpu.VMEM((2, _NUM_LOOKUPS, _SUPR, _W), jnp.int32),
            pltpu.VMEM((2, _NUM_LOOKUPS, _CHUNK, _F), jnp.float32),
            pltpu.SemaphoreType.DMA,
            pltpu.SemaphoreType.DMA,
            pltpu.SemaphoreType.DMA,
        ],
    )
    def k(table_hbm, idx_hbm, out_hbm, idx_v, bufs_v, sem_i, sem_g, sem_w):
        w = lax.axis_index("s") * 2 + lax.axis_index("c")
        r0 = w * _ROWS_W

        def load_idx(urow, slot):
            pltpu.async_copy(
                idx_hbm.at[:, pl.ds(r0 + urow, _SUPR), :], idx_v.at[slot],
                sem_i)

        def idx_slice(islot, u, j):
            return idx_v.at[islot, j, (u // _QPR) % _SUPR,
                            pl.ds((u % _QPR) * _CHUNK, _CHUNK)]

        def fire_gathers(islot, u, bslot):
            for j in range(_NUM_LOOKUPS):
                pltpu.async_copy(
                    table_hbm.at[idx_slice(islot, u, j)],
                    bufs_v.at[bslot, j], sem_g)

        def drain_gathers(islot, u, bslot):
            for j in range(_NUM_LOOKUPS):
                pltpu.make_async_copy(
                    table_hbm.at[idx_slice(islot, u, j)],
                    bufs_v.at[bslot, j], sem_g).wait()

        def out_slice(u, j):
            return out_hbm.at[r0 + u // _QPR,
                              pl.ds((u % _QPR) * _CHUNK, _CHUNK),
                              pl.ds(j * _F, _F)]

        def fire_writes(u, bslot):
            for j in range(_NUM_LOOKUPS):
                pltpu.async_copy(bufs_v.at[bslot, j], out_slice(u, j),
                                 sem_w)

        def drain_writes(u, bslot):
            for j in range(_NUM_LOOKUPS):
                pltpu.make_async_copy(bufs_v.at[bslot, j], out_slice(u, j),
                                      sem_w).wait()

        load_idx(0, 0)
        pltpu.make_async_copy(
            idx_hbm.at[:, pl.ds(r0, _SUPR), :], idx_v.at[0], sem_i).wait()
        load_idx(_SUPR, 1)
        fire_gathers(0, 0, 0)

        @pl.loop(0, _PER_W)
        def _(u):
            nxt = u + 1
            snxt = nxt // _SUP
            at_boundary = jnp.logical_and(nxt % _SUP == 0, nxt < _PER_W)

            @pl.when(at_boundary)
            def _():
                pltpu.make_async_copy(
                    idx_hbm.at[:, pl.ds(r0 + nxt // _QPR, _SUPR), :],
                    idx_v.at[snxt % 2], sem_i).wait()

            drain_gathers(u // _SUP % 2, u, u % 2)

            @pl.when(jnp.logical_and(at_boundary, nxt + _SUP < _PER_W))
            def _():
                load_idx((nxt + _SUP) // _QPR, (snxt + 1) % 2)

            @pl.when(u >= 1)
            def _():
                drain_writes(u - 1, (u - 1) % 2)

            @pl.when(nxt < _PER_W)
            def _():
                fire_gathers(snxt % 2, nxt, nxt % 2)

            fire_writes(u, u % 2)

        drain_writes(_PER_W - 1, (_PER_W - 1) % 2)

    return k(table, idx)


def kernel(c, g0, g1, g2, g3, g4):
    hc = c[:, :, 0]
    wc = c[:, :, 1]
    idx = _idx_tc(hc, wc)
    table = jnp.concatenate(
        [jnp.moveaxis(g, 0, -1).reshape(-1, 128)
         for g in (g0, g1, g2, g3, g4)], axis=0).reshape(-1, _F)
    return _sc_gather(table, idx)

# --- scband reference (transcript-rebuilt; emitter-appended) ---
"""Pipeline reference for scband-indexed-grid-46256797777984 (READ-ONLY COPY).

The authoritative reference and input builder live on the scoring server;
editing this copy changes nothing except your own understanding.
"""

import jax, jax.numpy as jnp
import numpy as np

NUM_FREQ = 4
SCALE = 2.0
F = 16
H = 512
W = 512

def exp_progression(length, start, end):
    ratio = (end / start) ** (1.0 / (length - 1))
    return [np.float32(start * ratio ** i) for i in range(length)]

GRID_SCALES = exp_progression(NUM_FREQ + 1, 0.0625, 1.0)


def setup_inputs(seed: int = 0) -> dict:
    key = jax.random.key(seed)
    keys = jax.random.split(key, NUM_FREQ + 2)
    inp = {"c": jax.random.uniform(keys[0], (512, 512, 2), dtype=jnp.float32)}
    for i, s in enumerate(GRID_SCALES):
        gh, gw = int(H * s), int(W * s)
        inp[f"g{i}"] = jax.random.normal(keys[i + 1], (F, gh, gw), dtype=jnp.float32) * 0.01
    return inp


def _index_in(coords, g):
    # g: (Hg, Wg, F); coords: (B, N, 2) with values in [0, 1]
    hc = coords[:, :, 0]
    wc = coords[:, :, 1]
    hi = (jax.lax.stop_gradient(hc) * (g.shape[0] - 1)).astype(jnp.int32)
    wi = (jax.lax.stop_gradient(wc) * (g.shape[1] - 1)).astype(jnp.int32)
    return g[hi, wi, :]


def _forward(c, grids):
    out_f = []
    for i in range(NUM_FREQ + 1):
        g = jnp.moveaxis(grids[i], 0, -1)  # (Hg, Wg, F)
        if i == 0:
            out_f.append(_index_in(c, g))
        else:
            coords = c * (jnp.pi * (SCALE ** i))
            sin_c = jnp.abs(jnp.sin(coords))
            cos_c = jnp.abs(jnp.cos(coords))
            out_f.append(_index_in(sin_c, g))
            out_f.append(_index_in(cos_c, g))
    return jnp.concatenate(out_f, axis=-1)


def reference(c, g0, g1, g2, g3, g4):
    return _forward(c, [g0, g1, g2, g3, g4])

if __name__ == "__main__":
    import jax
    _d = setup_inputs()
    print(jax.jit(kernel)(*tuple(_d.values())))

</pallas_src>

<mosaic_0001>
#map = affine_map<(d0, d1) -> (0, 0)>
#map1 = affine_map<(d0, d1) -> (0, 0, 0)>
module attributes {stable_mosaic.version = 14 : i64} {
  func.func @k(%arg0: i32, %arg1: i32, %arg2: memref<349184x16xf32, #tpu.memory_space<hbm>>, %arg3: memref<9x512x512xi32, #tpu.memory_space<hbm>>, %arg4: memref<512x512x144xf32, #tpu.memory_space<hbm>>, %arg5: memref<2x9x2x512xi32, #tpu.memory_space<vmem>>, %arg6: memref<2x9x128x16xf32, #tpu.memory_space<vmem>>, %arg7: memref<!tpu.dma_semaphore, #tpu.memory_space<semaphore_mem>>, %arg8: memref<!tpu.dma_semaphore, #tpu.memory_space<semaphore_mem>>, %arg9: memref<!tpu.dma_semaphore, #tpu.memory_space<semaphore_mem>>) attributes {dimension_semantics = [#tpu.dimension_semantics<core_parallel>, #tpu.dimension_semantics<subcore_parallel>], iteration_bounds = array<i64: 2, 16>, scalar_prefetch = 0 : i64, scratch_operands = 5 : i64, tpu.core_type = #tpu.core_type<sc_vector_subcore>, window_params = [{transform_indices = #map}, {transform_indices = #map1}, {transform_indices = #map1}]} {
    %mul3A = arith.constant 2 : i32
    %mul3A_0 = arith.muli %arg1, %mul3A : i32
    %add3A = arith.addi %mul3A_0, %arg0 : i32
    %mul3A_1 = arith.constant 16 : i32
    %mul3A_2 = arith.muli %add3A, %mul3A_1 : i32
    %add3A_3 = arith.constant 0 : i32
    %add3A_4 = arith.addi %mul3A_2, %add3A_3 : i32
    %dma_start3A = arith.constant 0 : i32
    %dma_start3A_5 = arith.constant 0 : i32
    %dma_start3A_6 = arith.constant 0 : i32
    %dma_start3A_7 = arith.constant 0 : i32
    %dma_start3A_8 = tpu.memref_slice %arg5[%dma_start3A, %dma_start3A_5, %dma_start3A_6, %dma_start3A_7] : memref<2x9x2x512xi32, #tpu.memory_space<vmem>> -> memref<1x9x2x512xi32, #tpu.memory_space<vmem>>
    %dma_start3A_9 = tpu.memref_squeeze %dma_start3A_8 : memref<1x9x2x512xi32, #tpu.memory_space<vmem>> -> memref<9x2x512xi32, #tpu.memory_space<vmem>>
    %dma_start3A_10 = arith.constant 0 : i32
    %dma_start3A_11 = arith.constant 0 : i32
    %dma_start3A_12 = tpu.memref_slice %arg3[%dma_start3A_10, %add3A_4, %dma_start3A_11] : memref<9x512x512xi32, #tpu.memory_space<hbm>> -> memref<9x2x512xi32, #tpu.memory_space<hbm>>
    %dma_start3A_13 = arith.constant 0 : i32
    %dma_start3A_14 = arith.constant 0 : i32
    %dma_start3A_15 = arith.constant 0 : i32
    %dma_start3A_16 = tpu.memref_slice %arg5[%dma_start3A, %dma_start3A_13, %dma_start3A_14, %dma_start3A_15] : memref<2x9x2x512xi32, #tpu.memory_space<vmem>> -> memref<1x9x2x512xi32, #tpu.memory_space<vmem>>
    %dma_start3A_17 = tpu.memref_squeeze %dma_start3A_16 : memref<1x9x2x512xi32, #tpu.memory_space<vmem>> -> memref<9x2x512xi32, #tpu.memory_space<vmem>>
    %dma_start3A_18 = arith.constant 0 : i32
    %dma_start3A_19 = arith.constant 0 : i32
    %dma_start3A_20 = tpu.memref_slice %arg3[%dma_start3A_18, %add3A_4, %dma_start3A_19] : memref<9x512x512xi32, #tpu.memory_space<hbm>> -> memref<9x2x512xi32, #tpu.memory_space<hbm>>
    tpu.enqueue_dma source(%dma_start3A_20 : memref<9x2x512xi32, #tpu.memory_space<hbm>>) target(%dma_start3A_17 : memref<9x2x512xi32, #tpu.memory_space<vmem>>) target_semaphore(%arg7 : memref<!tpu.dma_semaphore, #tpu.memory_space<semaphore_mem>>)
    %dma_wait3A = arith.constant 0 : i32
    %dma_wait3A_21 = arith.constant 0 : i32
    %dma_wait3A_22 = arith.constant 0 : i32
    %dma_wait3A_23 = arith.constant 0 : i32
    %dma_wait3A_24 = tpu.memref_slice %arg5[%dma_wait3A, %dma_wait3A_21, %dma_wait3A_22, %dma_wait3A_23] : memref<2x9x2x512xi32, #tpu.memory_space<vmem>> -> memref<1x9x2x512xi32, #tpu.memory_space<vmem>>
    %dma_wait3A_25 = tpu.memref_squeeze %dma_wait3A_24 : memref<1x9x2x512xi32, #tpu.memory_space<vmem>> -> memref<9x2x512xi32, #tpu.memory_space<vmem>>
    %dma_wait3A_26 = arith.constant 0 : i32
    %dma_wait3A_27 = arith.constant 0 : i32
    %dma_wait3A_28 = tpu.memref_slice %arg3[%dma_wait3A_26, %mul3A_2, %dma_wait3A_27] : memref<9x512x512xi32, #tpu.memory_space<hbm>> -> memref<9x2x512xi32, #tpu.memory_space<hbm>>
    %dma_wait3A_29 = arith.constant 0 : i32
    %dma_wait3A_30 = arith.constant 0 : i32
    %dma_wait3A_31 = arith.constant 0 : i32
    %dma_wait3A_32 = tpu.memref_slice %arg5[%dma_wait3A, %dma_wait3A_29, %dma_wait3A_30, %dma_wait3A_31] : memref<2x9x2x512xi32, #tpu.memory_space<vmem>> -> memref<1x9x2x512xi32, #tpu.memory_space<vmem>>
    %dma_wait3A_33 = tpu.memref_squeeze %dma_wait3A_32 : memref<1x9x2x512xi32, #tpu.memory_space<vmem>> -> memref<9x2x512xi32, #tpu.memory_space<vmem>>
    %dma_wait3A_34 = arith.constant 0 : i32
    %dma_wait3A_35 = arith.constant 0 : i32
    %dma_wait3A_36 = tpu.memref_slice %arg3[%dma_wait3A_34, %mul3A_2, %dma_wait3A_35] : memref<9x512x512xi32, #tpu.memory_space<hbm>> -> memref<9x2x512xi32, #tpu.memory_space<hbm>>
    tpu.wait_dma2 semaphore(%arg7 : memref<!tpu.dma_semaphore, #tpu.memory_space<semaphore_mem>>) src(%dma_wait3A_36 : memref<9x2x512xi32, #tpu.memory_space<hbm>>) dst(%dma_wait3A_33 : memref<9x2x512xi32, #tpu.memory_space<vmem>>)
    %add3A_37 = arith.constant 2 : i32
    %add3A_38 = arith.addi %mul3A_2, %add3A_37 : i32
    %dma_start3A_39 = arith.constant 1 : i32
    %dma_start3A_40 = arith.constant 0 : i32
    %dma_start3A_41 = arith.constant 0 : i32
    %dma_start3A_42 = arith.constant 0 : i32
    %dma_start3A_43 = tpu.memref_slice %arg5[%dma_start3A_39, %dma_start3A_40, %dma_start3A_41, %dma_start3A_42] : memref<2x9x2x512xi32, #tpu.memory_space<vmem>> -> memref<1x9x2x512xi32, #tpu.memory_space<vmem>>
    %dma_start3A_44 = tpu.memref_squeeze %dma_start3A_43 : memref<1x9x2x512xi32, #tpu.memory_space<vmem>> -> memref<9x2x512xi32, #tpu.memory_space<vmem>>
    %dma_start3A_45 = arith.constant 0 : i32
    %dma_start3A_46 = arith.constant 0 : i32
    %dma_start3A_47 = tpu.memref_slice %arg3[%dma_start3A_45, %add3A_38, %dma_start3A_46] : memref<9x512x512xi32, #tpu.memory_space<hbm>> -> memref<9x2x512xi32, #tpu.memory_space<hbm>>
    %dma_start3A_48 = arith.constant 0 : i32
    %dma_start3A_49 = arith.constant 0 : i32
    %dma_start3A_50 = arith.constant 0 : i32
    %dma_start3A_51 = tpu.memref_slice %arg5[%dma_start3A_39, %dma_start3A_48, %dma_start3A_49, %dma_start3A_50] : memref<2x9x2x512xi32, #tpu.memory_space<vmem>> -> memref<1x9x2x512xi32, #tpu.memory_space<vmem>>
    %dma_start3A_52 = tpu.memref_squeeze %dma_start3A_51 : memref<1x9x2x512xi32, #tpu.memory_space<vmem>> -> memref<9x2x512xi32, #tpu.memory_space<vmem>>
    %dma_start3A_53 = arith.constant 0 : i32
    %dma_start3A_54 = arith.constant 0 : i32
    %dma_start3A_55 = tpu.memref_slice %arg3[%dma_start3A_53, %add3A_38, %dma_start3A_54] : memref<9x512x512xi32, #tpu.memory_space<hbm>> -> memref<9x2x512xi32, #tpu.memory_space<hbm>>
    tpu.enqueue_dma source(%dma_start3A_55 : memref<9x2x512xi32, #tpu.memory_space<hbm>>) target(%dma_start3A_52 : memref<9x2x512xi32, #tpu.memory_space<vmem>>) target_semaphore(%arg7 : memref<!tpu.dma_semaphore, #tpu.memory_space<semaphore_mem>>)
    %dma_start3A_56 = arith.constant 0 : i32
    %dma_start3A_57 = arith.constant 0 : i32
    %dma_start3A_58 = arith.constant 0 : i32
    %dma_start3A_59 = arith.constant 0 : i32
    %dma_start3A_60 = arith.constant 0 : i32
    %dma_start3A_61 = arith.constant 0 : i32
    %dma_start3A_62 = arith.constant 0 : i32
    %dma_start3A_63 = tpu.memref_slice %arg6[%dma_start3A_59, %dma_start3A_60, %dma_start3A_61, %dma_start3A_62] : memref<2x9x128x16xf32, #tpu.memory_space<vmem>> -> memref<1x1x128x16xf32, #tpu.memory_space<vmem>>
    %dma_start3A_64 = tpu.memref_squeeze %dma_start3A_63 : memref<1x1x128x16xf32, #tpu.memory_space<vmem>> -> memref<128x16xf32, #tpu.memory_space<vmem>>
    %dma_start3A_65 = arith.constant 0 : i32
    %dma_start3A_66 = tpu.memref_slice %arg5[%dma_start3A_56, %dma_start3A_57, %dma_start3A_58, %dma_start3A_65] : memref<2x9x2x512xi32, #tpu.memory_space<vmem>> -> memref<1x1x1x128xi32, #tpu.memory_space<vmem>>
    %dma_start3A_67 = tpu.memref_squeeze %dma_start3A_66 : memref<1x1x1x128xi32, #tpu.memory_space<vmem>> -> memref<128xi32, #tpu.memory_space<vmem>>
    %dma_start3A_68 = arith.constant 0 : i32
    %dma_start3A_69 = arith.constant 0 : i32
    %dma_start3A_70 = tpu.memref_slice %arg2[%dma_start3A_68, %dma_start3A_69] : memref<349184x16xf32, #tpu.memory_space<hbm>> -> memref<349184x16xf32, #tpu.memory_space<hbm>>
    tpu.enqueue_indirect_dma source(%dma_start3A_70 : memref<349184x16xf32, #tpu.memory_space<hbm>>) target(%dma_start3A_64 : memref<128x16xf32, #tpu.memory_space<vmem>>) offsets(%dma_start3A_67 : memref<128xi32, #tpu.memory_space<vmem>>) semaphore(%arg8 : memref<!tpu.dma_semaphore, #tpu.memory_space<semaphore_mem>>)
    %dma_start3A_71 = arith.constant 0 : i32
    %dma_start3A_72 = arith.constant 1 : i32
    %dma_start3A_73 = arith.constant 0 : i32
    %dma_start3A_74 = arith.constant 0 : i32
    %dma_start3A_75 = arith.constant 1 : i32
    %dma_start3A_76 = arith.constant 0 : i32
    %dma_start3A_77 = arith.constant 0 : i32
    %dma_start3A_78 = tpu.memref_slice %arg6[%dma_start3A_74, %dma_start3A_75, %dma_start3A_76, %dma_start3A_77] : memref<2x9x128x16xf32, #tpu.memory_space<vmem>> -> memref<1x1x128x16xf32, #tpu.memory_space<vmem>>
    %dma_start3A_79 = tpu.memref_squeeze %dma_start3A_78 : memref<1x1x128x16xf32, #tpu.memory_space<vmem>> -> memref<128x16xf32, #tpu.memory_space<vmem>>
    %dma_start3A_80 = arith.constant 0 : i32
    %dma_start3A_81 = tpu.memref_slice %arg5[%dma_start3A_71, %dma_start3A_72, %dma_start3A_73, %dma_start3A_80] : memref<2x9x2x512xi32, #tpu.memory_space<vmem>> -> memref<1x1x1x128xi32, #tpu.memory_space<vmem>>
    %dma_start3A_82 = tpu.memref_squeeze %dma_start3A_81 : memref<1x1x1x128xi32, #tpu.memory_space<vmem>> -> memref<128xi32, #tpu.memory_space<vmem>>
    %dma_start3A_83 = arith.constant 0 : i32
    %dma_start3A_84 = arith.constant 0 : i32
    %dma_start3A_85 = tpu.memref_slice %arg2[%dma_start3A_83, %dma_start3A_84] : memref<349184x16xf32, #tpu.memory_space<hbm>> -> memref<349184x16xf32, #tpu.memory_space<hbm>>
    tpu.enqueue_indirect_dma source(%dma_start3A_85 : memref<349184x16xf32, #tpu.memory_space<hbm>>) target(%dma_start3A_79 : memref<128x16xf32, #tpu.memory_space<vmem>>) offsets(%dma_start3A_82 : memref<128xi32, #tpu.memory_space<vmem>>) semaphore(%arg8 : memref<!tpu.dma_semaphore, #tpu.memory_space<semaphore_mem>>)
    %dma_start3A_86 = arith.constant 0 : i32
    %dma_start3A_87 = arith.constant 2 : i32
    %dma_start3A_88 = arith.constant 0 : i32
    %dma_start3A_89 = arith.constant 0 : i32
    %dma_start3A_90 = arith.constant 2 : i32
    %dma_start3A_91 = arith.constant 0 : i32
    %dma_start3A_92 = arith.constant 0 : i32
    %dma_start3A_93 = tpu.memref_slice %arg6[%dma_start3A_89, %dma_start3A_90, %dma_start3A_91, %dma_start3A_92] : memref<2x9x128x16xf32, #tpu.memory_space<vmem>> -> memref<1x1x128x16xf32, #tpu.memory_space<vmem>>
    %dma_start3A_94 = tpu.memref_squeeze %dma_start3A_93 : memref<1x1x128x16xf32, #tpu.memory_space<vmem>> -> memref<128x16xf32, #tpu.memory_space<vmem>>
    %dma_start3A_95 = arith.constant 0 : i32
    %dma_start3A_96 = tpu.memref_slice %arg5[%dma_start3A_86, %dma_start3A_87, %dma_start3A_88, %dma_start3A_95] : memref<2x9x2x512xi32, #tpu.memory_space<vmem>> -> memref<1x1x1x128xi32, #tpu.memory_space<vmem>>
    %dma_start3A_97 = tpu.memref_squeeze %dma_start3A_96 : memref<1x1x1x128xi32, #tpu.memory_space<vmem>> -> memref<128xi32, #tpu.memory_space<vmem>>
    %dma_start3A_98 = arith.constant 0 : i32
    %dma_start3A_99 = arith.constant 0 : i32
    %dma_start3A_100 = tpu.memref_slice %arg2[%dma_start3A_98, %dma_start3A_99] : memref<349184x16xf32, #tpu.memory_space<hbm>> -> memref<349184x16xf32, #tpu.memory_space<hbm>>
    tpu.enqueue_indirect_dma source(%dma_start3A_100 : memref<349184x16xf32, #tpu.memory_space<hbm>>) target(%dma_start3A_94 : memref<128x16xf32, #tpu.memory_space<vmem>>) offsets(%dma_start3A_97 : memref<128xi32, #tpu.memory_space<vmem>>) semaphore(%arg8 : memref<!tpu.dma_semaphore, #tpu.memory_space<semaphore_mem>>)
    %dma_start3A_101 = arith.constant 0 : i32
    %dma_start3A_102 = arith.constant 3 : i32
    %dma_start3A_103 = arith.constant 0 : i32
    %dma_start3A_104 = arith.constant 0 : i32
    %dma_start3A_105 = arith.constant 3 : i32
    %dma_start3A_106 = arith.constant 0 : i32
    %dma_start3A_107 = arith.constant 0 : i32
    %dma_start3A_108 = tpu.memref_slice %arg6[%dma_start3A_104, %dma_start3A_105, %dma_start3A_106, %dma_start3A_107] : memref<2x9x128x16xf32, #tpu.memory_space<vmem>> -> memref<1x1x128x16xf32, #tpu.memory_space<vmem>>
    %dma_start3A_109 = tpu.memref_squeeze %dma_start3A_108 : memref<1x1x128x16xf32, #tpu.memory_space<vmem>> -> memref<128x16xf32, #tpu.memory_space<vmem>>
    %dma_start3A_110 = arith.constant 0 : i32
    %dma_start3A_111 = tpu.memref_slice %arg5[%dma_start3A_101, %dma_start3A_102, %dma_start3A_103, %dma_start3A_110] : memref<2x9x2x512xi32, #tpu.memory_space<vmem>> -> memref<1x1x1x128xi32, #tpu.memory_space<vmem>>
    %dma_start3A_112 = tpu.memref_squeeze %dma_start3A_111 : memref<1x1x1x128xi32, #tpu.memory_space<vmem>> -> memref<128xi32, #tpu.memory_space<vmem>>
    %dma_start3A_113 = arith.constant 0 : i32
    %dma_start3A_114 = arith.constant 0 : i32
    %dma_start3A_115 = tpu.memref_slice %arg2[%dma_start3A_113, %dma_start3A_114] : memref<349184x16xf32, #tpu.memory_space<hbm>> -> memref<349184x16xf32, #tpu.memory_space<hbm>>
    tpu.enqueue_indirect_dma source(%dma_start3A_115 : memref<349184x16xf32, #tpu.memory_space<hbm>>) target(%dma_start3A_109 : memref<128x16xf32, #tpu.memory_space<vmem>>) offsets(%dma_start3A_112 : memref<128xi32, #tpu.memory_space<vmem>>) semaphore(%arg8 : memref<!tpu.dma_semaphore, #tpu.memory_space<semaphore_mem>>)
    %dma_start3A_116 = arith.constant 0 : i32
    %dma_start3A_117 = arith.constant 4 : i32
    %dma_start3A_118 = arith.constant 0 : i32
    %dma_start3A_119 = arith.constant 0 : i32
    %dma_start3A_120 = arith.constant 4 : i32
    %dma_start3A_121 = arith.constant 0 : i32
    %dma_start3A_122 = arith.constant 0 : i32
    %dma_start3A_123 = tpu.memref_slice %arg6[%dma_start3A_119, %dma_start3A_120, %dma_start3A_121, %dma_start3A_122] : memref<2x9x128x16xf32, #tpu.memory_space<vmem>> -> memref<1x1x128x16xf32, #tpu.memory_space<vmem>>
    %dma_start3A_124 = tpu.memref_squeeze %dma_start3A_123 : memref<1x1x128x16xf32, #tpu.memory_space<vmem>> -> memref<128x16xf32, #tpu.memory_space<vmem>>
    %dma_start3A_125 = arith.constant 0 : i32
    %dma_start3A_126 = tpu.memref_slice %arg5[%dma_start3A_116, %dma_start3A_117, %dma_start3A_118, %dma_start3A_125] : memref<2x9x2x512xi32, #tpu.memory_space<vmem>> -> memref<1x1x1x128xi32, #tpu.memory_space<vmem>>
    %dma_start3A_127 = tpu.memref_squeeze %dma_start3A_126 : memref<1x1x1x128xi32, #tpu.memory_space<vmem>> -> memref<128xi32, #tpu.memory_space<vmem>>
    %dma_start3A_128 = arith.constant 0 : i32
    %dma_start3A_129 = arith.constant 0 : i32
    %dma_start3A_130 = tpu.memref_slice %arg2[%dma_start3A_128, %dma_start3A_129] : memref<349184x16xf32, #tpu.memory_space<hbm>> -> memref<349184x16xf32, #tpu.memory_space<hbm>>
    tpu.enqueue_indirect_dma source(%dma_start3A_130 : memref<349184x16xf32, #tpu.memory_space<hbm>>) target(%dma_start3A_124 : memref<128x16xf32, #tpu.memory_space<vmem>>) offsets(%dma_start3A_127 : memref<128xi32, #tpu.memory_space<vmem>>) semaphore(%arg8 : memref<!tpu.dma_semaphore, #tpu.memory_space<semaphore_mem>>)
    %dma_start3A_131 = arith.constant 0 : i32
    %dma_start3A_132 = arith.constant 5 : i32
    %dma_start3A_133 = arith.constant 0 : i32
    %dma_start3A_134 = arith.constant 0 : i32
    %dma_start3A_135 = arith.constant 5 : i32
    %dma_start3A_136 = arith.constant 0 : i32
    %dma_start3A_137 = arith.constant 0 : i32
    %dma_start3A_138 = tpu.memref_slice %arg6[%dma_start3A_134, %dma_start3A_135, %dma_start3A_136, %dma_start3A_137] : memref<2x9x128x16xf32, #tpu.memory_space<vmem>> -> memref<1x1x128x16xf32, #tpu.memory_space<vmem>>
    %dma_start3A_139 = tpu.memref_squeeze %dma_start3A_138 : memref<1x1x128x16xf32, #tpu.memory_space<vmem>> -> memref<128x16xf32, #tpu.memory_space<vmem>>
    %dma_start3A_140 = arith.constant 0 : i32
    %dma_start3A_141 = tpu.memref_slice %arg5[%dma_start3A_131, %dma_start3A_132, %dma_start3A_133, %dma_start3A_140] : memref<2x9x2x512xi32, #tpu.memory_space<vmem>> -> memref<1x1x1x128xi32, #tpu.memory_space<vmem>>
    %dma_start3A_142 = tpu.memref_squeeze %dma_start3A_141 : memref<1x1x1x128xi32, #tpu.memory_space<vmem>> -> memref<128xi32, #tpu.memory_space<vmem>>
    %dma_start3A_143 = arith.constant 0 : i32
    %dma_start3A_144 = arith.constant 0 : i32
    %dma_start3A_145 = tpu.memref_slice %arg2[%dma_start3A_143, %dma_start3A_144] : memref<349184x16xf32, #tpu.memory_space<hbm>> -> memref<349184x16xf32, #tpu.memory_space<hbm>>
    tpu.enqueue_indirect_dma source(%dma_start3A_145 : memref<349184x16xf32, #tpu.memory_space<hbm>>) target(%dma_start3A_139 : memref<128x16xf32, #tpu.memory_space<vmem>>) offsets(%dma_start3A_142 : memref<128xi32, #tpu.memory_space<vmem>>) semaphore(%arg8 : memref<!tpu.dma_semaphore, #tpu.memory_space<semaphore_mem>>)
    %dma_start3A_146 = arith.constant 0 : i32
    %dma_start3A_147 = arith.constant 6 : i32
    %dma_start3A_148 = arith.constant 0 : i32
    %dma_start3A_149 = arith.constant 0 : i32
    %dma_start3A_150 = arith.constant 6 : i32
    %dma_start3A_151 = arith.constant 0 : i32
    %dma_start3A_152 = arith.constant 0 : i32
    %dma_start3A_153 = tpu.memref_slice %arg6[%dma_start3A_149, %dma_start3A_150, %dma_start3A_151, %dma_start3A_152] : memref<2x9x128x16xf32, #tpu.memory_space<vmem>> -> memref<1x1x128x16xf32, #tpu.memory_space<vmem>>
    %dma_start3A_154 = tpu.memref_squeeze %dma_start3A_153 : memref<1x1x128x16xf32, #tpu.memory_space<vmem>> -> memref<128x16xf32, #tpu.memory_space<vmem>>
    %dma_start3A_155 = arith.constant 0 : i32
    %dma_start3A_156 = tpu.memref_slice %arg5[%dma_start3A_146, %dma_start3A_147, %dma_start3A_148, %dma_start3A_155] : memref<2x9x2x512xi32, #tpu.memory_space<vmem>> -> memref<1x1x1x128xi32, #tpu.memory_space<vmem>>
    %dma_start3A_157 = tpu.memref_squeeze %dma_start3A_156 : memref<1x1x1x128xi32, #tpu.memory_space<vmem>> -> memref<128xi32, #tpu.memory_space<vmem>>
    %dma_start3A_158 = arith.constant 0 : i32
    %dma_start3A_159 = arith.constant 0 : i32
    %dma_start3A_160 = tpu.memref_slice %arg2[%dma_start3A_158, %dma_start3A_159] : memref<349184x16xf32, #tpu.memory_space<hbm>> -> memref<349184x16xf32, #tpu.memory_space<hbm>>
    tpu.enqueue_indirect_dma source(%dma_start3A_160 : memref<349184x16xf32, #tpu.memory_space<hbm>>) target(%dma_start3A_154 : memref<128x16xf32, #tpu.memory_space<vmem>>) offsets(%dma_start3A_157 : memref<128xi32, #tpu.memory_space<vmem>>) semaphore(%arg8 : memref<!tpu.dma_semaphore, #tpu.memory_space<semaphore_mem>>)
    %dma_start3A_161 = arith.constant 0 : i32
    %dma_start3A_162 = arith.constant 7 : i32
    %dma_start3A_163 = arith.constant 0 : i32
    %dma_start3A_164 = arith.constant 0 : i32
    %dma_start3A_165 = arith.constant 7 : i32
    %dma_start3A_166 = arith.constant 0 : i32
    %dma_start3A_167 = arith.constant 0 : i32
    %dma_start3A_168 = tpu.memref_slice %arg6[%dma_start3A_164, %dma_start3A_165, %dma_start3A_166, %dma_start3A_167] : memref<2x9x128x16xf32, #tpu.memory_space<vmem>> -> memref<1x1x128x16xf32, #tpu.memory_space<vmem>>
    %dma_start3A_169 = tpu.memref_squeeze %dma_start3A_168 : memref<1x1x128x16xf32, #tpu.memory_space<vmem>> -> memref<128x16xf32, #tpu.memory_space<vmem>>
    %dma_start3A_170 = arith.constant 0 : i32
    %dma_start3A_171 = tpu.memref_slice %arg5[%dma_start3A_161, %dma_start3A_162, %dma_start3A_163, %dma_start3A_170] : memref<2x9x2x512xi32, #tpu.memory_space<vmem>> -> memref<1x1x1x128xi32, #tpu.memory_space<vmem>>
    %dma_start3A_172 = tpu.memref_squeeze %dma_start3A_171 : memref<1x1x1x128xi32, #tpu.memory_space<vmem>> -> memref<128xi32, #tpu.memory_space<vmem>>
    %dma_start3A_173 = arith.constant 0 : i32
    %dma_start3A_174 = arith.constant 0 : i32
    %dma_start3A_175 = tpu.memref_slice %arg2[%dma_start3A_173, %dma_start3A_174] : memref<349184x16xf32, #tpu.memory_space<hbm>> -> memref<349184x16xf32, #tpu.memory_space<hbm>>
    tpu.enqueue_indirect_dma source(%dma_start3A_175 : memref<349184x16xf32, #tpu.memory_space<hbm>>) target(%dma_start3A_169 : memref<128x16xf32, #tpu.memory_space<vmem>>) offsets(%dma_start3A_172 : memref<128xi32, #tpu.memory_space<vmem>>) semaphore(%arg8 : memref<!tpu.dma_semaphore, #tpu.memory_space<semaphore_mem>>)
    %dma_start3A_176 = arith.constant 0 : i32
    %dma_start3A_177 = arith.constant 8 : i32
    %dma_start3A_178 = arith.constant 0 : i32
    %dma_start3A_179 = arith.constant 0 : i32
    %dma_start3A_180 = arith.constant 8 : i32
    %dma_start3A_181 = arith.constant 0 : i32
    %dma_start3A_182 = arith.constant 0 : i32
    %dma_start3A_183 = tpu.memref_slice %arg6[%dma_start3A_179, %dma_start3A_180, %dma_start3A_181, %dma_start3A_182] : memref<2x9x128x16xf32, #tpu.memory_space<vmem>> -> memref<1x1x128x16xf32, #tpu.memory_space<vmem>>
    %dma_start3A_184 = tpu.memref_squeeze %dma_start3A_183 : memref<1x1x128x16xf32, #tpu.memory_space<vmem>> -> memref<128x16xf32, #tpu.memory_space<vmem>>
    %dma_start3A_185 = arith.constant 0 : i32
    %dma_start3A_186 = tpu.memref_slice %arg5[%dma_start3A_176, %dma_start3A_177, %dma_start3A_178, %dma_start3A_185] : memref<2x9x2x512xi32, #tpu.memory_space<vmem>> -> memref<1x1x1x128xi32, #tpu.memory_space<vmem>>
    %dma_start3A_187 = tpu.memref_squeeze %dma_start3A_186 : memref<1x1x1x128xi32, #tpu.memory_space<vmem>> -> memref<128xi32, #tpu.memory_space<vmem>>
    %dma_start3A_188 = arith.constant 0 : i32
    %dma_start3A_189 = arith.constant 0 : i32
    %dma_start3A_190 = tpu.memref_slice %arg2[%dma_start3A_188, %dma_start3A_189] : memref<349184x16xf32, #tpu.memory_space<hbm>> -> memref<349184x16xf32, #tpu.memory_space<hbm>>
    tpu.enqueue_indirect_dma source(%dma_start3A_190 : memref<349184x16xf32, #tpu.memory_space<hbm>>) target(%dma_start3A_184 : memref<128x16xf32, #tpu.memory_space<vmem>>) offsets(%dma_start3A_187 : memref<128xi32, #tpu.memory_space<vmem>>) semaphore(%arg8 : memref<!tpu.dma_semaphore, #tpu.memory_space<semaphore_mem>>)
    %scan3A = arith.constant 0 : i32
    %scan3A_191 = arith.constant 64 : i32
    %scan3A_192 = arith.addi %scan3A, %scan3A_191 : i32
    %scan3A_193 = arith.constant 1 : i32
    scf.for %scan3A_375 = %scan3A to %scan3A_192 step %scan3A_193  : i32 {
      %mul3A_376 = arith.constant 1 : i32
      %mul3A_377 = arith.muli %scan3A_375, %mul3A_376 : i32
      %add3A_378 = arith.constant 0 : i32
      %add3A_379 = arith.addi %add3A_378, %mul3A_377 : i32
      %add3A_380 = arith.constant 1 : i32
      %add3A_381 = arith.addi %add3A_379, %add3A_380 : i32
      %jit3A = arith.constant 8 : i32
      %div3A = arith.divsi %add3A_381, %jit3A : i32
      %sign3A = arith.constant 0 : i32
      %sign3A_382 = arith.cmpi sgt, %add3A_381, %sign3A : i32
      %sign3A_383 = arith.extui %sign3A_382 : i1 to i32
      %sign3A_384 = arith.constant 0 : i32
      %sign3A_385 = arith.cmpi slt, %add3A_381, %sign3A_384 : i32
      %sign3A_386 = arith.extui %sign3A_385 : i1 to i32
      %sign3A_387 = arith.subi %sign3A_383, %sign3A_386 : i32
      %sign3A_388 = arith.constant 0 : i32
      %sign3A_389 = arith.cmpi sgt, %jit3A, %sign3A_388 : i32
      %sign3A_390 = arith.extui %sign3A_389 : i1 to i32
      %sign3A_391 = arith.constant 0 : i32
      %sign3A_392 = arith.cmpi slt, %jit3A, %sign3A_391 : i32
      %sign3A_393 = arith.extui %sign3A_392 : i1 to i32
      %sign3A_394 = arith.subi %sign3A_390, %sign3A_393 : i32
      %ne3A = arith.cmpi ne, %sign3A_387, %sign3A_394 : i32
      %rem3A = arith.remsi %add3A_381, %jit3A : i32
      %ne3A_395 = arith.constant 0 : i32
      %ne3A_396 = arith.cmpi ne, %rem3A, %ne3A_395 : i32
      %and3A = arith.andi %ne3A, %ne3A_396 : i1
      %sub3A = arith.constant 1 : i32
      %sub3A_397 = arith.subi %div3A, %sub3A : i32
      %select_n3A = arith.select %and3A, %sub3A_397, %div3A : i32
      %jit3A_398 = arith.constant 8 : i32
      %eq3A = arith.constant 0 : i32
      %eq3A_399 = arith.cmpi eq, %jit3A_398, %eq3A : i32
      %jit3A_400 = arith.constant 1 : i32
      %select_n3A_401 = arith.select %eq3A_399, %jit3A_400, %jit3A_398 : i32
      %rem3A_402 = arith.remsi %add3A_381, %select_n3A_401 : i32
      %ne3A_403 = arith.constant 0 : i32
      %ne3A_404 = arith.cmpi ne, %rem3A_402, %ne3A_403 : i32
      %lt3A = arith.constant 0 : i32
      %lt3A_405 = arith.cmpi slt, %rem3A_402, %lt3A : i32
      %lt3A_406 = arith.constant 0 : i32
      %lt3A_407 = arith.cmpi slt, %select_n3A_401, %lt3A_406 : i32
      %ne3A_408 = arith.xori %lt3A_405, %lt3A_407 : i1
      %and3A_409 = arith.andi %ne3A_408, %ne3A_404 : i1
      %add3A_410 = arith.addi %rem3A_402, %select_n3A_401 : i32
      %select_n3A_411 = arith.select %and3A_409, %add3A_410, %rem3A_402 : i32
      %eq3A_412 = arith.constant 0 : i32
      %eq3A_413 = arith.cmpi eq, %select_n3A_411, %eq3A_412 : i32
      %lt3A_414 = arith.constant 64 : i32
      %lt3A_415 = arith.cmpi slt, %add3A_381, %lt3A_414 : i32
      %and3A_416 = arith.andi %eq3A_413, %lt3A_415 : i1
      %convert_element_type3A = arith.extui %and3A_416 : i1 to i32
      %cond3A = arith.constant 0 : i32
      %cond3A_417 = arith.cmpi ne, %convert_element_type3A, %cond3A : i32
      scf.if %cond3A_417 {
        %jit3A_1650 = arith.constant 4 : i32
        %div3A_1651 = arith.divsi %add3A_381, %jit3A_1650 : i32
        %sign3A_1652 = arith.constant 0 : i32
        %sign3A_1653 = arith.cmpi sgt, %add3A_381, %sign3A_1652 : i32
        %sign3A_1654 = arith.extui %sign3A_1653 : i1 to i32
        %sign3A_1655 = arith.constant 0 : i32
        %sign3A_1656 = arith.cmpi slt, %add3A_381, %sign3A_1655 : i32
        %sign3A_1657 = arith.extui %sign3A_1656 : i1 to i32
        %sign3A_1658 = arith.subi %sign3A_1654, %sign3A_1657 : i32
        %sign3A_1659 = arith.constant 0 : i32
        %sign3A_1660 = arith.cmpi sgt, %jit3A_1650, %sign3A_1659 : i32
        %sign3A_1661 = arith.extui %sign3A_1660 : i1 to i32
        %sign3A_1662 = arith.constant 0 : i32
        %sign3A_1663 = arith.cmpi slt, %jit3A_1650, %sign3A_1662 : i32
        %sign3A_1664 = arith.extui %sign3A_1663 : i1 to i32
        %sign3A_1665 = arith.subi %sign3A_1661, %sign3A_1664 : i32
        %ne3A_1666 = arith.cmpi ne, %sign3A_1658, %sign3A_1665 : i32
        %rem3A_1667 = arith.remsi %add3A_381, %jit3A_1650 : i32
        %ne3A_1668 = arith.constant 0 : i32
        %ne3A_1669 = arith.cmpi ne, %rem3A_1667, %ne3A_1668 : i32
        %and3A_1670 = arith.andi %ne3A_1666, %ne3A_1669 : i1
        %sub3A_1671 = arith.constant 1 : i32
        %sub3A_1672 = arith.subi %div3A_1651, %sub3A_1671 : i32
        %select_n3A_1673 = arith.select %and3A_1670, %sub3A_1672, %div3A_1651 : i32
        %add3A_1674 = arith.addi %mul3A_2, %select_n3A_1673 : i32
        %jit3A_1675 = arith.constant 2 : i32
        %eq3A_1676 = arith.constant 0 : i32
        %eq3A_1677 = arith.cmpi eq, %jit3A_1675, %eq3A_1676 : i32
        %jit3A_1678 = arith.constant 1 : i32
        %select_n3A_1679 = arith.select %eq3A_1677, %jit3A_1678, %jit3A_1675 : i32
        %rem3A_1680 = arith.remsi %select_n3A, %select_n3A_1679 : i32
        %ne3A_1681 = arith.constant 0 : i32
        %ne3A_1682 = arith.cmpi ne, %rem3A_1680, %ne3A_1681 : i32
        %lt3A_1683 = arith.constant 0 : i32
        %lt3A_1684 = arith.cmpi slt, %rem3A_1680, %lt3A_1683 : i32
        %lt3A_1685 = arith.constant 0 : i32
        %lt3A_1686 = arith.cmpi slt, %select_n3A_1679, %lt3A_1685 : i32
        %ne3A_1687 = arith.xori %lt3A_1684, %lt3A_1686 : i1
        %and3A_1688 = arith.andi %ne3A_1687, %ne3A_1682 : i1
        %add3A_1689 = arith.addi %rem3A_1680, %select_n3A_1679 : i32
        %select_n3A_1690 = arith.select %and3A_1688, %add3A_1689, %rem3A_1680 : i32
        %dma_wait3A_1691 = arith.constant 0 : i32
        %dma_wait3A_1692 = arith.constant 0 : i32
        %dma_wait3A_1693 = arith.constant 0 : i32
        %dma_wait3A_1694 = tpu.memref_slice %arg5[%select_n3A_1690, %dma_wait3A_1691, %dma_wait3A_1692, %dma_wait3A_1693] : memref<2x9x2x512xi32, #tpu.memory_space<vmem>> -> memref<1x9x2x512xi32, #tpu.memory_space<vmem>>
        %dma_wait3A_1695 = tpu.memref_squeeze %dma_wait3A_1694 : memref<1x9x2x512xi32, #tpu.memory_space<vmem>> -> memref<9x2x512xi32, #tpu.memory_space<vmem>>
        %dma_wait3A_1696 = arith.constant 0 : i32
        %dma_wait3A_1697 = arith.constant 0 : i32
        %dma_wait3A_1698 = tpu.memref_slice %arg3[%dma_wait3A_1696, %add3A_1674, %dma_wait3A_1697] : memref<9x512x512xi32, #tpu.memory_space<hbm>> -> memref<9x2x512xi32, #tpu.memory_space<hbm>>
        %dma_wait3A_1699 = arith.constant 0 : i32
        %dma_wait3A_1700 = arith.constant 0 : i32
        %dma_wait3A_1701 = arith.constant 0 : i32
        %dma_wait3A_1702 = tpu.memref_slice %arg5[%select_n3A_1690, %dma_wait3A_1699, %dma_wait3A_1700, %dma_wait3A_1701] : memref<2x9x2x512xi32, #tpu.memory_space<vmem>> -> memref<1x9x2x512xi32, #tpu.memory_space<vmem>>
        %dma_wait3A_1703 = tpu.memref_squeeze %dma_wait3A_1702 : memref<1x9x2x512xi32, #tpu.memory_space<vmem>> -> memref<9x2x512xi32, #tpu.memory_space<vmem>>
        %dma_wait3A_1704 = arith.constant 0 : i32
        %dma_wait3A_1705 = arith.constant 0 : i32
        %dma_wait3A_1706 = tpu.memref_slice %arg3[%dma_wait3A_1704, %add3A_1674, %dma_wait3A_1705] : memref<9x512x512xi32, #tpu.memory_space<hbm>> -> memref<9x2x512xi32, #tpu.memory_space<hbm>>
        tpu.wait_dma2 semaphore(%arg7 : memref<!tpu.dma_semaphore, #tpu.memory_space<semaphore_mem>>) src(%dma_wait3A_1706 : memref<9x2x512xi32, #tpu.memory_space<hbm>>) dst(%dma_wait3A_1703 : memref<9x2x512xi32, #tpu.memory_space<vmem>>)
      } else {
      }
      %jit3A_418 = arith.constant 8 : i32
      %div3A_419 = arith.divsi %add3A_379, %jit3A_418 : i32
      %sign3A_420 = arith.constant 0 : i32
      %sign3A_421 = arith.cmpi sgt, %add3A_379, %sign3A_420 : i32
      %sign3A_422 = arith.extui %sign3A_421 : i1 to i32
      %sign3A_423 = arith.constant 0 : i32
      %sign3A_424 = arith.cmpi slt, %add3A_379, %sign3A_423 : i32
      %sign3A_425 = arith.extui %sign3A_424 : i1 to i32
      %sign3A_426 = arith.subi %sign3A_422, %sign3A_425 : i32
      %sign3A_427 = arith.constant 0 : i32
      %sign3A_428 = arith.cmpi sgt, %jit3A_418, %sign3A_427 : i32
      %sign3A_429 = arith.extui %sign3A_428 : i1 to i32
      %sign3A_430 = arith.constant 0 : i32
      %sign3A_431 = arith.cmpi slt, %jit3A_418, %sign3A_430 : i32
      %sign3A_432 = arith.extui %sign3A_431 : i1 to i32
      %sign3A_433 = arith.subi %sign3A_429, %sign3A_432 : i32
      %ne3A_434 = arith.cmpi ne, %sign3A_426, %sign3A_433 : i32
      %rem3A_435 = arith.remsi %add3A_379, %jit3A_418 : i32
      %ne3A_436 = arith.constant 0 : i32
      %ne3A_437 = arith.cmpi ne, %rem3A_435, %ne3A_436 : i32
      %and3A_438 = arith.andi %ne3A_434, %ne3A_437 : i1
      %sub3A_439 = arith.constant 1 : i32
      %sub3A_440 = arith.subi %div3A_419, %sub3A_439 : i32
      %select_n3A_441 = arith.select %and3A_438, %sub3A_440, %div3A_419 : i32
      %jit3A_442 = arith.constant 2 : i32
      %eq3A_443 = arith.constant 0 : i32
      %eq3A_444 = arith.cmpi eq, %jit3A_442, %eq3A_443 : i32
      %jit3A_445 = arith.constant 1 : i32
      %select_n3A_446 = arith.select %eq3A_444, %jit3A_445, %jit3A_442 : i32
      %rem3A_447 = arith.remsi %select_n3A_441, %select_n3A_446 : i32
      %ne3A_448 = arith.constant 0 : i32
      %ne3A_449 = arith.cmpi ne, %rem3A_447, %ne3A_448 : i32
      %lt3A_450 = arith.constant 0 : i32
      %lt3A_451 = arith.cmpi slt, %rem3A_447, %lt3A_450 : i32
      %lt3A_452 = arith.constant 0 : i32
      %lt3A_453 = arith.cmpi slt, %select_n3A_446, %lt3A_452 : i32
      %ne3A_454 = arith.xori %lt3A_451, %lt3A_453 : i1
      %and3A_455 = arith.andi %ne3A_454, %ne3A_449 : i1
      %add3A_456 = arith.addi %rem3A_447, %select_n3A_446 : i32
      %select_n3A_457 = arith.select %and3A_455, %add3A_456, %rem3A_447 : i32
      %jit3A_458 = arith.constant 2 : i32
      %eq3A_459 = arith.constant 0 : i32
      %eq3A_460 = arith.cmpi eq, %jit3A_458, %eq3A_459 : i32
      %jit3A_461 = arith.constant 1 : i32
      %select_n3A_462 = arith.select %eq3A_460, %jit3A_461, %jit3A_458 : i32
      %rem3A_463 = arith.remsi %add3A_379, %select_n3A_462 : i32
      %ne3A_464 = arith.constant 0 : i32
      %ne3A_465 = arith.cmpi ne, %rem3A_463, %ne3A_464 : i32
      %lt3A_466 = arith.constant 0 : i32
      %lt3A_467 = arith.cmpi slt, %rem3A_463, %lt3A_466 : i32
      %lt3A_468 = arith.constant 0 : i32
      %lt3A_469 = arith.cmpi slt, %select_n3A_462, %lt3A_468 : i32
      %ne3A_470 = arith.xori %lt3A_467, %lt3A_469 : i1
      %and3A_471 = arith.andi %ne3A_470, %ne3A_465 : i1
      %add3A_472 = arith.addi %rem3A_463, %select_n3A_462 : i32
      %select_n3A_473 = arith.select %and3A_471, %add3A_472, %rem3A_463 : i32
      %jit3A_474 = arith.constant 4 : i32
      %div3A_475 = arith.divsi %add3A_379, %jit3A_474 : i32
      %sign3A_476 = arith.constant 0 : i32
      %sign3A_477 = arith.cmpi sgt, %add3A_379, %sign3A_476 : i32
      %sign3A_478 = arith.extui %sign3A_477 : i1 to i32
      %sign3A_479 = arith.constant 0 : i32
      %sign3A_480 = arith.cmpi slt, %add3A_379, %sign3A_479 : i32
      %sign3A_481 = arith.extui %sign3A_480 : i1 to i32
      %sign3A_482 = arith.subi %sign3A_478, %sign3A_481 : i32
      %sign3A_483 = arith.constant 0 : i32
      %sign3A_484 = arith.cmpi sgt, %jit3A_474, %sign3A_483 : i32
      %sign3A_485 = arith.extui %sign3A_484 : i1 to i32
      %sign3A_486 = arith.constant 0 : i32
      %sign3A_487 = arith.cmpi slt, %jit3A_474, %sign3A_486 : i32
      %sign3A_488 = arith.extui %sign3A_487 : i1 to i32
      %sign3A_489 = arith.subi %sign3A_485, %sign3A_488 : i32
      %ne3A_490 = arith.cmpi ne, %sign3A_482, %sign3A_489 : i32
      %rem3A_491 = arith.remsi %add3A_379, %jit3A_474 : i32
      %ne3A_492 = arith.constant 0 : i32
      %ne3A_493 = arith.cmpi ne, %rem3A_491, %ne3A_492 : i32
      %and3A_494 = arith.andi %ne3A_490, %ne3A_493 : i1
      %sub3A_495 = arith.constant 1 : i32
      %sub3A_496 = arith.subi %div3A_475, %sub3A_495 : i32
      %select_n3A_497 = arith.select %and3A_494, %sub3A_496, %div3A_475 : i32
      %jit3A_498 = arith.constant 2 : i32
      %eq3A_499 = arith.constant 0 : i32
      %eq3A_500 = arith.cmpi eq, %jit3A_498, %eq3A_499 : i32
      %jit3A_501 = arith.constant 1 : i32
      %select_n3A_502 = arith.select %eq3A_500, %jit3A_501, %jit3A_498 : i32
      %rem3A_503 = arith.remsi %select_n3A_497, %select_n3A_502 : i32
      %ne3A_504 = arith.constant 0 : i32
      %ne3A_505 = arith.cmpi ne, %rem3A_503, %ne3A_504 : i32
      %lt3A_506 = arith.constant 0 : i32
      %lt3A_507 = arith.cmpi slt, %rem3A_503, %lt3A_506 : i32
      %lt3A_508 = arith.constant 0 : i32
      %lt3A_509 = arith.cmpi slt, %select_n3A_502, %lt3A_508 : i32
      %ne3A_510 = arith.xori %lt3A_507, %lt3A_509 : i1
      %and3A_511 = arith.andi %ne3A_510, %ne3A_505 : i1
      %add3A_512 = arith.addi %rem3A_503, %select_n3A_502 : i32
      %select_n3A_513 = arith.select %and3A_511, %add3A_512, %rem3A_503 : i32
      %jit3A_514 = arith.constant 4 : i32
      %eq3A_515 = arith.constant 0 : i32
      %eq3A_516 = arith.cmpi eq, %jit3A_514, %eq3A_515 : i32
      %jit3A_517 = arith.constant 1 : i32
      %select_n3A_518 = arith.select %eq3A_516, %jit3A_517, %jit3A_514 : i32
      %rem3A_519 = arith.remsi %add3A_379, %select_n3A_518 : i32
      %ne3A_520 = arith.constant 0 : i32
      %ne3A_521 = arith.cmpi ne, %rem3A_519, %ne3A_520 : i32
      %lt3A_522 = arith.constant 0 : i32
      %lt3A_523 = arith.cmpi slt, %rem3A_519, %lt3A_522 : i32
      %lt3A_524 = arith.constant 0 : i32
      %lt3A_525 = arith.cmpi slt, %select_n3A_518, %lt3A_524 : i32
      %ne3A_526 = arith.xori %lt3A_523, %lt3A_525 : i1
      %and3A_527 = arith.andi %ne3A_526, %ne3A_521 : i1
      %add3A_528 = arith.addi %rem3A_519, %select_n3A_518 : i32
      %select_n3A_529 = arith.select %and3A_527, %add3A_528, %rem3A_519 : i32
      %mul3A_530 = arith.constant 128 : i32
      %mul3A_531 = arith.muli %select_n3A_529, %mul3A_530 : i32
      %dma_wait3A_532 = arith.constant 0 : i32
      %dma_wait3A_533 = arith.constant 0 : i32
      %dma_wait3A_534 = arith.constant 0 : i32
      %dma_wait3A_535 = arith.constant 0 : i32
      %dma_wait3A_536 = tpu.memref_slice %arg6[%select_n3A_473, %dma_wait3A_533, %dma_wait3A_534, %dma_wait3A_535] : memref<2x9x128x16xf32, #tpu.memory_space<vmem>> -> memref<1x1x128x16xf32, #tpu.memory_space<vmem>>
      %dma_wait3A_537 = tpu.memref_squeeze %dma_wait3A_536 : memref<1x1x128x16xf32, #tpu.memory_space<vmem>> -> memref<128x16xf32, #tpu.memory_space<vmem>>
      %dma_wait3A_538 = tpu.memref_slice %arg5[%select_n3A_457, %dma_wait3A_532, %select_n3A_513, %mul3A_531] : memref<2x9x2x512xi32, #tpu.memory_space<vmem>> -> memref<1x1x1x128xi32, #tpu.memory_space<vmem>>
      %dma_wait3A_539 = tpu.memref_squeeze %dma_wait3A_538 : memref<1x1x1x128xi32, #tpu.memory_space<vmem>> -> memref<128xi32, #tpu.memory_space<vmem>>
      %dma_wait3A_540 = arith.constant 0 : i32
      %dma_wait3A_541 = arith.constant 0 : i32
      %dma_wait3A_542 = tpu.memref_slice %arg2[%dma_wait3A_540, %dma_wait3A_541] : memref<349184x16xf32, #tpu.memory_space<hbm>> -> memref<349184x16xf32, #tpu.memory_space<hbm>>
      tpu.wait_indirect_dma semaphore(%arg8 : memref<!tpu.dma_semaphore, #tpu.memory_space<semaphore_mem>>) src(%dma_wait3A_542 : memref<349184x16xf32, #tpu.memory_space<hbm>>) dst(%dma_wait3A_537 : memref<128x16xf32, #tpu.memory_space<vmem>>)
      %jit3A_543 = arith.constant 4 : i32
      %div3A_544 = arith.divsi %add3A_379, %jit3A_543 : i32
      %sign3A_545 = arith.constant 0 : i32
      %sign3A_546 = arith.cmpi sgt, %add3A_379, %sign3A_545 : i32
      %sign3A_547 = arith.extui %sign3A_546 : i1 to i32
      %sign3A_548 = arith.constant 0 : i32
      %sign3A_549 = arith.cmpi slt, %add3A_379, %sign3A_548 : i32
      %sign3A_550 = arith.extui %sign3A_549 : i1 to i32
      %sign3A_551 = arith.subi %sign3A_547, %sign3A_550 : i32
      %sign3A_552 = arith.constant 0 : i32
      %sign3A_553 = arith.cmpi sgt, %jit3A_543, %sign3A_552 : i32
      %sign3A_554 = arith.extui %sign3A_553 : i1 to i32
      %sign3A_555 = arith.constant 0 : i32
      %sign3A_556 = arith.cmpi slt, %jit3A_543, %sign3A_555 : i32
      %sign3A_557 = arith.extui %sign3A_556 : i1 to i32
      %sign3A_558 = arith.subi %sign3A_554, %sign3A_557 : i32
      %ne3A_559 = arith.cmpi ne, %sign3A_551, %sign3A_558 : i32
      %rem3A_560 = arith.remsi %add3A_379, %jit3A_543 : i32
      %ne3A_561 = arith.constant 0 : i32
      %ne3A_562 = arith.cmpi ne, %rem3A_560, %ne3A_561 : i32
      %and3A_563 = arith.andi %ne3A_559, %ne3A_562 : i1
      %sub3A_564 = arith.constant 1 : i32
      %sub3A_565 = arith.subi %div3A_544, %sub3A_564 : i32
      %select_n3A_566 = arith.select %and3A_563, %sub3A_565, %div3A_544 : i32
      %jit3A_567 = arith.constant 2 : i32
      %eq3A_568 = arith.constant 0 : i32
      %eq3A_569 = arith.cmpi eq, %jit3A_567, %eq3A_568 : i32
      %jit3A_570 = arith.constant 1 : i32
      %select_n3A_571 = arith.select %eq3A_569, %jit3A_570, %jit3A_567 : i32
      %rem3A_572 = arith.remsi %select_n3A_566, %select_n3A_571 : i32
      %ne3A_573 = arith.constant 0 : i32
      %ne3A_574 = arith.cmpi ne, %rem3A_572, %ne3A_573 : i32
      %lt3A_575 = arith.constant 0 : i32
      %lt3A_576 = arith.cmpi slt, %rem3A_572, %lt3A_575 : i32
      %lt3A_577 = arith.constant 0 : i32
      %lt3A_578 = arith.cmpi slt, %select_n3A_571, %lt3A_577 : i32
      %ne3A_579 = arith.xori %lt3A_576, %lt3A_578 : i1
      %and3A_580 = arith.andi %ne3A_579, %ne3A_574 : i1
      %add3A_581 = arith.addi %rem3A_572, %select_n3A_571 : i32
      %select_n3A_582 = arith.select %and3A_580, %add3A_581, %rem3A_572 : i32
      %jit3A_583 = arith.constant 4 : i32
      %eq3A_584 = arith.constant 0 : i32
      %eq3A_585 = arith.cmpi eq, %jit3A_583, %eq3A_584 : i32
      %jit3A_586 = arith.constant 1 : i32
      %select_n3A_587 = arith.select %eq3A_585, %jit3A_586, %jit3A_583 : i32
      %rem3A_588 = arith.remsi %add3A_379, %select_n3A_587 : i32
      %ne3A_589 = arith.constant 0 : i32
      %ne3A_590 = arith.cmpi ne, %rem3A_588, %ne3A_589 : i32
      %lt3A_591 = arith.constant 0 : i32
      %lt3A_592 = arith.cmpi slt, %rem3A_588, %lt3A_591 : i32
      %lt3A_593 = arith.constant 0 : i32
      %lt3A_594 = arith.cmpi slt, %select_n3A_587, %lt3A_593 : i32
      %ne3A_595 = arith.xori %lt3A_592, %lt3A_594 : i1
      %and3A_596 = arith.andi %ne3A_595, %ne3A_590 : i1
      %add3A_597 = arith.addi %rem3A_588, %select_n3A_587 : i32
      %select_n3A_598 = arith.select %and3A_596, %add3A_597, %rem3A_588 : i32
      %mul3A_599 = arith.constant 128 : i32
      %mul3A_600 = arith.muli %select_n3A_598, %mul3A_599 : i32
      %dma_wait3A_601 = arith.constant 1 : i32
      %dma_wait3A_602 = arith.constant 1 : i32
      %dma_wait3A_603 = arith.constant 0 : i32
      %dma_wait3A_604 = arith.constant 0 : i32
      %dma_wait3A_605 = tpu.memref_slice %arg6[%select_n3A_473, %dma_wait3A_602, %dma_wait3A_603, %dma_wait3A_604] : memref<2x9x128x16xf32, #tpu.memory_space<vmem>> -> memref<1x1x128x16xf32, #tpu.memory_space<vmem>>
      %dma_wait3A_606 = tpu.memref_squeeze %dma_wait3A_605 : memref<1x1x128x16xf32, #tpu.memory_space<vmem>> -> memref<128x16xf32, #tpu.memory_space<vmem>>
      %dma_wait3A_607 = tpu.memref_slice %arg5[%select_n3A_457, %dma_wait3A_601, %select_n3A_582, %mul3A_600] : memref<2x9x2x512xi32, #tpu.memory_space<vmem>> -> memref<1x1x1x128xi32, #tpu.memory_space<vmem>>
      %dma_wait3A_608 = tpu.memref_squeeze %dma_wait3A_607 : memref<1x1x1x128xi32, #tpu.memory_space<vmem>> -> memref<128xi32, #tpu.memory_space<vmem>>
      %dma_wait3A_609 = arith.constant 0 : i32
      %dma_wait3A_610 = arith.constant 0 : i32
      %dma_wait3A_611 = tpu.memref_slice %arg2[%dma_wait3A_609, %dma_wait3A_610] : memref<349184x16xf32, #tpu.memory_space<hbm>> -> memref<349184x16xf32, #tpu.memory_space<hbm>>
      tpu.wait_indirect_dma semaphore(%arg8 : memref<!tpu.dma_semaphore, #tpu.memory_space<semaphore_mem>>) src(%dma_wait3A_611 : memref<349184x16xf32, #tpu.memory_space<hbm>>) dst(%dma_wait3A_606 : memref<128x16xf32, #tpu.memory_space<vmem>>)
      %jit3A_612 = arith.constant 4 : i32
      %div3A_613 = arith.divsi %add3A_379, %jit3A_612 : i32
      %sign3A_614 = arith.constant 0 : i32
      %sign3A_615 = arith.cmpi sgt, %add3A_379, %sign3A_614 : i32
      %sign3A_616 = arith.extui %sign3A_615 : i1 to i32
      %sign3A_617 = arith.constant 0 : i32
      %sign3A_618 = arith.cmpi slt, %add3A_379, %sign3A_617 : i32
      %sign3A_619 = arith.extui %sign3A_618 : i1 to i32
      %sign3A_620 = arith.subi %sign3A_616, %sign3A_619 : i32
      %sign3A_621 = arith.constant 0 : i32
      %sign3A_622 = arith.cmpi sgt, %jit3A_612, %sign3A_621 : i32
      %sign3A_623 = arith.extui %sign3A_622 : i1 to i32
      %sign3A_624 = arith.constant 0 : i32
      %sign3A_625 = arith.cmpi slt, %jit3A_612, %sign3A_624 : i32
      %sign3A_626 = arith.extui %sign3A_625 : i1 to i32
      %sign3A_627 = arith.subi %sign3A_623, %sign3A_626 : i32
      %ne3A_628 = arith.cmpi ne, %sign3A_620, %sign3A_627 : i32
      %rem3A_629 = arith.remsi %add3A_379, %jit3A_612 : i32
      %ne3A_630 = arith.constant 0 : i32
      %ne3A_631 = arith.cmpi ne, %rem3A_629, %ne3A_630 : i32
      %and3A_632 = arith.andi %ne3A_628, %ne3A_631 : i1
      %sub3A_633 = arith.constant 1 : i32
      %sub3A_634 = arith.subi %div3A_613, %sub3A_633 : i32
      %select_n3A_635 = arith.select %and3A_632, %sub3A_634, %div3A_613 : i32
      %jit3A_636 = arith.constant 2 : i32
      %eq3A_637 = arith.constant 0 : i32
      %eq3A_638 = arith.cmpi eq, %jit3A_636, %eq3A_637 : i32
      %jit3A_639 = arith.constant 1 : i32
      %select_n3A_640 = arith.select %eq3A_638, %jit3A_639, %jit3A_636 : i32
      %rem3A_641 = arith.remsi %select_n3A_635, %select_n3A_640 : i32
      %ne3A_642 = arith.constant 0 : i32
      %ne3A_643 = arith.cmpi ne, %rem3A_641, %ne3A_642 : i32
      %lt3A_644 = arith.constant 0 : i32
      %lt3A_645 = arith.cmpi slt, %rem3A_641, %lt3A_644 : i32
      %lt3A_646 = arith.constant 0 : i32
      %lt3A_647 = arith.cmpi slt, %select_n3A_640, %lt3A_646 : i32
      %ne3A_648 = arith.xori %lt3A_645, %lt3A_647 : i1
      %and3A_649 = arith.andi %ne3A_648, %ne3A_643 : i1
      %add3A_650 = arith.addi %rem3A_641, %select_n3A_640 : i32
      %select_n3A_651 = arith.select %and3A_649, %add3A_650, %rem3A_641 : i32
      %jit3A_652 = arith.constant 4 : i32
      %eq3A_653 = arith.constant 0 : i32
      %eq3A_654 = arith.cmpi eq, %jit3A_652, %eq3A_653 : i32
      %jit3A_655 = arith.constant 1 : i32
      %select_n3A_656 = arith.select %eq3A_654, %jit3A_655, %jit3A_652 : i32
      %rem3A_657 = arith.remsi %add3A_379, %select_n3A_656 : i32
      %ne3A_658 = arith.constant 0 : i32
      %ne3A_659 = arith.cmpi ne, %rem3A_657, %ne3A_658 : i32
      %lt3A_660 = arith.constant 0 : i32
      %lt3A_661 = arith.cmpi slt, %rem3A_657, %lt3A_660 : i32
      %lt3A_662 = arith.constant 0 : i32
      %lt3A_663 = arith.cmpi slt, %select_n3A_656, %lt3A_662 : i32
      %ne3A_664 = arith.xori %lt3A_661, %lt3A_663 : i1
      %and3A_665 = arith.andi %ne3A_664, %ne3A_659 : i1
      %add3A_666 = arith.addi %rem3A_657, %select_n3A_656 : i32
      %select_n3A_667 = arith.select %and3A_665, %add3A_666, %rem3A_657 : i32
      %mul3A_668 = arith.constant 128 : i32
      %mul3A_669 = arith.muli %select_n3A_667, %mul3A_668 : i32
      %dma_wait3A_670 = arith.constant 2 : i32
      %dma_wait3A_671 = arith.constant 2 : i32
      %dma_wait3A_672 = arith.constant 0 : i32
      %dma_wait3A_673 = arith.constant 0 : i32
      %dma_wait3A_674 = tpu.memref_slice %arg6[%select_n3A_473, %dma_wait3A_671, %dma_wait3A_672, %dma_wait3A_673] : memref<2x9x128x16xf32, #tpu.memory_space<vmem>> -> memref<1x1x128x16xf32, #tpu.memory_space<vmem>>
      %dma_wait3A_675 = tpu.memref_squeeze %dma_wait3A_674 : memref<1x1x128x16xf32, #tpu.memory_space<vmem>> -> memref<128x16xf32, #tpu.memory_space<vmem>>
      %dma_wait3A_676 = tpu.memref_slice %arg5[%select_n3A_457, %dma_wait3A_670, %select_n3A_651, %mul3A_669] : memref<2x9x2x512xi32, #tpu.memory_space<vmem>> -> memref<1x1x1x128xi32, #tpu.memory_space<vmem>>
      %dma_wait3A_677 = tpu.memref_squeeze %dma_wait3A_676 : memref<1x1x1x128xi32, #tpu.memory_space<vmem>> -> memref<128xi32, #tpu.memory_space<vmem>>
      %dma_wait3A_678 = arith.constant 0 : i32
      %dma_wait3A_679 = arith.constant 0 : i32
      %dma_wait3A_680 = tpu.memref_slice %arg2[%dma_wait3A_678, %dma_wait3A_679] : memref<349184x16xf32, #tpu.memory_space<hbm>> -> memref<349184x16xf32, #tpu.memory_space<hbm>>
      tpu.wait_indirect_dma semaphore(%arg8 : memref<!tpu.dma_semaphore, #tpu.memory_space<semaphore_mem>>) src(%dma_wait3A_680 : memref<349184x16xf32, #tpu.memory_space<hbm>>) dst(%dma_wait3A_675 : memref<128x16xf32, #tpu.memory_space<vmem>>)
      %jit3A_681 = arith.constant 4 : i32
      %div3A_682 = arith.divsi %add3A_379, %jit3A_681 : i32
      %sign3A_683 = arith.constant 0 : i32
      %sign3A_684 = arith.cmpi sgt, %add3A_379, %sign3A_683 : i32
      %sign3A_685 = arith.extui %sign3A_684 : i1 to i32
      %sign3A_686 = arith.constant 0 : i32
      %sign3A_687 = arith.cmpi slt, %add3A_379, %sign3A_686 : i32
      %sign3A_688 = arith.extui %sign3A_687 : i1 to i32
      %sign3A_689 = arith.subi %sign3A_685, %sign3A_688 : i32
      %sign3A_690 = arith.constant 0 : i32
      %sign3A_691 = arith.cmpi sgt, %jit3A_681, %sign3A_690 : i32
      %sign3A_692 = arith.extui %sign3A_691 : i1 to i32
      %sign3A_693 = arith.constant 0 : i32
      %sign3A_694 = arith.cmpi slt, %jit3A_681, %sign3A_693 : i32
      %sign3A_695 = arith.extui %sign3A_694 : i1 to i32
      %sign3A_696 = arith.subi %sign3A_692, %sign3A_695 : i32
      %ne3A_697 = arith.cmpi ne, %sign3A_689, %sign3A_696 : i32
      %rem3A_698 = arith.remsi %add3A_379, %jit3A_681 : i32
      %ne3A_699 = arith.constant 0 : i32
      %ne3A_700 = arith.cmpi ne, %rem3A_698, %ne3A_699 : i32
      %and3A_701 = arith.andi %ne3A_697, %ne3A_700 : i1
      %sub3A_702 = arith.constant 1 : i32
      %sub3A_703 = arith.subi %div3A_682, %sub3A_702 : i32
      %select_n3A_704 = arith.select %and3A_701, %sub3A_703, %div3A_682 : i32
      %jit3A_705 = arith.constant 2 : i32
      %eq3A_706 = arith.constant 0 : i32
      %eq3A_707 = arith.cmpi eq, %jit3A_705, %eq3A_706 : i32
      %jit3A_708 = arith.constant 1 : i32
      %select_n3A_709 = arith.select %eq3A_707, %jit3A_708, %jit3A_705 : i32
      %rem3A_710 = arith.remsi %select_n3A_704, %select_n3A_709 : i32
      %ne3A_711 = arith.constant 0 : i32
      %ne3A_712 = arith.cmpi ne, %rem3A_710, %ne3A_711 : i32
      %lt3A_713 = arith.constant 0 : i32
      %lt3A_714 = arith.cmpi slt, %rem3A_710, %lt3A_713 : i32
      %lt3A_715 = arith.constant 0 : i32
      %lt3A_716 = arith.cmpi slt, %select_n3A_709, %lt3A_715 : i32
      %ne3A_717 = arith.xori %lt3A_714, %lt3A_716 : i1
      %and3A_718 = arith.andi %ne3A_717, %ne3A_712 : i1
      %add3A_719 = arith.addi %rem3A_710, %select_n3A_709 : i32
      %select_n3A_720 = arith.select %and3A_718, %add3A_719, %rem3A_710 : i32
      %jit3A_721 = arith.constant 4 : i32
      %eq3A_722 = arith.constant 0 : i32
      %eq3A_723 = arith.cmpi eq, %jit3A_721, %eq3A_722 : i32
      %jit3A_724 = arith.constant 1 : i32
      %select_n3A_725 = arith.select %eq3A_723, %jit3A_724, %jit3A_721 : i32
      %rem3A_726 = arith.remsi %add3A_379, %select_n3A_725 : i32
      %ne3A_727 = arith.constant 0 : i32
      %ne3A_728 = arith.cmpi ne, %rem3A_726, %ne3A_727 : i32
      %lt3A_729 = arith.constant 0 : i32
      %lt3A_730 = arith.cmpi slt, %rem3A_726, %lt3A_729 : i32
      %lt3A_731 = arith.constant 0 : i32
      %lt3A_732 = arith.cmpi slt, %select_n3A_725, %lt3A_731 : i32
      %ne3A_733 = arith.xori %lt3A_730, %lt3A_732 : i1
      %and3A_734 = arith.andi %ne3A_733, %ne3A_728 : i1
      %add3A_735 = arith.addi %rem3A_726, %select_n3A_725 : i32
      %select_n3A_736 = arith.select %and3A_734, %add3A_735, %rem3A_726 : i32
      %mul3A_737 = arith.constant 128 : i32
      %mul3A_738 = arith.muli %select_n3A_736, %mul3A_737 : i32
      %dma_wait3A_739 = arith.constant 3 : i32
      %dma_wait3A_740 = arith.constant 3 : i32
      %dma_wait3A_741 = arith.constant 0 : i32
      %dma_wait3A_742 = arith.constant 0 : i32
      %dma_wait3A_743 = tpu.memref_slice %arg6[%select_n3A_473, %dma_wait3A_740, %dma_wait3A_741, %dma_wait3A_742] : memref<2x9x128x16xf32, #tpu.memory_space<vmem>> -> memref<1x1x128x16xf32, #tpu.memory_space<vmem>>
      %dma_wait3A_744 = tpu.memref_squeeze %dma_wait3A_743 : memref<1x1x128x16xf32, #tpu.memory_space<vmem>> -> memref<128x16xf32, #tpu.memory_space<vmem>>
      %dma_wait3A_745 = tpu.memref_slice %arg5[%select_n3A_457, %dma_wait3A_739, %select_n3A_720, %mul3A_738] : memref<2x9x2x512xi32, #tpu.memory_space<vmem>> -> memref<1x1x1x128xi32, #tpu.memory_space<vmem>>
      %dma_wait3A_746 = tpu.memref_squeeze %dma_wait3A_745 : memref<1x1x1x128xi32, #tpu.memory_space<vmem>> -> memref<128xi32, #tpu.memory_space<vmem>>
      %dma_wait3A_747 = arith.constant 0 : i32
      %dma_wait3A_748 = arith.constant 0 : i32
      %dma_wait3A_749 = tpu.memref_slice %arg2[%dma_wait3A_747, %dma_wait3A_748] : memref<349184x16xf32, #tpu.memory_space<hbm>> -> memref<349184x16xf32, #tpu.memory_space<hbm>>
      tpu.wait_indirect_dma semaphore(%arg8 : memref<!tpu.dma_semaphore, #tpu.memory_space<semaphore_mem>>) src(%dma_wait3A_749 : memref<349184x16xf32, #tpu.memory_space<hbm>>) dst(%dma_wait3A_744 : memref<128x16xf32, #tpu.memory_space<vmem>>)
      %jit3A_750 = arith.constant 4 : i32
      %div3A_751 = arith.divsi %add3A_379, %jit3A_750 : i32
      %sign3A_752 = arith.constant 0 : i32
      %sign3A_753 = arith.cmpi sgt, %add3A_379, %sign3A_752 : i32
      %sign3A_754 = arith.extui %sign3A_753 : i1 to i32
      %sign3A_755 = arith.constant 0 : i32
      %sign3A_756 = arith.cmpi slt, %add3A_379, %sign3A_755 : i32
      %sign3A_757 = arith.extui %sign3A_756 : i1 to i32
      %sign3A_758 = arith.subi %sign3A_754, %sign3A_757 : i32
      %sign3A_759 = arith.constant 0 : i32
      %sign3A_760 = arith.cmpi sgt, %jit3A_750, %sign3A_759 : i32
      %sign3A_761 = arith.extui %sign3A_760 : i1 to i32
      %sign3A_762 = arith.constant 0 : i32
      %sign3A_763 = arith.cmpi slt, %jit3A_750, %sign3A_762 : i32
      %sign3A_764 = arith.extui %sign3A_763 : i1 to i32
      %sign3A_765 = arith.subi %sign3A_761, %sign3A_764 : i32
      %ne3A_766 = arith.cmpi ne, %sign3A_758, %sign3A_765 : i32
      %rem3A_767 = arith.remsi %add3A_379, %jit3A_750 : i32
      %ne3A_768 = arith.constant 0 : i32
      %ne3A_769 = arith.cmpi ne, %rem3A_767, %ne3A_768 : i32
      %and3A_770 = arith.andi %ne3A_766, %ne3A_769 : i1
      %sub3A_771 = arith.constant 1 : i32
      %sub3A_772 = arith.subi %div3A_751, %sub3A_771 : i32
      %select_n3A_773 = arith.select %and3A_770, %sub3A_772, %div3A_751 : i32
      %jit3A_774 = arith.constant 2 : i32
      %eq3A_775 = arith.constant 0 : i32
      %eq3A_776 = arith.cmpi eq, %jit3A_774, %eq3A_775 : i32
      %jit3A_777 = arith.constant 1 : i32
      %select_n3A_778 = arith.select %eq3A_776, %jit3A_777, %jit3A_774 : i32
      %rem3A_779 = arith.remsi %select_n3A_773, %select_n3A_778 : i32
      %ne3A_780 = arith.constant 0 : i32
      %ne3A_781 = arith.cmpi ne, %rem3A_779, %ne3A_780 : i32
      %lt3A_782 = arith.constant 0 : i32
      %lt3A_783 = arith.cmpi slt, %rem3A_779, %lt3A_782 : i32
      %lt3A_784 = arith.constant 0 : i32
      %lt3A_785 = arith.cmpi slt, %select_n3A_778, %lt3A_784 : i32
      %ne3A_786 = arith.xori %lt3A_783, %lt3A_785 : i1
      %and3A_787 = arith.andi %ne3A_786, %ne3A_781 : i1
      %add3A_788 = arith.addi %rem3A_779, %select_n3A_778 : i32
      %select_n3A_789 = arith.select %and3A_787, %add3A_788, %rem3A_779 : i32
      %jit3A_790 = arith.constant 4 : i32
      %eq3A_791 = arith.constant 0 : i32
      %eq3A_792 = arith.cmpi eq, %jit3A_790, %eq3A_791 : i32
      %jit3A_793 = arith.constant 1 : i32
      %select_n3A_794 = arith.select %eq3A_792, %jit3A_793, %jit3A_790 : i32
      %rem3A_795 = arith.remsi %add3A_379, %select_n3A_794 : i32
      %ne3A_796 = arith.constant 0 : i32
      %ne3A_797 = arith.cmpi ne, %rem3A_795, %ne3A_796 : i32
      %lt3A_798 = arith.constant 0 : i32
      %lt3A_799 = arith.cmpi slt, %rem3A_795, %lt3A_798 : i32
      %lt3A_800 = arith.constant 0 : i32
      %lt3A_801 = arith.cmpi slt, %select_n3A_794, %lt3A_800 : i32
      %ne3A_802 = arith.xori %lt3A_799, %lt3A_801 : i1
      %and3A_803 = arith.andi %ne3A_802, %ne3A_797 : i1
      %add3A_804 = arith.addi %rem3A_795, %select_n3A_794 : i32
      %select_n3A_805 = arith.select %and3A_803, %add3A_804, %rem3A_795 : i32
      %mul3A_806 = arith.constant 128 : i32
      %mul3A_807 = arith.muli %select_n3A_805, %mul3A_806 : i32
      %dma_wait3A_808 = arith.constant 4 : i32
      %dma_wait3A_809 = arith.constant 4 : i32
      %dma_wait3A_810 = arith.constant 0 : i32
      %dma_wait3A_811 = arith.constant 0 : i32
      %dma_wait3A_812 = tpu.memref_slice %arg6[%select_n3A_473, %dma_wait3A_809, %dma_wait3A_810, %dma_wait3A_811] : memref<2x9x128x16xf32, #tpu.memory_space<vmem>> -> memref<1x1x128x16xf32, #tpu.memory_space<vmem>>
      %dma_wait3A_813 = tpu.memref_squeeze %dma_wait3A_812 : memref<1x1x128x16xf32, #tpu.memory_space<vmem>> -> memref<128x16xf32, #tpu.memory_space<vmem>>
      %dma_wait3A_814 = tpu.memref_slice %arg5[%select_n3A_457, %dma_wait3A_808, %select_n3A_789, %mul3A_807] : memref<2x9x2x512xi32, #tpu.memory_space<vmem>> -> memref<1x1x1x128xi32, #tpu.memory_space<vmem>>
      %dma_wait3A_815 = tpu.memref_squeeze %dma_wait3A_814 : memref<1x1x1x128xi32, #tpu.memory_space<vmem>> -> memref<128xi32, #tpu.memory_space<vmem>>
      %dma_wait3A_816 = arith.constant 0 : i32
      %dma_wait3A_817 = arith.constant 0 : i32
      %dma_wait3A_818 = tpu.memref_slice %arg2[%dma_wait3A_816, %dma_wait3A_817] : memref<349184x16xf32, #tpu.memory_space<hbm>> -> memref<349184x16xf32, #tpu.memory_space<hbm>>
      tpu.wait_indirect_dma semaphore(%arg8 : memref<!tpu.dma_semaphore, #tpu.memory_space<semaphore_mem>>) src(%dma_wait3A_818 : memref<349184x16xf32, #tpu.memory_space<hbm>>) dst(%dma_wait3A_813 : memref<128x16xf32, #tpu.memory_space<vmem>>)
      %jit3A_819 = arith.constant 4 : i32
      %div3A_820 = arith.divsi %add3A_379, %jit3A_819 : i32
      %sign3A_821 = arith.constant 0 : i32
      %sign3A_822 = arith.cmpi sgt, %add3A_379, %sign3A_821 : i32
      %sign3A_823 = arith.extui %sign3A_822 : i1 to i32
      %sign3A_824 = arith.constant 0 : i32
      %sign3A_825 = arith.cmpi slt, %add3A_379, %sign3A_824 : i32
      %sign3A_826 = arith.extui %sign3A_825 : i1 to i32
      %sign3A_827 = arith.subi %sign3A_823, %sign3A_826 : i32
      %sign3A_828 = arith.constant 0 : i32
      %sign3A_829 = arith.cmpi sgt, %jit3A_819, %sign3A_828 : i32
      %sign3A_830 = arith.extui %sign3A_829 : i1 to i32
      %sign3A_831 = arith.constant 0 : i32
      %sign3A_832 = arith.cmpi slt, %jit3A_819, %sign3A_831 : i32
      %sign3A_833 = arith.extui %sign3A_832 : i1 to i32
      %sign3A_834 = arith.subi %sign3A_830, %sign3A_833 : i32
      %ne3A_835 = arith.cmpi ne, %sign3A_827, %sign3A_834 : i32
      %rem3A_836 = arith.remsi %add3A_379, %jit3A_819 : i32
      %ne3A_837 = arith.constant 0 : i32
      %ne3A_838 = arith.cmpi ne, %rem3A_836, %ne3A_837 : i32
      %and3A_839 = arith.andi %ne3A_835, %ne3A_838 : i1
      %sub3A_840 = arith.constant 1 : i32
      %sub3A_841 = arith.subi %div3A_820, %sub3A_840 : i32
      %select_n3A_842 = arith.select %and3A_839, %sub3A_841, %div3A_820 : i32
      %jit3A_843 = arith.constant 2 : i32
      %eq3A_844 = arith.constant 0 : i32
      %eq3A_845 = arith.cmpi eq, %jit3A_843, %eq3A_844 : i32
      %jit3A_846 = arith.constant 1 : i32
      %select_n3A_847 = arith.select %eq3A_845, %jit3A_846, %jit3A_843 : i32
      %rem3A_848 = arith.remsi %select_n3A_842, %select_n3A_847 : i32
      %ne3A_849 = arith.constant 0 : i32
      %ne3A_850 = arith.cmpi ne, %rem3A_848, %ne3A_849 : i32
      %lt3A_851 = arith.constant 0 : i32
      %lt3A_852 = arith.cmpi slt, %rem3A_848, %lt3A_851 : i32
      %lt3A_853 = arith.constant 0 : i32
      %lt3A_854 = arith.cmpi slt, %select_n3A_847, %lt3A_853 : i32
      %ne3A_855 = arith.xori %lt3A_852, %lt3A_854 : i1
      %and3A_856 = arith.andi %ne3A_855, %ne3A_850 : i1
      %add3A_857 = arith.addi %rem3A_848, %select_n3A_847 : i32
      %select_n3A_858 = arith.select %and3A_856, %add3A_857, %rem3A_848 : i32
      %jit3A_859 = arith.constant 4 : i32
      %eq3A_860 = arith.constant 0 : i32
      %eq3A_861 = arith.cmpi eq, %jit3A_859, %eq3A_860 : i32
      %jit3A_862 = arith.constant 1 : i32
      %select_n3A_863 = arith.select %eq3A_861, %jit3A_862, %jit3A_859 : i32
      %rem3A_864 = arith.remsi %add3A_379, %select_n3A_863 : i32
      %ne3A_865 = arith.constant 0 : i32
      %ne3A_866 = arith.cmpi ne, %rem3A_864, %ne3A_865 : i32
      %lt3A_867 = arith.constant 0 : i32
      %lt3A_868 = arith.cmpi slt, %rem3A_864, %lt3A_867 : i32
      %lt3A_869 = arith.constant 0 : i32
      %lt3A_870 = arith.cmpi slt, %select_n3A_863, %lt3A_869 : i32
      %ne3A_871 = arith.xori %lt3A_868, %lt3A_870 : i1
      %and3A_872 = arith.andi %ne3A_871, %ne3A_866 : i1
      %add3A_873 = arith.addi %rem3A_864, %select_n3A_863 : i32
      %select_n3A_874 = arith.select %and3A_872, %add3A_873, %rem3A_864 : i32
      %mul3A_875 = arith.constant 128 : i32
      %mul3A_876 = arith.muli %select_n3A_874, %mul3A_875 : i32
      %dma_wait3A_877 = arith.constant 5 : i32
      %dma_wait3A_878 = arith.constant 5 : i32
      %dma_wait3A_879 = arith.constant 0 : i32
      %dma_wait3A_880 = arith.constant 0 : i32
      %dma_wait3A_881 = tpu.memref_slice %arg6[%select_n3A_473, %dma_wait3A_878, %dma_wait3A_879, %dma_wait3A_880] : memref<2x9x128x16xf32, #tpu.memory_space<vmem>> -> memref<1x1x128x16xf32, #tpu.memory_space<vmem>>
      %dma_wait3A_882 = tpu.memref_squeeze %dma_wait3A_881 : memref<1x1x128x16xf32, #tpu.memory_space<vmem>> -> memref<128x16xf32, #tpu.memory_space<vmem>>
      %dma_wait3A_883 = tpu.memref_slice %arg5[%select_n3A_457, %dma_wait3A_877, %select_n3A_858, %mul3A_876] : memref<2x9x2x512xi32, #tpu.memory_space<vmem>> -> memref<1x1x1x128xi32, #tpu.memory_space<vmem>>
      %dma_wait3A_884 = tpu.memref_squeeze %dma_wait3A_883 : memref<1x1x1x128xi32, #tpu.memory_space<vmem>> -> memref<128xi32, #tpu.memory_space<vmem>>
      %dma_wait3A_885 = arith.constant 0 : i32
      %dma_wait3A_886 = arith.constant 0 : i32
      %dma_wait3A_887 = tpu.memref_slice %arg2[%dma_wait3A_885, %dma_wait3A_886] : memref<349184x16xf32, #tpu.memory_space<hbm>> -> memref<349184x16xf32, #tpu.memory_space<hbm>>
      tpu.wait_indirect_dma semaphore(%arg8 : memref<!tpu.dma_semaphore, #tpu.memory_space<semaphore_mem>>) src(%dma_wait3A_887 : memref<349184x16xf32, #tpu.memory_space<hbm>>) dst(%dma_wait3A_882 : memref<128x16xf32, #tpu.memory_space<vmem>>)
      %jit3A_888 = arith.constant 4 : i32
      %div3A_889 = arith.divsi %add3A_379, %jit3A_888 : i32
      %sign3A_890 = arith.constant 0 : i32
      %sign3A_891 = arith.cmpi sgt, %add3A_379, %sign3A_890 : i32
      %sign3A_892 = arith.extui %sign3A_891 : i1 to i32
      %sign3A_893 = arith.constant 0 : i32
      %sign3A_894 = arith.cmpi slt, %add3A_379, %sign3A_893 : i32
      %sign3A_895 = arith.extui %sign3A_894 : i1 to i32
      %sign3A_896 = arith.subi %sign3A_892, %sign3A_895 : i32
      %sign3A_897 = arith.constant 0 : i32
      %sign3A_898 = arith.cmpi sgt, %jit3A_888, %sign3A_897 : i32
      %sign3A_899 = arith.extui %sign3A_898 : i1 to i32
      %sign3A_900 = arith.constant 0 : i32
      %sign3A_901 = arith.cmpi slt, %jit3A_888, %sign3A_900 : i32
      %sign3A_902 = arith.extui %sign3A_901 : i1 to i32
      %sign3A_903 = arith.subi %sign3A_899, %sign3A_902 : i32
      %ne3A_904 = arith.cmpi ne, %sign3A_896, %sign3A_903 : i32
      %rem3A_905 = arith.remsi %add3A_379, %jit3A_888 : i32
      %ne3A_906 = arith.constant 0 : i32
      %ne3A_907 = arith.cmpi ne, %rem3A_905, %ne3A_906 : i32
      %and3A_908 = arith.andi %ne3A_904, %ne3A_907 : i1
      %sub3A_909 = arith.constant 1 : i32
      %sub3A_910 = arith.subi %div3A_889, %sub3A_909 : i32
      %select_n3A_911 = arith.select %and3A_908, %sub3A_910, %div3A_889 : i32
      %jit3A_912 = arith.constant 2 : i32
      %eq3A_913 = arith.constant 0 : i32
      %eq3A_914 = arith.cmpi eq, %jit3A_912, %eq3A_913 : i32
      %jit3A_915 = arith.constant 1 : i32
      %select_n3A_916 = arith.select %eq3A_914, %jit3A_915, %jit3A_912 : i32
      %rem3A_917 = arith.remsi %select_n3A_911, %select_n3A_916 : i32
      %ne3A_918 = arith.constant 0 : i32
      %ne3A_919 = arith.cmpi ne, %rem3A_917, %ne3A_918 : i32
      %lt3A_920 = arith.constant 0 : i32
      %lt3A_921 = arith.cmpi slt, %rem3A_917, %lt3A_920 : i32
      %lt3A_922 = arith.constant 0 : i32
      %lt3A_923 = arith.cmpi slt, %select_n3A_916, %lt3A_922 : i32
      %ne3A_924 = arith.xori %lt3A_921, %lt3A_923 : i1
      %and3A_925 = arith.andi %ne3A_924, %ne3A_919 : i1
      %add3A_926 = arith.addi %rem3A_917, %select_n3A_916 : i32
      %select_n3A_927 = arith.select %and3A_925, %add3A_926, %rem3A_917 : i32
      %jit3A_928 = arith.constant 4 : i32
      %eq3A_929 = arith.constant 0 : i32
      %eq3A_930 = arith.cmpi eq, %jit3A_928, %eq3A_929 : i32
      %jit3A_931 = arith.constant 1 : i32
      %select_n3A_932 = arith.select %eq3A_930, %jit3A_931, %jit3A_928 : i32
      %rem3A_933 = arith.remsi %add3A_379, %select_n3A_932 : i32
      %ne3A_934 = arith.constant 0 : i32
      %ne3A_935 = arith.cmpi ne, %rem3A_933, %ne3A_934 : i32
      %lt3A_936 = arith.constant 0 : i32
      %lt3A_937 = arith.cmpi slt, %rem3A_933, %lt3A_936 : i32
      %lt3A_938 = arith.constant 0 : i32
      %lt3A_939 = arith.cmpi slt, %select_n3A_932, %lt3A_938 : i32
      %ne3A_940 = arith.xori %lt3A_937, %lt3A_939 : i1
      %and3A_941 = arith.andi %ne3A_940, %ne3A_935 : i1
      %add3A_942 = arith.addi %rem3A_933, %select_n3A_932 : i32
      %select_n3A_943 = arith.select %and3A_941, %add3A_942, %rem3A_933 : i32
      %mul3A_944 = arith.constant 128 : i32
      %mul3A_945 = arith.muli %select_n3A_943, %mul3A_944 : i32
      %dma_wait3A_946 = arith.constant 6 : i32
      %dma_wait3A_947 = arith.constant 6 : i32
      %dma_wait3A_948 = arith.constant 0 : i32
      %dma_wait3A_949 = arith.constant 0 : i32
      %dma_wait3A_950 = tpu.memref_slice %arg6[%select_n3A_473, %dma_wait3A_947, %dma_wait3A_948, %dma_wait3A_949] : memref<2x9x128x16xf32, #tpu.memory_space<vmem>> -> memref<1x1x128x16xf32, #tpu.memory_space<vmem>>
      %dma_wait3A_951 = tpu.memref_squeeze %dma_wait3A_950 : memref<1x1x128x16xf32, #tpu.memory_space<vmem>> -> memref<128x16xf32, #tpu.memory_space<vmem>>
      %dma_wait3A_952 = tpu.memref_slice %arg5[%select_n3A_457, %dma_wait3A_946, %select_n3A_927, %mul3A_945] : memref<2x9x2x512xi32, #tpu.memory_space<vmem>> -> memref<1x1x1x128xi32, #tpu.memory_space<vmem>>
      %dma_wait3A_953 = tpu.memref_squeeze %dma_wait3A_952 : memref<1x1x1x128xi32, #tpu.memory_space<vmem>> -> memref<128xi32, #tpu.memory_space<vmem>>
      %dma_wait3A_954 = arith.constant 0 : i32
      %dma_wait3A_955 = arith.constant 0 : i32
      %dma_wait3A_956 = tpu.memref_slice %arg2[%dma_wait3A_954, %dma_wait3A_955] : memref<349184x16xf32, #tpu.memory_space<hbm>> -> memref<349184x16xf32, #tpu.memory_space<hbm>>
      tpu.wait_indirect_dma semaphore(%arg8 : memref<!tpu.dma_semaphore, #tpu.memory_space<semaphore_mem>>) src(%dma_wait3A_956 : memref<349184x16xf32, #tpu.memory_space<hbm>>) dst(%dma_wait3A_951 : memref<128x16xf32, #tpu.memory_space<vmem>>)
      %jit3A_957 = arith.constant 4 : i32
      %div3A_958 = arith.divsi %add3A_379, %jit3A_957 : i32
      %sign3A_959 = arith.constant 0 : i32
      %sign3A_960 = arith.cmpi sgt, %add3A_379, %sign3A_959 : i32
      %sign3A_961 = arith.extui %sign3A_960 : i1 to i32
      %sign3A_962 = arith.constant 0 : i32
      %sign3A_963 = arith.cmpi slt, %add3A_379, %sign3A_962 : i32
      %sign3A_964 = arith.extui %sign3A_963 : i1 to i32
      %sign3A_965 = arith.subi %sign3A_961, %sign3A_964 : i32
      %sign3A_966 = arith.constant 0 : i32
      %sign3A_967 = arith.cmpi sgt, %jit3A_957, %sign3A_966 : i32
      %sign3A_968 = arith.extui %sign3A_967 : i1 to i32
      %sign3A_969 = arith.constant 0 : i32
      %sign3A_970 = arith.cmpi slt, %jit3A_957, %sign3A_969 : i32
      %sign3A_971 = arith.extui %sign3A_970 : i1 to i32
      %sign3A_972 = arith.subi %sign3A_968, %sign3A_971 : i32
      %ne3A_973 = arith.cmpi ne, %sign3A_965, %sign3A_972 : i32
      %rem3A_974 = arith.remsi %add3A_379, %jit3A_957 : i32
      %ne3A_975 = arith.constant 0 : i32
      %ne3A_976 = arith.cmpi ne, %rem3A_974, %ne3A_975 : i32
      %and3A_977 = arith.andi %ne3A_973, %ne3A_976 : i1
      %sub3A_978 = arith.constant 1 : i32
      %sub3A_979 = arith.subi %div3A_958, %sub3A_978 : i32
      %select_n3A_980 = arith.select %and3A_977, %sub3A_979, %div3A_958 : i32
      %jit3A_981 = arith.constant 2 : i32
      %eq3A_982 = arith.constant 0 : i32
      %eq3A_983 = arith.cmpi eq, %jit3A_981, %eq3A_982 : i32
      %jit3A_984 = arith.constant 1 : i32
      %select_n3A_985 = arith.select %eq3A_983, %jit3A_984, %jit3A_981 : i32
      %rem3A_986 = arith.remsi %select_n3A_980, %select_n3A_985 : i32
      %ne3A_987 = arith.constant 0 : i32
      %ne3A_988 = arith.cmpi ne, %rem3A_986, %ne3A_987 : i32
      %lt3A_989 = arith.constant 0 : i32
      %lt3A_990 = arith.cmpi slt, %rem3A_986, %lt3A_989 : i32
      %lt3A_991 = arith.constant 0 : i32
      %lt3A_992 = arith.cmpi slt, %select_n3A_985, %lt3A_991 : i32
      %ne3A_993 = arith.xori %lt3A_990, %lt3A_992 : i1
      %and3A_994 = arith.andi %ne3A_993, %ne3A_988 : i1
      %add3A_995 = arith.addi %rem3A_986, %select_n3A_985 : i32
      %select_n3A_996 = arith.select %and3A_994, %add3A_995, %rem3A_986 : i32
      %jit3A_997 = arith.constant 4 : i32
      %eq3A_998 = arith.constant 0 : i32
      %eq3A_999 = arith.cmpi eq, %jit3A_997, %eq3A_998 : i32
      %jit3A_1000 = arith.constant 1 : i32
      %select_n3A_1001 = arith.select %eq3A_999, %jit3A_1000, %jit3A_997 : i32
      %rem3A_1002 = arith.remsi %add3A_379, %select_n3A_1001 : i32
      %ne3A_1003 = arith.constant 0 : i32
      %ne3A_1004 = arith.cmpi ne, %rem3A_1002, %ne3A_1003 : i32
      %lt3A_1005 = arith.constant 0 : i32
      %lt3A_1006 = arith.cmpi slt, %rem3A_1002, %lt3A_1005 : i32
      %lt3A_1007 = arith.constant 0 : i32
      %lt3A_1008 = arith.cmpi slt, %select_n3A_1001, %lt3A_1007 : i32
      %ne3A_1009 = arith.xori %lt3A_1006, %lt3A_1008 : i1
      %and3A_1010 = arith.andi %ne3A_1009, %ne3A_1004 : i1
      %add3A_1011 = arith.addi %rem3A_1002, %select_n3A_1001 : i32
      %select_n3A_1012 = arith.select %and3A_1010, %add3A_1011, %rem3A_1002 : i32
      %mul3A_1013 = arith.constant 128 : i32
      %mul3A_1014 = arith.muli %select_n3A_1012, %mul3A_1013 : i32
      %dma_wait3A_1015 = arith.constant 7 : i32
      %dma_wait3A_1016 = arith.constant 7 : i32
      %dma_wait3A_1017 = arith.constant 0 : i32
      %dma_wait3A_1018 = arith.constant 0 : i32
      %dma_wait3A_1019 = tpu.memref_slice %arg6[%select_n3A_473, %dma_wait3A_1016, %dma_wait3A_1017, %dma_wait3A_1018] : memref<2x9x128x16xf32, #tpu.memory_space<vmem>> -> memref<1x1x128x16xf32, #tpu.memory_space<vmem>>
      %dma_wait3A_1020 = tpu.memref_squeeze %dma_wait3A_1019 : memref<1x1x128x16xf32, #tpu.memory_space<vmem>> -> memref<128x16xf32, #tpu.memory_space<vmem>>
      %dma_wait3A_1021 = tpu.memref_slice %arg5[%select_n3A_457, %dma_wait3A_1015, %select_n3A_996, %mul3A_1014] : memref<2x9x2x512xi32, #tpu.memory_space<vmem>> -> memref<1x1x1x128xi32, #tpu.memory_space<vmem>>
      %dma_wait3A_1022 = tpu.memref_squeeze %dma_wait3A_1021 : memref<1x1x1x128xi32, #tpu.memory_space<vmem>> -> memref<128xi32, #tpu.memory_space<vmem>>
      %dma_wait3A_1023 = arith.constant 0 : i32
      %dma_wait3A_1024 = arith.constant 0 : i32
      %dma_wait3A_1025 = tpu.memref_slice %arg2[%dma_wait3A_1023, %dma_wait3A_1024] : memref<349184x16xf32, #tpu.memory_space<hbm>> -> memref<349184x16xf32, #tpu.memory_space<hbm>>
      tpu.wait_indirect_dma semaphore(%arg8 : memref<!tpu.dma_semaphore, #tpu.memory_space<semaphore_mem>>) src(%dma_wait3A_1025 : memref<349184x16xf32, #tpu.memory_space<hbm>>) dst(%dma_wait3A_1020 : memref<128x16xf32, #tpu.memory_space<vmem>>)
      %jit3A_1026 = arith.constant 4 : i32
      %div3A_1027 = arith.divsi %add3A_379, %jit3A_1026 : i32
      %sign3A_1028 = arith.constant 0 : i32
      %sign3A_1029 = arith.cmpi sgt, %add3A_379, %sign3A_1028 : i32
      %sign3A_1030 = arith.extui %sign3A_1029 : i1 to i32
      %sign3A_1031 = arith.constant 0 : i32
      %sign3A_1032 = arith.cmpi slt, %add3A_379, %sign3A_1031 : i32
      %sign3A_1033 = arith.extui %sign3A_1032 : i1 to i32
      %sign3A_1034 = arith.subi %sign3A_1030, %sign3A_1033 : i32
      %sign3A_1035 = arith.constant 0 : i32
      %sign3A_1036 = arith.cmpi sgt, %jit3A_1026, %sign3A_1035 : i32
      %sign3A_1037 = arith.extui %sign3A_1036 : i1 to i32
      %sign3A_1038 = arith.constant 0 : i32
      %sign3A_1039 = arith.cmpi slt, %jit3A_1026, %sign3A_1038 : i32
      %sign3A_1040 = arith.extui %sign3A_1039 : i1 to i32
      %sign3A_1041 = arith.subi %sign3A_1037, %sign3A_1040 : i32
      %ne3A_1042 = arith.cmpi ne, %sign3A_1034, %sign3A_1041 : i32
      %rem3A_1043 = arith.remsi %add3A_379, %jit3A_1026 : i32
      %ne3A_1044 = arith.constant 0 : i32
      %ne3A_1045 = arith.cmpi ne, %rem3A_1043, %ne3A_1044 : i32
      %and3A_1046 = arith.andi %ne3A_1042, %ne3A_1045 : i1
      %sub3A_1047 = arith.constant 1 : i32
      %sub3A_1048 = arith.subi %div3A_1027, %sub3A_1047 : i32
      %select_n3A_1049 = arith.select %and3A_1046, %sub3A_1048, %div3A_1027 : i32
      %jit3A_1050 = arith.constant 2 : i32
      %eq3A_1051 = arith.constant 0 : i32
      %eq3A_1052 = arith.cmpi eq, %jit3A_1050, %eq3A_1051 : i32
      %jit3A_1053 = arith.constant 1 : i32
      %select_n3A_1054 = arith.select %eq3A_1052, %jit3A_1053, %jit3A_1050 : i32
      %rem3A_1055 = arith.remsi %select_n3A_1049, %select_n3A_1054 : i32
      %ne3A_1056 = arith.constant 0 : i32
      %ne3A_1057 = arith.cmpi ne, %rem3A_1055, %ne3A_1056 : i32
      %lt3A_1058 = arith.constant 0 : i32
      %lt3A_1059 = arith.cmpi slt, %rem3A_1055, %lt3A_1058 : i32
      %lt3A_1060 = arith.constant 0 : i32
      %lt3A_1061 = arith.cmpi slt, %select_n3A_1054, %lt3A_1060 : i32
      %ne3A_1062 = arith.xori %lt3A_1059, %lt3A_1061 : i1
      %and3A_1063 = arith.andi %ne3A_1062, %ne3A_1057 : i1
      %add3A_1064 = arith.addi %rem3A_1055, %select_n3A_1054 : i32
      %select_n3A_1065 = arith.select %and3A_1063, %add3A_1064, %rem3A_1055 : i32
      %jit3A_1066 = arith.constant 4 : i32
      %eq3A_1067 = arith.constant 0 : i32
      %eq3A_1068 = arith.cmpi eq, %jit3A_1066, %eq3A_1067 : i32
      %jit3A_1069 = arith.constant 1 : i32
      %select_n3A_1070 = arith.select %eq3A_1068, %jit3A_1069, %jit3A_1066 : i32
      %rem3A_1071 = arith.remsi %add3A_379, %select_n3A_1070 : i32
      %ne3A_1072 = arith.constant 0 : i32
      %ne3A_1073 = arith.cmpi ne, %rem3A_1071, %ne3A_1072 : i32
      %lt3A_1074 = arith.constant 0 : i32
      %lt3A_1075 = arith.cmpi slt, %rem3A_1071, %lt3A_1074 : i32
      %lt3A_1076 = arith.constant 0 : i32
      %lt3A_1077 = arith.cmpi slt, %select_n3A_1070, %lt3A_1076 : i32
      %ne3A_1078 = arith.xori %lt3A_1075, %lt3A_1077 : i1
      %and3A_1079 = arith.andi %ne3A_1078, %ne3A_1073 : i1
      %add3A_1080 = arith.addi %rem3A_1071, %select_n3A_1070 : i32
      %select_n3A_1081 = arith.select %and3A_1079, %add3A_1080, %rem3A_1071 : i32
      %mul3A_1082 = arith.constant 128 : i32
      %mul3A_1083 = arith.muli %select_n3A_1081, %mul3A_1082 : i32
      %dma_wait3A_1084 = arith.constant 8 : i32
      %dma_wait3A_1085 = arith.constant 8 : i32
      %dma_wait3A_1086 = arith.constant 0 : i32
      %dma_wait3A_1087 = arith.constant 0 : i32
      %dma_wait3A_1088 = tpu.memref_slice %arg6[%select_n3A_473, %dma_wait3A_1085, %dma_wait3A_1086, %dma_wait3A_1087] : memref<2x9x128x16xf32, #tpu.memory_space<vmem>> -> memref<1x1x128x16xf32, #tpu.memory_space<vmem>>
      %dma_wait3A_1089 = tpu.memref_squeeze %dma_wait3A_1088 : memref<1x1x128x16xf32, #tpu.memory_space<vmem>> -> memref<128x16xf32, #tpu.memory_space<vmem>>
      %dma_wait3A_1090 = tpu.memref_slice %arg5[%select_n3A_457, %dma_wait3A_1084, %select_n3A_1065, %mul3A_1083] : memref<2x9x2x512xi32, #tpu.memory_space<vmem>> -> memref<1x1x1x128xi32, #tpu.memory_space<vmem>>
      %dma_wait3A_1091 = tpu.memref_squeeze %dma_wait3A_1090 : memref<1x1x1x128xi32, #tpu.memory_space<vmem>> -> memref<128xi32, #tpu.memory_space<vmem>>
      %dma_wait3A_1092 = arith.constant 0 : i32
      %dma_wait3A_1093 = arith.constant 0 : i32
      %dma_wait3A_1094 = tpu.memref_slice %arg2[%dma_wait3A_1092, %dma_wait3A_1093] : memref<349184x16xf32, #tpu.memory_space<hbm>> -> memref<349184x16xf32, #tpu.memory_space<hbm>>
      tpu.wait_indirect_dma semaphore(%arg8 : memref<!tpu.dma_semaphore, #tpu.memory_space<semaphore_mem>>) src(%dma_wait3A_1094 : memref<349184x16xf32, #tpu.memory_space<hbm>>) dst(%dma_wait3A_1089 : memref<128x16xf32, #tpu.memory_space<vmem>>)
      %add3A_1095 = arith.constant 8 : i32
      %add3A_1096 = arith.addi %add3A_381, %add3A_1095 : i32
      %lt3A_1097 = arith.constant 64 : i32
      %lt3A_1098 = arith.cmpi slt, %add3A_1096, %lt3A_1097 : i32
      %and3A_1099 = arith.andi %and3A_416, %lt3A_1098 : i1
      %convert_element_type3A_1100 = arith.extui %and3A_1099 : i1 to i32
      %cond3A_1101 = arith.constant 0 : i32
      %cond3A_1102 = arith.cmpi ne, %convert_element_type3A_1100, %cond3A_1101 : i32
      scf.if %cond3A_1102 {
        %add3A_1650 = arith.constant 8 : i32
        %add3A_1651 = arith.addi %add3A_381, %add3A_1650 : i32
        %jit3A_1652 = arith.constant 4 : i32
        %div3A_1653 = arith.divsi %add3A_1651, %jit3A_1652 : i32
        %sign3A_1654 = arith.constant 0 : i32
        %sign3A_1655 = arith.cmpi sgt, %add3A_1651, %sign3A_1654 : i32
        %sign3A_1656 = arith.extui %sign3A_1655 : i1 to i32
        %sign3A_1657 = arith.constant 0 : i32
        %sign3A_1658 = arith.cmpi slt, %add3A_1651, %sign3A_1657 : i32
        %sign3A_1659 = arith.extui %sign3A_1658 : i1 to i32
        %sign3A_1660 = arith.subi %sign3A_1656, %sign3A_1659 : i32
        %sign3A_1661 = arith.constant 0 : i32
        %sign3A_1662 = arith.cmpi sgt, %jit3A_1652, %sign3A_1661 : i32
        %sign3A_1663 = arith.extui %sign3A_1662 : i1 to i32
        %sign3A_1664 = arith.constant 0 : i32
        %sign3A_1665 = arith.cmpi slt, %jit3A_1652, %sign3A_1664 : i32
        %sign3A_1666 = arith.extui %sign3A_1665 : i1 to i32
        %sign3A_1667 = arith.subi %sign3A_1663, %sign3A_1666 : i32
        %ne3A_1668 = arith.cmpi ne, %sign3A_1660, %sign3A_1667 : i32
        %rem3A_1669 = arith.remsi %add3A_1651, %jit3A_1652 : i32
        %ne3A_1670 = arith.constant 0 : i32
        %ne3A_1671 = arith.cmpi ne, %rem3A_1669, %ne3A_1670 : i32
        %and3A_1672 = arith.andi %ne3A_1668, %ne3A_1671 : i1
        %sub3A_1673 = arith.constant 1 : i32
        %sub3A_1674 = arith.subi %div3A_1653, %sub3A_1673 : i32
        %select_n3A_1675 = arith.select %and3A_1672, %sub3A_1674, %div3A_1653 : i32
        %add3A_1676 = arith.constant 1 : i32
        %add3A_1677 = arith.addi %select_n3A, %add3A_1676 : i32
        %jit3A_1678 = arith.constant 2 : i32
        %eq3A_1679 = arith.constant 0 : i32
        %eq3A_1680 = arith.cmpi eq, %jit3A_1678, %eq3A_1679 : i32
        %jit3A_1681 = arith.constant 1 : i32
        %select_n3A_1682 = arith.select %eq3A_1680, %jit3A_1681, %jit3A_1678 : i32
        %rem3A_1683 = arith.remsi %add3A_1677, %select_n3A_1682 : i32
        %ne3A_1684 = arith.constant 0 : i32
        %ne3A_1685 = arith.cmpi ne, %rem3A_1683, %ne3A_1684 : i32
        %lt3A_1686 = arith.constant 0 : i32
        %lt3A_1687 = arith.cmpi slt, %rem3A_1683, %lt3A_1686 : i32
        %lt3A_1688 = arith.constant 0 : i32
        %lt3A_1689 = arith.cmpi slt, %select_n3A_1682, %lt3A_1688 : i32
        %ne3A_1690 = arith.xori %lt3A_1687, %lt3A_1689 : i1
        %and3A_1691 = arith.andi %ne3A_1690, %ne3A_1685 : i1
        %add3A_1692 = arith.addi %rem3A_1683, %select_n3A_1682 : i32
        %select_n3A_1693 = arith.select %and3A_1691, %add3A_1692, %rem3A_1683 : i32
        %add3A_1694 = arith.addi %mul3A_2, %select_n3A_1675 : i32
        %dma_start3A_1695 = arith.constant 0 : i32
        %dma_start3A_1696 = arith.constant 0 : i32
        %dma_start3A_1697 = arith.constant 0 : i32
        %dma_start3A_1698 = tpu.memref_slice %arg5[%select_n3A_1693, %dma_start3A_1695, %dma_start3A_1696, %dma_start3A_1697] : memref<2x9x2x512xi32, #tpu.memory_space<vmem>> -> memref<1x9x2x512xi32, #tpu.memory_space<vmem>>
        %dma_start3A_1699 = tpu.memref_squeeze %dma_start3A_1698 : memref<1x9x2x512xi32, #tpu.memory_space<vmem>> -> memref<9x2x512xi32, #tpu.memory_space<vmem>>
        %dma_start3A_1700 = arith.constant 0 : i32
        %dma_start3A_1701 = arith.constant 0 : i32
        %dma_start3A_1702 = tpu.memref_slice %arg3[%dma_start3A_1700, %add3A_1694, %dma_start3A_1701] : memref<9x512x512xi32, #tpu.memory_space<hbm>> -> memref<9x2x512xi32, #tpu.memory_space<hbm>>
        %dma_start3A_1703 = arith.constant 0 : i32
        %dma_start3A_1704 = arith.constant 0 : i32
        %dma_start3A_1705 = arith.constant 0 : i32
        %dma_start3A_1706 = tpu.memref_slice %arg5[%select_n3A_1693, %dma_start3A_1703, %dma_start3A_1704, %dma_start3A_1705] : memref<2x9x2x512xi32, #tpu.memory_space<vmem>> -> memref<1x9x2x512xi32, #tpu.memory_space<vmem>>
        %dma_start3A_1707 = tpu.memref_squeeze %dma_start3A_1706 : memref<1x9x2x512xi32, #tpu.memory_space<vmem>> -> memref<9x2x512xi32, #tpu.memory_space<vmem>>
        %dma_start3A_1708 = arith.constant 0 : i32
        %dma_start3A_1709 = arith.constant 0 : i32
        %dma_start3A_1710 = tpu.memref_slice %arg3[%dma_start3A_1708, %add3A_1694, %dma_start3A_1709] : memref<9x512x512xi32, #tpu.memory_space<hbm>> -> memref<9x2x512xi32, #tpu.memory_space<hbm>>
        tpu.enqueue_dma source(%dma_start3A_1710 : memref<9x2x512xi32, #tpu.memory_space<hbm>>) target(%dma_start3A_1707 : memref<9x2x512xi32, #tpu.memory_space<vmem>>) target_semaphore(%arg7 : memref<!tpu.dma_semaphore, #tpu.memory_space<semaphore_mem>>)
      } else {
      }
      %ge3A = arith.constant 1 : i32
      %ge3A_1103 = arith.cmpi sge, %add3A_379, %ge3A : i32
      %convert_element_type3A_1104 = arith.extui %ge3A_1103 : i1 to i32
      %cond3A_1105 = arith.constant 0 : i32
      %cond3A_1106 = arith.cmpi ne, %convert_element_type3A_1104, %cond3A_1105 : i32
      scf.if %cond3A_1106 {
        %sub3A_1650 = arith.constant 1 : i32
        %sub3A_1651 = arith.subi %add3A_379, %sub3A_1650 : i32
        %sub3A_1652 = arith.constant 1 : i32
        %sub3A_1653 = arith.subi %add3A_379, %sub3A_1652 : i32
        %jit3A_1654 = arith.constant 2 : i32
        %eq3A_1655 = arith.constant 0 : i32
        %eq3A_1656 = arith.cmpi eq, %jit3A_1654, %eq3A_1655 : i32
        %jit3A_1657 = arith.constant 1 : i32
        %select_n3A_1658 = arith.select %eq3A_1656, %jit3A_1657, %jit3A_1654 : i32
        %rem3A_1659 = arith.remsi %sub3A_1653, %select_n3A_1658 : i32
        %ne3A_1660 = arith.constant 0 : i32
        %ne3A_1661 = arith.cmpi ne, %rem3A_1659, %ne3A_1660 : i32
        %lt3A_1662 = arith.constant 0 : i32
        %lt3A_1663 = arith.cmpi slt, %rem3A_1659, %lt3A_1662 : i32
        %lt3A_1664 = arith.constant 0 : i32
        %lt3A_1665 = arith.cmpi slt, %select_n3A_1658, %lt3A_1664 : i32
        %ne3A_1666 = arith.xori %lt3A_1663, %lt3A_1665 : i1
        %and3A_1667 = arith.andi %ne3A_1666, %ne3A_1661 : i1
        %add3A_1668 = arith.addi %rem3A_1659, %select_n3A_1658 : i32
        %select_n3A_1669 = arith.select %and3A_1667, %add3A_1668, %rem3A_1659 : i32
        %jit3A_1670 = arith.constant 4 : i32
        %div3A_1671 = arith.divsi %sub3A_1651, %jit3A_1670 : i32
        %sign3A_1672 = arith.constant 0 : i32
        %sign3A_1673 = arith.cmpi sgt, %sub3A_1651, %sign3A_1672 : i32
        %sign3A_1674 = arith.extui %sign3A_1673 : i1 to i32
        %sign3A_1675 = arith.constant 0 : i32
        %sign3A_1676 = arith.cmpi slt, %sub3A_1651, %sign3A_1675 : i32
        %sign3A_1677 = arith.extui %sign3A_1676 : i1 to i32
        %sign3A_1678 = arith.subi %sign3A_1674, %sign3A_1677 : i32
        %sign3A_1679 = arith.constant 0 : i32
        %sign3A_1680 = arith.cmpi sgt, %jit3A_1670, %sign3A_1679 : i32
        %sign3A_1681 = arith.extui %sign3A_1680 : i1 to i32
        %sign3A_1682 = arith.constant 0 : i32
        %sign3A_1683 = arith.cmpi slt, %jit3A_1670, %sign3A_1682 : i32
        %sign3A_1684 = arith.extui %sign3A_1683 : i1 to i32
        %sign3A_1685 = arith.subi %sign3A_1681, %sign3A_1684 : i32
        %ne3A_1686 = arith.cmpi ne, %sign3A_1678, %sign3A_1685 : i32
        %rem3A_1687 = arith.remsi %sub3A_1651, %jit3A_1670 : i32
        %ne3A_1688 = arith.constant 0 : i32
        %ne3A_1689 = arith.cmpi ne, %rem3A_1687, %ne3A_1688 : i32
        %and3A_1690 = arith.andi %ne3A_1686, %ne3A_1689 : i1
        %sub3A_1691 = arith.constant 1 : i32
        %sub3A_1692 = arith.subi %div3A_1671, %sub3A_1691 : i32
        %select_n3A_1693 = arith.select %and3A_1690, %sub3A_1692, %div3A_1671 : i32
        %add3A_1694 = arith.addi %mul3A_2, %select_n3A_1693 : i32
        %jit3A_1695 = arith.constant 4 : i32
        %eq3A_1696 = arith.constant 0 : i32
        %eq3A_1697 = arith.cmpi eq, %jit3A_1695, %eq3A_1696 : i32
        %jit3A_1698 = arith.constant 1 : i32
        %select_n3A_1699 = arith.select %eq3A_1697, %jit3A_1698, %jit3A_1695 : i32
        %rem3A_1700 = arith.remsi %sub3A_1651, %select_n3A_1699 : i32
        %ne3A_1701 = arith.constant 0 : i32
        %ne3A_1702 = arith.cmpi ne, %rem3A_1700, %ne3A_1701 : i32
        %lt3A_1703 = arith.constant 0 : i32
        %lt3A_1704 = arith.cmpi slt, %rem3A_1700, %lt3A_1703 : i32
        %lt3A_1705 = arith.constant 0 : i32
        %lt3A_1706 = arith.cmpi slt, %select_n3A_1699, %lt3A_1705 : i32
        %ne3A_1707 = arith.xori %lt3A_1704, %lt3A_1706 : i1
        %and3A_1708 = arith.andi %ne3A_1707, %ne3A_1702 : i1
        %add3A_1709 = arith.addi %rem3A_1700, %select_n3A_1699 : i32
        %select_n3A_1710 = arith.select %and3A_1708, %add3A_1709, %rem3A_1700 : i32
        %mul3A_1711 = arith.constant 128 : i32
        %mul3A_1712 = arith.muli %select_n3A_1710, %mul3A_1711 : i32
        %dma_wait3A_1713 = arith.constant 0 : i32
        %dma_wait3A_1714 = arith.constant 0 : i32
        %dma_wait3A_1715 = arith.constant 0 : i32
        %dma_wait3A_1716 = tpu.memref_slice %arg6[%select_n3A_1669, %dma_wait3A_1713, %dma_wait3A_1714, %dma_wait3A_1715] : memref<2x9x128x16xf32, #tpu.memory_space<vmem>> -> memref<1x1x128x16xf32, #tpu.memory_space<vmem>>
        %dma_wait3A_1717 = tpu.memref_squeeze %dma_wait3A_1716 : memref<1x1x128x16xf32, #tpu.memory_space<vmem>> -> memref<128x16xf32, #tpu.memory_space<vmem>>
        %dma_wait3A_1718 = arith.constant 0 : i32
        %dma_wait3A_1719 = tpu.memref_slice %arg4[%add3A_1694, %mul3A_1712, %dma_wait3A_1718] : memref<512x512x144xf32, #tpu.memory_space<hbm>> -> memref<1x128x16xf32, #tpu.memory_space<hbm>>
        %dma_wait3A_1720 = tpu.memref_squeeze %dma_wait3A_1719 : memref<1x128x16xf32, #tpu.memory_space<hbm>> -> memref<128x16xf32, #tpu.memory_space<hbm>>
        %dma_wait3A_1721 = arith.constant 0 : i32
        %dma_wait3A_1722 = tpu.memref_slice %arg4[%add3A_1694, %mul3A_1712, %dma_wait3A_1721] : memref<512x512x144xf32, #tpu.memory_space<hbm>> -> memref<1x128x16xf32, #tpu.memory_space<hbm>>
        %dma_wait3A_1723 = tpu.memref_squeeze %dma_wait3A_1722 : memref<1x128x16xf32, #tpu.memory_space<hbm>> -> memref<128x16xf32, #tpu.memory_space<hbm>>
        %dma_wait3A_1724 = arith.constant 0 : i32
        %dma_wait3A_1725 = arith.constant 0 : i32
        %dma_wait3A_1726 = tpu.memref_slice %arg6[%select_n3A_1669, %dma_wait3A_1713, %dma_wait3A_1724, %dma_wait3A_1725] : memref<2x9x128x16xf32, #tpu.memory_space<vmem>> -> memref<1x1x128x16xf32, #tpu.memory_space<vmem>>
        %dma_wait3A_1727 = tpu.memref_squeeze %dma_wait3A_1726 : memref<1x1x128x16xf32, #tpu.memory_space<vmem>> -> memref<128x16xf32, #tpu.memory_space<vmem>>
        tpu.wait_dma2 semaphore(%arg9 : memref<!tpu.dma_semaphore, #tpu.memory_space<semaphore_mem>>) src(%dma_wait3A_1727 : memref<128x16xf32, #tpu.memory_space<vmem>>) dst(%dma_wait3A_1723 : memref<128x16xf32, #tpu.memory_space<hbm>>)
        %jit3A_1728 = arith.constant 4 : i32
        %div3A_1729 = arith.divsi %sub3A_1651, %jit3A_1728 : i32
        %sign3A_1730 = arith.constant 0 : i32
        %sign3A_1731 = arith.cmpi sgt, %sub3A_1651, %sign3A_1730 : i32
        %sign3A_1732 = arith.extui %sign3A_1731 : i1 to i32
        %sign3A_1733 = arith.constant 0 : i32
        %sign3A_1734 = arith.cmpi slt, %sub3A_1651, %sign3A_1733 : i32
        %sign3A_1735 = arith.extui %sign3A_1734 : i1 to i32
        %sign3A_1736 = arith.subi %sign3A_1732, %sign3A_1735 : i32
        %sign3A_1737 = arith.constant 0 : i32
        %sign3A_1738 = arith.cmpi sgt, %jit3A_1728, %sign3A_1737 : i32
        %sign3A_1739 = arith.extui %sign3A_1738 : i1 to i32
        %sign3A_1740 = arith.constant 0 : i32
        %sign3A_1741 = arith.cmpi slt, %jit3A_1728, %sign3A_1740 : i32
        %sign3A_1742 = arith.extui %sign3A_1741 : i1 to i32
        %sign3A_1743 = arith.subi %sign3A_1739, %sign3A_1742 : i32
        %ne3A_1744 = arith.cmpi ne, %sign3A_1736, %sign3A_1743 : i32
        %rem3A_1745 = arith.remsi %sub3A_1651, %jit3A_1728 : i32
        %ne3A_1746 = arith.constant 0 : i32
        %ne3A_1747 = arith.cmpi ne, %rem3A_1745, %ne3A_1746 : i32
        %and3A_1748 = arith.andi %ne3A_1744, %ne3A_1747 : i1
        %sub3A_1749 = arith.constant 1 : i32
        %sub3A_1750 = arith.subi %div3A_1729, %sub3A_1749 : i32
        %select_n3A_1751 = arith.select %and3A_1748, %sub3A_1750, %div3A_1729 : i32
        %add3A_1752 = arith.addi %mul3A_2, %select_n3A_1751 : i32
        %jit3A_1753 = arith.constant 4 : i32
        %eq3A_1754 = arith.constant 0 : i32
        %eq3A_1755 = arith.cmpi eq, %jit3A_1753, %eq3A_1754 : i32
        %jit3A_1756 = arith.constant 1 : i32
        %select_n3A_1757 = arith.select %eq3A_1755, %jit3A_1756, %jit3A_1753 : i32
        %rem3A_1758 = arith.remsi %sub3A_1651, %select_n3A_1757 : i32
        %ne3A_1759 = arith.constant 0 : i32
        %ne3A_1760 = arith.cmpi ne, %rem3A_1758, %ne3A_1759 : i32
        %lt3A_1761 = arith.constant 0 : i32
        %lt3A_1762 = arith.cmpi slt, %rem3A_1758, %lt3A_1761 : i32
        %lt3A_1763 = arith.constant 0 : i32
        %lt3A_1764 = arith.cmpi slt, %select_n3A_1757, %lt3A_1763 : i32
        %ne3A_1765 = arith.xori %lt3A_1762, %lt3A_1764 : i1
        %and3A_1766 = arith.andi %ne3A_1765, %ne3A_1760 : i1
        %add3A_1767 = arith.addi %rem3A_1758, %select_n3A_1757 : i32
        %select_n3A_1768 = arith.select %and3A_1766, %add3A_1767, %rem3A_1758 : i32
        %mul3A_1769 = arith.constant 128 : i32
        %mul3A_1770 = arith.muli %select_n3A_1768, %mul3A_1769 : i32
        %dma_wait3A_1771 = arith.constant 1 : i32
        %dma_wait3A_1772 = arith.constant 0 : i32
        %dma_wait3A_1773 = arith.constant 0 : i32
        %dma_wait3A_1774 = tpu.memref_slice %arg6[%select_n3A_1669, %dma_wait3A_1771, %dma_wait3A_1772, %dma_wait3A_1773] : memref<2x9x128x16xf32, #tpu.memory_space<vmem>> -> memref<1x1x128x16xf32, #tpu.memory_space<vmem>>
        %dma_wait3A_1775 = tpu.memref_squeeze %dma_wait3A_1774 : memref<1x1x128x16xf32, #tpu.memory_space<vmem>> -> memref<128x16xf32, #tpu.memory_space<vmem>>
        %dma_wait3A_1776 = arith.constant 16 : i32
        %dma_wait3A_1777 = tpu.memref_slice %arg4[%add3A_1752, %mul3A_1770, %dma_wait3A_1776] : memref<512x512x144xf32, #tpu.memory_space<hbm>> -> memref<1x128x16xf32, #tpu.memory_space<hbm>>
        %dma_wait3A_1778 = tpu.memref_squeeze %dma_wait3A_1777 : memref<1x128x16xf32, #tpu.memory_space<hbm>> -> memref<128x16xf32, #tpu.memory_space<hbm>>
        %dma_wait3A_1779 = arith.constant 16 : i32
        %dma_wait3A_1780 = tpu.memref_slice %arg4[%add3A_1752, %mul3A_1770, %dma_wait3A_1779] : memref<512x512x144xf32, #tpu.memory_space<hbm>> -> memref<1x128x16xf32, #tpu.memory_space<hbm>>
        %dma_wait3A_1781 = tpu.memref_squeeze %dma_wait3A_1780 : memref<1x128x16xf32, #tpu.memory_space<hbm>> -> memref<128x16xf32, #tpu.memory_space<hbm>>
        %dma_wait3A_1782 = arith.constant 0 : i32
        %dma_wait3A_1783 = arith.constant 0 : i32
        %dma_wait3A_1784 = tpu.memref_slice %arg6[%select_n3A_1669, %dma_wait3A_1771, %dma_wait3A_1782, %dma_wait3A_1783] : memref<2x9x128x16xf32, #tpu.memory_space<vmem>> -> memref<1x1x128x16xf32, #tpu.memory_space<vmem>>
        %dma_wait3A_1785 = tpu.memref_squeeze %dma_wait3A_1784 : memref<1x1x128x16xf32, #tpu.memory_space<vmem>> -> memref<128x16xf32, #tpu.memory_space<vmem>>
        tpu.wait_dma2 semaphore(%arg9 : memref<!tpu.dma_semaphore, #tpu.memory_space<semaphore_mem>>) src(%dma_wait3A_1785 : memref<128x16xf32, #tpu.memory_space<vmem>>) dst(%dma_wait3A_1781 : memref<128x16xf32, #tpu.memory_space<hbm>>)
        %jit3A_1786 = arith.constant 4 : i32
        %div3A_1787 = arith.divsi %sub3A_1651, %jit3A_1786 : i32
        %sign3A_1788 = arith.constant 0 : i32
        %sign3A_1789 = arith.cmpi sgt, %sub3A_1651, %sign3A_1788 : i32
        %sign3A_1790 = arith.extui %sign3A_1789 : i1 to i32
        %sign3A_1791 = arith.constant 0 : i32
        %sign3A_1792 = arith.cmpi slt, %sub3A_1651, %sign3A_1791 : i32
        %sign3A_1793 = arith.extui %sign3A_1792 : i1 to i32
        %sign3A_1794 = arith.subi %sign3A_1790, %sign3A_1793 : i32
        %sign3A_1795 = arith.constant 0 : i32
        %sign3A_1796 = arith.cmpi sgt, %jit3A_1786, %sign3A_1795 : i32
        %sign3A_1797 = arith.extui %sign3A_1796 : i1 to i32
        %sign3A_1798 = arith.constant 0 : i32
        %sign3A_1799 = arith.cmpi slt, %jit3A_1786, %sign3A_1798 : i32
        %sign3A_1800 = arith.extui %sign3A_1799 : i1 to i32
        %sign3A_1801 = arith.subi %sign3A_1797, %sign3A_1800 : i32
        %ne3A_1802 = arith.cmpi ne, %sign3A_1794, %sign3A_1801 : i32
        %rem3A_1803 = arith.remsi %sub3A_1651, %jit3A_1786 : i32
        %ne3A_1804 = arith.constant 0 : i32
        %ne3A_1805 = arith.cmpi ne, %rem3A_1803, %ne3A_1804 : i32
        %and3A_1806 = arith.andi %ne3A_1802, %ne3A_1805 : i1
        %sub3A_1807 = arith.constant 1 : i32
        %sub3A_1808 = arith.subi %div3A_1787, %sub3A_1807 : i32
        %select_n3A_1809 = arith.select %and3A_1806, %sub3A_1808, %div3A_1787 : i32
        %add3A_1810 = arith.addi %mul3A_2, %select_n3A_1809 : i32
        %jit3A_1811 = arith.constant 4 : i32
        %eq3A_1812 = arith.constant 0 : i32
        %eq3A_1813 = arith.cmpi eq, %jit3A_1811, %eq3A_1812 : i32
        %jit3A_1814 = arith.constant 1 : i32
        %select_n3A_1815 = arith.select %eq3A_1813, %jit3A_1814, %jit3A_1811 : i32
        %rem3A_1816 = arith.remsi %sub3A_1651, %select_n3A_1815 : i32
        %ne3A_1817 = arith.constant 0 : i32
        %ne3A_1818 = arith.cmpi ne, %rem3A_1816, %ne3A_1817 : i32
        %lt3A_1819 = arith.constant 0 : i32
        %lt3A_1820 = arith.cmpi slt, %rem3A_1816, %lt3A_1819 : i32
        %lt3A_1821 = arith.constant 0 : i32
        %lt3A_1822 = arith.cmpi slt, %select_n3A_1815, %lt3A_1821 : i32
        %ne3A_1823 = arith.xori %lt3A_1820, %lt3A_1822 : i1
        %and3A_1824 = arith.andi %ne3A_1823, %ne3A_1818 : i1
        %add3A_1825 = arith.addi %rem3A_1816, %select_n3A_1815 : i32
        %select_n3A_1826 = arith.select %and3A_1824, %add3A_1825, %rem3A_1816 : i32
        %mul3A_1827 = arith.constant 128 : i32
        %mul3A_1828 = arith.muli %select_n3A_1826, %mul3A_1827 : i32
        %dma_wait3A_1829 = arith.constant 2 : i32
        %dma_wait3A_1830 = arith.constant 0 : i32
        %dma_wait3A_1831 = arith.constant 0 : i32
        %dma_wait3A_1832 = tpu.memref_slice %arg6[%select_n3A_1669, %dma_wait3A_1829, %dma_wait3A_1830, %dma_wait3A_1831] : memref<2x9x128x16xf32, #tpu.memory_space<vmem>> -> memref<1x1x128x16xf32, #tpu.memory_space<vmem>>
        %dma_wait3A_1833 = tpu.memref_squeeze %dma_wait3A_1832 : memref<1x1x128x16xf32, #tpu.memory_space<vmem>> -> memref<128x16xf32, #tpu.memory_space<vmem>>
        %dma_wait3A_1834 = arith.constant 32 : i32
        %dma_wait3A_1835 = tpu.memref_slice %arg4[%add3A_1810, %mul3A_1828, %dma_wait3A_1834] : memref<512x512x144xf32, #tpu.memory_space<hbm>> -> memref<1x128x16xf32, #tpu.memory_space<hbm>>
        %dma_wait3A_1836 = tpu.memref_squeeze %dma_wait3A_1835 : memref<1x128x16xf32, #tpu.memory_space<hbm>> -> memref<128x16xf32, #tpu.memory_space<hbm>>
        %dma_wait3A_1837 = arith.constant 32 : i32
        %dma_wait3A_1838 = tpu.memref_slice %arg4[%add3A_1810, %mul3A_1828, %dma_wait3A_1837] : memref<512x512x144xf32, #tpu.memory_space<hbm>> -> memref<1x128x16xf32, #tpu.memory_space<hbm>>
        %dma_wait3A_1839 = tpu.memref_squeeze %dma_wait3A_1838 : memref<1x128x16xf32, #tpu.memory_space<hbm>> -> memref<128x16xf32, #tpu.memory_space<hbm>>
        %dma_wait3A_1840 = arith.constant 0 : i32
        %dma_wait3A_1841 = arith.constant 0 : i32
        %dma_wait3A_1842 = tpu.memref_slice %arg6[%select_n3A_1669, %dma_wait3A_1829, %dma_wait3A_1840, %dma_wait3A_1841] : memref<2x9x128x16xf32, #tpu.memory_space<vmem>> -> memref<1x1x128x16xf32, #tpu.memory_space<vmem>>
        %dma_wait3A_1843 = tpu.memref_squeeze %dma_wait3A_1842 : memref<1x1x128x16xf32, #tpu.memory_space<vmem>> -> memref<128x16xf32, #tpu.memory_space<vmem>>
        tpu.wait_dma2 semaphore(%arg9 : memref<!tpu.dma_semaphore, #tpu.memory_space<semaphore_mem>>) src(%dma_wait3A_1843 : memref<128x16xf32, #tpu.memory_space<vmem>>) dst(%dma_wait3A_1839 : memref<128x16xf32, #tpu.memory_space<hbm>>)
        %jit3A_1844 = arith.constant 4 : i32
        %div3A_1845 = arith.divsi %sub3A_1651, %jit3A_1844 : i32
        %sign3A_1846 = arith.constant 0 : i32
        %sign3A_1847 = arith.cmpi sgt, %sub3A_1651, %sign3A_1846 : i32
        %sign3A_1848 = arith.extui %sign3A_1847 : i1 to i32
        %sign3A_1849 = arith.constant 0 : i32
        %sign3A_1850 = arith.cmpi slt, %sub3A_1651, %sign3A_1849 : i32
        %sign3A_1851 = arith.extui %sign3A_1850 : i1 to i32
        %sign3A_1852 = arith.subi %sign3A_1848, %sign3A_1851 : i32
        %sign3A_1853 = arith.constant 0 : i32
        %sign3A_1854 = arith.cmpi sgt, %jit3A_1844, %sign3A_1853 : i32
        %sign3A_1855 = arith.extui %sign3A_1854 : i1 to i32
        %sign3A_1856 = arith.constant 0 : i32
        %sign3A_1857 = arith.cmpi slt, %jit3A_1844, %sign3A_1856 : i32
        %sign3A_1858 = arith.extui %sign3A_1857 : i1 to i32
        %sign3A_1859 = arith.subi %sign3A_1855, %sign3A_1858 : i32
        %ne3A_1860 = arith.cmpi ne, %sign3A_1852, %sign3A_1859 : i32
        %rem3A_1861 = arith.remsi %sub3A_1651, %jit3A_1844 : i32
        %ne3A_1862 = arith.constant 0 : i32
        %ne3A_1863 = arith.cmpi ne, %rem3A_1861, %ne3A_1862 : i32
        %and3A_1864 = arith.andi %ne3A_1860, %ne3A_1863 : i1
        %sub3A_1865 = arith.constant 1 : i32
        %sub3A_1866 = arith.subi %div3A_1845, %sub3A_1865 : i32
        %select_n3A_1867 = arith.select %and3A_1864, %sub3A_1866, %div3A_1845 : i32
        %add3A_1868 = arith.addi %mul3A_2, %select_n3A_1867 : i32
        %jit3A_1869 = arith.constant 4 : i32
        %eq3A_1870 = arith.constant 0 : i32
        %eq3A_1871 = arith.cmpi eq, %jit3A_1869, %eq3A_1870 : i32
        %jit3A_1872 = arith.constant 1 : i32
        %select_n3A_1873 = arith.select %eq3A_1871, %jit3A_1872, %jit3A_1869 : i32
        %rem3A_1874 = arith.remsi %sub3A_1651, %select_n3A_1873 : i32
        %ne3A_1875 = arith.constant 0 : i32
        %ne3A_1876 = arith.cmpi ne, %rem3A_1874, %ne3A_1875 : i32
        %lt3A_1877 = arith.constant 0 : i32
        %lt3A_1878 = arith.cmpi slt, %rem3A_1874, %lt3A_1877 : i32
        %lt3A_1879 = arith.constant 0 : i32
        %lt3A_1880 = arith.cmpi slt, %select_n3A_1873, %lt3A_1879 : i32
        %ne3A_1881 = arith.xori %lt3A_1878, %lt3A_1880 : i1
        %and3A_1882 = arith.andi %ne3A_1881, %ne3A_1876 : i1
        %add3A_1883 = arith.addi %rem3A_1874, %select_n3A_1873 : i32
        %select_n3A_1884 = arith.select %and3A_1882, %add3A_1883, %rem3A_1874 : i32
        %mul3A_1885 = arith.constant 128 : i32
        %mul3A_1886 = arith.muli %select_n3A_1884, %mul3A_1885 : i32
        %dma_wait3A_1887 = arith.constant 3 : i32
        %dma_wait3A_1888 = arith.constant 0 : i32
        %dma_wait3A_1889 = arith.constant 0 : i32
        %dma_wait3A_1890 = tpu.memref_slice %arg6[%select_n3A_1669, %dma_wait3A_1887, %dma_wait3A_1888, %dma_wait3A_1889] : memref<2x9x128x16xf32, #tpu.memory_space<vmem>> -> memref<1x1x128x16xf32, #tpu.memory_space<vmem>>
        %dma_wait3A_1891 = tpu.memref_squeeze %dma_wait3A_1890 : memref<1x1x128x16xf32, #tpu.memory_space<vmem>> -> memref<128x16xf32, #tpu.memory_space<vmem>>
        %dma_wait3A_1892 = arith.constant 48 : i32
        %dma_wait3A_1893 = tpu.memref_slice %arg4[%add3A_1868, %mul3A_1886, %dma_wait3A_1892] : memref<512x512x144xf32, #tpu.memory_space<hbm>> -> memref<1x128x16xf32, #tpu.memory_space<hbm>>
        %dma_wait3A_1894 = tpu.memref_squeeze %dma_wait3A_1893 : memref<1x128x16xf32, #tpu.memory_space<hbm>> -> memref<128x16xf32, #tpu.memory_space<hbm>>
        %dma_wait3A_1895 = arith.constant 48 : i32
        %dma_wait3A_1896 = tpu.memref_slice %arg4[%add3A_1868, %mul3A_1886, %dma_wait3A_1895] : memref<512x512x144xf32, #tpu.memory_space<hbm>> -> memref<1x128x16xf32, #tpu.memory_space<hbm>>
        %dma_wait3A_1897 = tpu.memref_squeeze %dma_wait3A_1896 : memref<1x128x16xf32, #tpu.memory_space<hbm>> -> memref<128x16xf32, #tpu.memory_space<hbm>>
        %dma_wait3A_1898 = arith.constant 0 : i32
        %dma_wait3A_1899 = arith.constant 0 : i32
        %dma_wait3A_1900 = tpu.memref_slice %arg6[%select_n3A_1669, %dma_wait3A_1887, %dma_wait3A_1898, %dma_wait3A_1899] : memref<2x9x128x16xf32, #tpu.memory_space<vmem>> -> memref<1x1x128x16xf32, #tpu.memory_space<vmem>>
        %dma_wait3A_1901 = tpu.memref_squeeze %dma_wait3A_1900 : memref<1x1x128x16xf32, #tpu.memory_space<vmem>> -> memref<128x16xf32, #tpu.memory_space<vmem>>
        tpu.wait_dma2 semaphore(%arg9 : memref<!tpu.dma_semaphore, #tpu.memory_space<semaphore_mem>>) src(%dma_wait3A_1901 : memref<128x16xf32, #tpu.memory_space<vmem>>) dst(%dma_wait3A_1897 : memref<128x16xf32, #tpu.memory_space<hbm>>)
        %jit3A_1902 = arith.constant 4 : i32
        %div3A_1903 = arith.divsi %sub3A_1651, %jit3A_1902 : i32
        %sign3A_1904 = arith.constant 0 : i32
        %sign3A_1905 = arith.cmpi sgt, %sub3A_1651, %sign3A_1904 : i32
        %sign3A_1906 = arith.extui %sign3A_1905 : i1 to i32
        %sign3A_1907 = arith.constant 0 : i32
        %sign3A_1908 = arith.cmpi slt, %sub3A_1651, %sign3A_1907 : i32
        %sign3A_1909 = arith.extui %sign3A_1908 : i1 to i32
        %sign3A_1910 = arith.subi %sign3A_1906, %sign3A_1909 : i32
        %sign3A_1911 = arith.constant 0 : i32
        %sign3A_1912 = arith.cmpi sgt, %jit3A_1902, %sign3A_1911 : i32
        %sign3A_1913 = arith.extui %sign3A_1912 : i1 to i32
        %sign3A_1914 = arith.constant 0 : i32
        %sign3A_1915 = arith.cmpi slt, %jit3A_1902, %sign3A_1914 : i32
        %sign3A_1916 = arith.extui %sign3A_1915 : i1 to i32
        %sign3A_1917 = arith.subi %sign3A_1913, %sign3A_1916 : i32
        %ne3A_1918 = arith.cmpi ne, %sign3A_1910, %sign3A_1917 : i32
        %rem3A_1919 = arith.remsi %sub3A_1651, %jit3A_1902 : i32
        %ne3A_1920 = arith.constant 0 : i32
        %ne3A_1921 = arith.cmpi ne, %rem3A_1919, %ne3A_1920 : i32
        %and3A_1922 = arith.andi %ne3A_1918, %ne3A_1921 : i1
        %sub3A_1923 = arith.constant 1 : i32
        %sub3A_1924 = arith.subi %div3A_1903, %sub3A_1923 : i32
        %select_n3A_1925 = arith.select %and3A_1922, %sub3A_1924, %div3A_1903 : i32
        %add3A_1926 = arith.addi %mul3A_2, %select_n3A_1925 : i32
        %jit3A_1927 = arith.constant 4 : i32
        %eq3A_1928 = arith.constant 0 : i32
        %eq3A_1929 = arith.cmpi eq, %jit3A_1927, %eq3A_1928 : i32
        %jit3A_1930 = arith.constant 1 : i32
        %select_n3A_1931 = arith.select %eq3A_1929, %jit3A_1930, %jit3A_1927 : i32
        %rem3A_1932 = arith.remsi %sub3A_1651, %select_n3A_1931 : i32
        %ne3A_1933 = arith.constant 0 : i32
        %ne3A_1934 = arith.cmpi ne, %rem3A_1932, %ne3A_1933 : i32
        %lt3A_1935 = arith.constant 0 : i32
        %lt3A_1936 = arith.cmpi slt, %rem3A_1932, %lt3A_1935 : i32
        %lt3A_1937 = arith.constant 0 : i32
        %lt3A_1938 = arith.cmpi slt, %select_n3A_1931, %lt3A_1937 : i32
        %ne3A_1939 = arith.xori %lt3A_1936, %lt3A_1938 : i1
        %and3A_1940 = arith.andi %ne3A_1939, %ne3A_1934 : i1
        %add3A_1941 = arith.addi %rem3A_1932, %select_n3A_1931 : i32
        %select_n3A_1942 = arith.select %and3A_1940, %add3A_1941, %rem3A_1932 : i32
        %mul3A_1943 = arith.constant 128 : i32
        %mul3A_1944 = arith.muli %select_n3A_1942, %mul3A_1943 : i32
        %dma_wait3A_1945 = arith.constant 4 : i32
        %dma_wait3A_1946 = arith.constant 0 : i32
        %dma_wait3A_1947 = arith.constant 0 : i32
        %dma_wait3A_1948 = tpu.memref_slice %arg6[%select_n3A_1669, %dma_wait3A_1945, %dma_wait3A_1946, %dma_wait3A_1947] : memref<2x9x128x16xf32, #tpu.memory_space<vmem>> -> memref<1x1x128x16xf32, #tpu.memory_space<vmem>>
        %dma_wait3A_1949 = tpu.memref_squeeze %dma_wait3A_1948 : memref<1x1x128x16xf32, #tpu.memory_space<vmem>> -> memref<128x16xf32, #tpu.memory_space<vmem>>
        %dma_wait3A_1950 = arith.constant 64 : i32
        %dma_wait3A_1951 = tpu.memref_slice %arg4[%add3A_1926, %mul3A_1944, %dma_wait3A_1950] : memref<512x512x144xf32, #tpu.memory_space<hbm>> -> memref<1x128x16xf32, #tpu.memory_space<hbm>>
        %dma_wait3A_1952 = tpu.memref_squeeze %dma_wait3A_1951 : memref<1x128x16xf32, #tpu.memory_space<hbm>> -> memref<128x16xf32, #tpu.memory_space<hbm>>
        %dma_wait3A_1953 = arith.constant 64 : i32
        %dma_wait3A_1954 = tpu.memref_slice %arg4[%add3A_1926, %mul3A_1944, %dma_wait3A_1953] : memref<512x512x144xf32, #tpu.memory_space<hbm>> -> memref<1x128x16xf32, #tpu.memory_space<hbm>>
        %dma_wait3A_1955 = tpu.memref_squeeze %dma_wait3A_1954 : memref<1x128x16xf32, #tpu.memory_space<hbm>> -> memref<128x16xf32, #tpu.memory_space<hbm>>
        %dma_wait3A_1956 = arith.constant 0 : i32
        %dma_wait3A_1957 = arith.constant 0 : i32
        %dma_wait3A_1958 = tpu.memref_slice %arg6[%select_n3A_1669, %dma_wait3A_1945, %dma_wait3A_1956, %dma_wait3A_1957] : memref<2x9x128x16xf32, #tpu.memory_space<vmem>> -> memref<1x1x128x16xf32, #tpu.memory_space<vmem>>
        %dma_wait3A_1959 = tpu.memref_squeeze %dma_wait3A_1958 : memref<1x1x128x16xf32, #tpu.memory_space<vmem>> -> memref<128x16xf32, #tpu.memory_space<vmem>>
        tpu.wait_dma2 semaphore(%arg9 : memref<!tpu.dma_semaphore, #tpu.memory_space<semaphore_mem>>) src(%dma_wait3A_1959 : memref<128x16xf32, #tpu.memory_space<vmem>>) dst(%dma_wait3A_1955 : memref<128x16xf32, #tpu.memory_space<hbm>>)
        %jit3A_1960 = arith.constant 4 : i32
        %div3A_1961 = arith.divsi %sub3A_1651, %jit3A_1960 : i32
        %sign3A_1962 = arith.constant 0 : i32
        %sign3A_1963 = arith.cmpi sgt, %sub3A_1651, %sign3A_1962 : i32
        %sign3A_1964 = arith.extui %sign3A_1963 : i1 to i32
        %sign3A_1965 = arith.constant 0 : i32
        %sign3A_1966 = arith.cmpi slt, %sub3A_1651, %sign3A_1965 : i32
        %sign3A_1967 = arith.extui %sign3A_1966 : i1 to i32
        %sign3A_1968 = arith.subi %sign3A_1964, %sign3A_1967 : i32
        %sign3A_1969 = arith.constant 0 : i32
        %sign3A_1970 = arith.cmpi sgt, %jit3A_1960, %sign3A_1969 : i32
        %sign3A_1971 = arith.extui %sign3A_1970 : i1 to i32
        %sign3A_1972 = arith.constant 0 : i32
        %sign3A_1973 = arith.cmpi slt, %jit3A_1960, %sign3A_1972 : i32
        %sign3A_1974 = arith.extui %sign3A_1973 : i1 to i32
        %sign3A_1975 = arith.subi %sign3A_1971, %sign3A_1974 : i32
        %ne3A_1976 = arith.cmpi ne, %sign3A_1968, %sign3A_1975 : i32
        %rem3A_1977 = arith.remsi %sub3A_1651, %jit3A_1960 : i32
        %ne3A_1978 = arith.constant 0 : i32
        %ne3A_1979 = arith.cmpi ne, %rem3A_1977, %ne3A_1978 : i32
        %and3A_1980 = arith.andi %ne3A_1976, %ne3A_1979 : i1
        %sub3A_1981 = arith.constant 1 : i32
        %sub3A_1982 = arith.subi %div3A_1961, %sub3A_1981 : i32
        %select_n3A_1983 = arith.select %and3A_1980, %sub3A_1982, %div3A_1961 : i32
        %add3A_1984 = arith.addi %mul3A_2, %select_n3A_1983 : i32
        %jit3A_1985 = arith.constant 4 : i32
        %eq3A_1986 = arith.constant 0 : i32
        %eq3A_1987 = arith.cmpi eq, %jit3A_1985, %eq3A_1986 : i32
        %jit3A_1988 = arith.constant 1 : i32
        %select_n3A_1989 = arith.select %eq3A_1987, %jit3A_1988, %jit3A_1985 : i32
        %rem3A_1990 = arith.remsi %sub3A_1651, %select_n3A_1989 : i32
        %ne3A_1991 = arith.constant 0 : i32
        %ne3A_1992 = arith.cmpi ne, %rem3A_1990, %ne3A_1991 : i32
        %lt3A_1993 = arith.constant 0 : i32
        %lt3A_1994 = arith.cmpi slt, %rem3A_1990, %lt3A_1993 : i32
        %lt3A_1995 = arith.constant 0 : i32
        %lt3A_1996 = arith.cmpi slt, %select_n3A_1989, %lt3A_1995 : i32
        %ne3A_1997 = arith.xori %lt3A_1994, %lt3A_1996 : i1
        %and3A_1998 = arith.andi %ne3A_1997, %ne3A_1992 : i1
        %add3A_1999 = arith.addi %rem3A_1990, %select_n3A_1989 : i32
        %select_n3A_2000 = arith.select %and3A_1998, %add3A_1999, %rem3A_1990 : i32
        %mul3A_2001 = arith.constant 128 : i32
        %mul3A_2002 = arith.muli %select_n3A_2000, %mul3A_2001 : i32
        %dma_wait3A_2003 = arith.constant 5 : i32
        %dma_wait3A_2004 = arith.constant 0 : i32
        %dma_wait3A_2005 = arith.constant 0 : i32
        %dma_wait3A_2006 = tpu.memref_slice %arg6[%select_n3A_1669, %dma_wait3A_2003, %dma_wait3A_2004, %dma_wait3A_2005] : memref<2x9x128x16xf32, #tpu.memory_space<vmem>> -> memref<1x1x128x16xf32, #tpu.memory_space<vmem>>
        %dma_wait3A_2007 = tpu.memref_squeeze %dma_wait3A_2006 : memref<1x1x128x16xf32, #tpu.memory_space<vmem>> -> memref<128x16xf32, #tpu.memory_space<vmem>>
        %dma_wait3A_2008 = arith.constant 80 : i32
        %dma_wait3A_2009 = tpu.memref_slice %arg4[%add3A_1984, %mul3A_2002, %dma_wait3A_2008] : memref<512x512x144xf32, #tpu.memory_space<hbm>> -> memref<1x128x16xf32, #tpu.memory_space<hbm>>
        %dma_wait3A_2010 = tpu.memref_squeeze %dma_wait3A_2009 : memref<1x128x16xf32, #tpu.memory_space<hbm>> -> memref<128x16xf32, #tpu.memory_space<hbm>>
        %dma_wait3A_2011 = arith.constant 80 : i32
        %dma_wait3A_2012 = tpu.memref_slice %arg4[%add3A_1984, %mul3A_2002, %dma_wait3A_2011] : memref<512x512x144xf32, #tpu.memory_space<hbm>> -> memref<1x128x16xf32, #tpu.memory_space<hbm>>
        %dma_wait3A_2013 = tpu.memref_squeeze %dma_wait3A_2012 : memref<1x128x16xf32, #tpu.memory_space<hbm>> -> memref<128x16xf32, #tpu.memory_space<hbm>>
        %dma_wait3A_2014 = arith.constant 0 : i32
        %dma_wait3A_2015 = arith.constant 0 : i32
        %dma_wait3A_2016 = tpu.memref_slice %arg6[%select_n3A_1669, %dma_wait3A_2003, %dma_wait3A_2014, %dma_wait3A_2015] : memref<2x9x128x16xf32, #tpu.memory_space<vmem>> -> memref<1x1x128x16xf32, #tpu.memory_space<vmem>>
        %dma_wait3A_2017 = tpu.memref_squeeze %dma_wait3A_2016 : memref<1x1x128x16xf32, #tpu.memory_space<vmem>> -> memref<128x16xf32, #tpu.memory_space<vmem>>
        tpu.wait_dma2 semaphore(%arg9 : memref<!tpu.dma_semaphore, #tpu.memory_space<semaphore_mem>>) src(%dma_wait3A_2017 : memref<128x16xf32, #tpu.memory_space<vmem>>) dst(%dma_wait3A_2013 : memref<128x16xf32, #tpu.memory_space<hbm>>)
        %jit3A_2018 = arith.constant 4 : i32
        %div3A_2019 = arith.divsi %sub3A_1651, %jit3A_2018 : i32
        %sign3A_2020 = arith.constant 0 : i32
        %sign3A_2021 = arith.cmpi sgt, %sub3A_1651, %sign3A_2020 : i32
        %sign3A_2022 = arith.extui %sign3A_2021 : i1 to i32
        %sign3A_2023 = arith.constant 0 : i32
        %sign3A_2024 = arith.cmpi slt, %sub3A_1651, %sign3A_2023 : i32
        %sign3A_2025 = arith.extui %sign3A_2024 : i1 to i32
        %sign3A_2026 = arith.subi %sign3A_2022, %sign3A_2025 : i32
        %sign3A_2027 = arith.constant 0 : i32
        %sign3A_2028 = arith.cmpi sgt, %jit3A_2018, %sign3A_2027 : i32
        %sign3A_2029 = arith.extui %sign3A_2028 : i1 to i32
        %sign3A_2030 = arith.constant 0 : i32
        %sign3A_2031 = arith.cmpi slt, %jit3A_2018, %sign3A_2030 : i32
        %sign3A_2032 = arith.extui %sign3A_2031 : i1 to i32
        %sign3A_2033 = arith.subi %sign3A_2029, %sign3A_2032 : i32
        %ne3A_2034 = arith.cmpi ne, %sign3A_2026, %sign3A_2033 : i32
        %rem3A_2035 = arith.remsi %sub3A_1651, %jit3A_2018 : i32
        %ne3A_2036 = arith.constant 0 : i32
        %ne3A_2037 = arith.cmpi ne, %rem3A_2035, %ne3A_2036 : i32
        %and3A_2038 = arith.andi %ne3A_2034, %ne3A_2037 : i1
        %sub3A_2039 = arith.constant 1 : i32
        %sub3A_2040 = arith.subi %div3A_2019, %sub3A_2039 : i32
        %select_n3A_2041 = arith.select %and3A_2038, %sub3A_2040, %div3A_2019 : i32
        %add3A_2042 = arith.addi %mul3A_2, %select_n3A_2041 : i32
        %jit3A_2043 = arith.constant 4 : i32
        %eq3A_2044 = arith.constant 0 : i32
        %eq3A_2045 = arith.cmpi eq, %jit3A_2043, %eq3A_2044 : i32
        %jit3A_2046 = arith.constant 1 : i32
        %select_n3A_2047 = arith.select %eq3A_2045, %jit3A_2046, %jit3A_2043 : i32
        %rem3A_2048 = arith.remsi %sub3A_1651, %select_n3A_2047 : i32
        %ne3A_2049 = arith.constant 0 : i32
        %ne3A_2050 = arith.cmpi ne, %rem3A_2048, %ne3A_2049 : i32
        %lt3A_2051 = arith.constant 0 : i32
        %lt3A_2052 = arith.cmpi slt, %rem3A_2048, %lt3A_2051 : i32
        %lt3A_2053 = arith.constant 0 : i32
        %lt3A_2054 = arith.cmpi slt, %select_n3A_2047, %lt3A_2053 : i32
        %ne3A_2055 = arith.xori %lt3A_2052, %lt3A_2054 : i1
        %and3A_2056 = arith.andi %ne3A_2055, %ne3A_2050 : i1
        %add3A_2057 = arith.addi %rem3A_2048, %select_n3A_2047 : i32
        %select_n3A_2058 = arith.select %and3A_2056, %add3A_2057, %rem3A_2048 : i32
        %mul3A_2059 = arith.constant 128 : i32
        %mul3A_2060 = arith.muli %select_n3A_2058, %mul3A_2059 : i32
        %dma_wait3A_2061 = arith.constant 6 : i32
        %dma_wait3A_2062 = arith.constant 0 : i32
        %dma_wait3A_2063 = arith.constant 0 : i32
        %dma_wait3A_2064 = tpu.memref_slice %arg6[%select_n3A_1669, %dma_wait3A_2061, %dma_wait3A_2062, %dma_wait3A_2063] : memref<2x9x128x16xf32, #tpu.memory_space<vmem>> -> memref<1x1x128x16xf32, #tpu.memory_space<vmem>>
        %dma_wait3A_2065 = tpu.memref_squeeze %dma_wait3A_2064 : memref<1x1x128x16xf32, #tpu.memory_space<vmem>> -> memref<128x16xf32, #tpu.memory_space<vmem>>
        %dma_wait3A_2066 = arith.constant 96 : i32
        %dma_wait3A_2067 = tpu.memref_slice %arg4[%add3A_2042, %mul3A_2060, %dma_wait3A_2066] : memref<512x512x144xf32, #tpu.memory_space<hbm>> -> memref<1x128x16xf32, #tpu.memory_space<hbm>>
        %dma_wait3A_2068 = tpu.memref_squeeze %dma_wait3A_2067 : memref<1x128x16xf32, #tpu.memory_space<hbm>> -> memref<128x16xf32, #tpu.memory_space<hbm>>
        %dma_wait3A_2069 = arith.constant 96 : i32
        %dma_wait3A_2070 = tpu.memref_slice %arg4[%add3A_2042, %mul3A_2060, %dma_wait3A_2069] : memref<512x512x144xf32, #tpu.memory_space<hbm>> -> memref<1x128x16xf32, #tpu.memory_space<hbm>>
        %dma_wait3A_2071 = tpu.memref_squeeze %dma_wait3A_2070 : memref<1x128x16xf32, #tpu.memory_space<hbm>> -> memref<128x16xf32, #tpu.memory_space<hbm>>
        %dma_wait3A_2072 = arith.constant 0 : i32
        %dma_wait3A_2073 = arith.constant 0 : i32
        %dma_wait3A_2074 = tpu.memref_slice %arg6[%select_n3A_1669, %dma_wait3A_2061, %dma_wait3A_2072, %dma_wait3A_2073] : memref<2x9x128x16xf32, #tpu.memory_space<vmem>> -> memref<1x1x128x16xf32, #tpu.memory_space<vmem>>
        %dma_wait3A_2075 = tpu.memref_squeeze %dma_wait3A_2074 : memref<1x1x128x16xf32, #tpu.memory_space<vmem>> -> memref<128x16xf32, #tpu.memory_space<vmem>>
        tpu.wait_dma2 semaphore(%arg9 : memref<!tpu.dma_semaphore, #tpu.memory_space<semaphore_mem>>) src(%dma_wait3A_2075 : memref<128x16xf32, #tpu.memory_space<vmem>>) dst(%dma_wait3A_2071 : memref<128x16xf32, #tpu.memory_space<hbm>>)
        %jit3A_2076 = arith.constant 4 : i32
        %div3A_2077 = arith.divsi %sub3A_1651, %jit3A_2076 : i32
        %sign3A_2078 = arith.constant 0 : i32
        %sign3A_2079 = arith.cmpi sgt, %sub3A_1651, %sign3A_2078 : i32
        %sign3A_2080 = arith.extui %sign3A_2079 : i1 to i32
        %sign3A_2081 = arith.constant 0 : i32
        %sign3A_2082 = arith.cmpi slt, %sub3A_1651, %sign3A_2081 : i32
        %sign3A_2083 = arith.extui %sign3A_2082 : i1 to i32
        %sign3A_2084 = arith.subi %sign3A_2080, %sign3A_2083 : i32
        %sign3A_2085 = arith.constant 0 : i32
        %sign3A_2086 = arith.cmpi sgt, %jit3A_2076, %sign3A_2085 : i32
        %sign3A_2087 = arith.extui %sign3A_2086 : i1 to i32
        %sign3A_2088 = arith.constant 0 : i32
        %sign3A_2089 = arith.cmpi slt, %jit3A_2076, %sign3A_2088 : i32
        %sign3A_2090 = arith.extui %sign3A_2089 : i1 to i32
        %sign3A_2091 = arith.subi %sign3A_2087, %sign3A_2090 : i32
        %ne3A_2092 = arith.cmpi ne, %sign3A_2084, %sign3A_2091 : i32
        %rem3A_2093 = arith.remsi %sub3A_1651, %jit3A_2076 : i32
        %ne3A_2094 = arith.constant 0 : i32
        %ne3A_2095 = arith.cmpi ne, %rem3A_2093, %ne3A_2094 : i32
        %and3A_2096 = arith.andi %ne3A_2092, %ne3A_2095 : i1
        %sub3A_2097 = arith.constant 1 : i32
        %sub3A_2098 = arith.subi %div3A_2077, %sub3A_2097 : i32
        %select_n3A_2099 = arith.select %and3A_2096, %sub3A_2098, %div3A_2077 : i32
        %add3A_2100 = arith.addi %mul3A_2, %select_n3A_2099 : i32
        %jit3A_2101 = arith.constant 4 : i32
        %eq3A_2102 = arith.constant 0 : i32
        %eq3A_2103 = arith.cmpi eq, %jit3A_2101, %eq3A_2102 : i32
        %jit3A_2104 = arith.constant 1 : i32
        %select_n3A_2105 = arith.select %eq3A_2103, %jit3A_2104, %jit3A_2101 : i32
        %rem3A_2106 = arith.remsi %sub3A_1651, %select_n3A_2105 : i32
        %ne3A_2107 = arith.constant 0 : i32
        %ne3A_2108 = arith.cmpi ne, %rem3A_2106, %ne3A_2107 : i32
        %lt3A_2109 = arith.constant 0 : i32
        %lt3A_2110 = arith.cmpi slt, %rem3A_2106, %lt3A_2109 : i32
        %lt3A_2111 = arith.constant 0 : i32
        %lt3A_2112 = arith.cmpi slt, %select_n3A_2105, %lt3A_2111 : i32
        %ne3A_2113 = arith.xori %lt3A_2110, %lt3A_2112 : i1
        %and3A_2114 = arith.andi %ne3A_2113, %ne3A_2108 : i1
        %add3A_2115 = arith.addi %rem3A_2106, %select_n3A_2105 : i32
        %select_n3A_2116 = arith.select %and3A_2114, %add3A_2115, %rem3A_2106 : i32
        %mul3A_2117 = arith.constant 128 : i32
        %mul3A_2118 = arith.muli %select_n3A_2116, %mul3A_2117 : i32
        %dma_wait3A_2119 = arith.constant 7 : i32
        %dma_wait3A_2120 = arith.constant 0 : i32
        %dma_wait3A_2121 = arith.constant 0 : i32
        %dma_wait3A_2122 = tpu.memref_slice %arg6[%select_n3A_1669, %dma_wait3A_2119, %dma_wait3A_2120, %dma_wait3A_2121] : memref<2x9x128x16xf32, #tpu.memory_space<vmem>> -> memref<1x1x128x16xf32, #tpu.memory_space<vmem>>
        %dma_wait3A_2123 = tpu.memref_squeeze %dma_wait3A_2122 : memref<1x1x128x16xf32, #tpu.memory_space<vmem>> -> memref<128x16xf32, #tpu.memory_space<vmem>>
        %dma_wait3A_2124 = arith.constant 112 : i32
        %dma_wait3A_2125 = tpu.memref_slice %arg4[%add3A_2100, %mul3A_2118, %dma_wait3A_2124] : memref<512x512x144xf32, #tpu.memory_space<hbm>> -> memref<1x128x16xf32, #tpu.memory_space<hbm>>
        %dma_wait3A_2126 = tpu.memref_squeeze %dma_wait3A_2125 : memref<1x128x16xf32, #tpu.memory_space<hbm>> -> memref<128x16xf32, #tpu.memory_space<hbm>>
        %dma_wait3A_2127 = arith.constant 112 : i32
        %dma_wait3A_2128 = tpu.memref_slice %arg4[%add3A_2100, %mul3A_2118, %dma_wait3A_2127] : memref<512x512x144xf32, #tpu.memory_space<hbm>> -> memref<1x128x16xf32, #tpu.memory_space<hbm>>
        %dma_wait3A_2129 = tpu.memref_squeeze %dma_wait3A_2128 : memref<1x128x16xf32, #tpu.memory_space<hbm>> -> memref<128x16xf32, #tpu.memory_space<hbm>>
        %dma_wait3A_2130 = arith.constant 0 : i32
        %dma_wait3A_2131 = arith.constant 0 : i32
        %dma_wait3A_2132 = tpu.memref_slice %arg6[%select_n3A_1669, %dma_wait3A_2119, %dma_wait3A_2130, %dma_wait3A_2131] : memref<2x9x128x16xf32, #tpu.memory_space<vmem>> -> memref<1x1x128x16xf32, #tpu.memory_space<vmem>>
        %dma_wait3A_2133 = tpu.memref_squeeze %dma_wait3A_2132 : memref<1x1x128x16xf32, #tpu.memory_space<vmem>> -> memref<128x16xf32, #tpu.memory_space<vmem>>
        tpu.wait_dma2 semaphore(%arg9 : memref<!tpu.dma_semaphore, #tpu.memory_space<semaphore_mem>>) src(%dma_wait3A_2133 : memref<128x16xf32, #tpu.memory_space<vmem>>) dst(%dma_wait3A_2129 : memref<128x16xf32, #tpu.memory_space<hbm>>)
        %jit3A_2134 = arith.constant 4 : i32
        %div3A_2135 = arith.divsi %sub3A_1651, %jit3A_2134 : i32
        %sign3A_2136 = arith.constant 0 : i32
        %sign3A_2137 = arith.cmpi sgt, %sub3A_1651, %sign3A_2136 : i32
        %sign3A_2138 = arith.extui %sign3A_2137 : i1 to i32
        %sign3A_2139 = arith.constant 0 : i32
        %sign3A_2140 = arith.cmpi slt, %sub3A_1651, %sign3A_2139 : i32
        %sign3A_2141 = arith.extui %sign3A_2140 : i1 to i32
        %sign3A_2142 = arith.subi %sign3A_2138, %sign3A_2141 : i32
        %sign3A_2143 = arith.constant 0 : i32
        %sign3A_2144 = arith.cmpi sgt, %jit3A_2134, %sign3A_2143 : i32
        %sign3A_2145 = arith.extui %sign3A_2144 : i1 to i32
        %sign3A_2146 = arith.constant 0 : i32
        %sign3A_2147 = arith.cmpi slt, %jit3A_2134, %sign3A_2146 : i32
        %sign3A_2148 = arith.extui %sign3A_2147 : i1 to i32
        %sign3A_2149 = arith.subi %sign3A_2145, %sign3A_2148 : i32
        %ne3A_2150 = arith.cmpi ne, %sign3A_2142, %sign3A_2149 : i32
        %rem3A_2151 = arith.remsi %sub3A_1651, %jit3A_2134 : i32
        %ne3A_2152 = arith.constant 0 : i32
        %ne3A_2153 = arith.cmpi ne, %rem3A_2151, %ne3A_2152 : i32
        %and3A_2154 = arith.andi %ne3A_2150, %ne3A_2153 : i1
        %sub3A_2155 = arith.constant 1 : i32
        %sub3A_2156 = arith.subi %div3A_2135, %sub3A_2155 : i32
        %select_n3A_2157 = arith.select %and3A_2154, %sub3A_2156, %div3A_2135 : i32
        %add3A_2158 = arith.addi %mul3A_2, %select_n3A_2157 : i32
        %jit3A_2159 = arith.constant 4 : i32
        %eq3A_2160 = arith.constant 0 : i32
        %eq3A_2161 = arith.cmpi eq, %jit3A_2159, %eq3A_2160 : i32
        %jit3A_2162 = arith.constant 1 : i32
        %select_n3A_2163 = arith.select %eq3A_2161, %jit3A_2162, %jit3A_2159 : i32
        %rem3A_2164 = arith.remsi %sub3A_1651, %select_n3A_2163 : i32
        %ne3A_2165 = arith.constant 0 : i32
        %ne3A_2166 = arith.cmpi ne, %rem3A_2164, %ne3A_2165 : i32
        %lt3A_2167 = arith.constant 0 : i32
        %lt3A_2168 = arith.cmpi slt, %rem3A_2164, %lt3A_2167 : i32
        %lt3A_2169 = arith.constant 0 : i32
        %lt3A_2170 = arith.cmpi slt, %select_n3A_2163, %lt3A_2169 : i32
        %ne3A_2171 = arith.xori %lt3A_2168, %lt3A_2170 : i1
        %and3A_2172 = arith.andi %ne3A_2171, %ne3A_2166 : i1
        %add3A_2173 = arith.addi %rem3A_2164, %select_n3A_2163 : i32
        %select_n3A_2174 = arith.select %and3A_2172, %add3A_2173, %rem3A_2164 : i32
        %mul3A_2175 = arith.constant 128 : i32
        %mul3A_2176 = arith.muli %select_n3A_2174, %mul3A_2175 : i32
        %dma_wait3A_2177 = arith.constant 8 : i32
        %dma_wait3A_2178 = arith.constant 0 : i32
        %dma_wait3A_2179 = arith.constant 0 : i32
        %dma_wait3A_2180 = tpu.memref_slice %arg6[%select_n3A_1669, %dma_wait3A_2177, %dma_wait3A_2178, %dma_wait3A_2179] : memref<2x9x128x16xf32, #tpu.memory_space<vmem>> -> memref<1x1x128x16xf32, #tpu.memory_space<vmem>>
        %dma_wait3A_2181 = tpu.memref_squeeze %dma_wait3A_2180 : memref<1x1x128x16xf32, #tpu.memory_space<vmem>> -> memref<128x16xf32, #tpu.memory_space<vmem>>
        %dma_wait3A_2182 = arith.constant 128 : i32
        %dma_wait3A_2183 = tpu.memref_slice %arg4[%add3A_2158, %mul3A_2176, %dma_wait3A_2182] : memref<512x512x144xf32, #tpu.memory_space<hbm>> -> memref<1x128x16xf32, #tpu.memory_space<hbm>>
        %dma_wait3A_2184 = tpu.memref_squeeze %dma_wait3A_2183 : memref<1x128x16xf32, #tpu.memory_space<hbm>> -> memref<128x16xf32, #tpu.memory_space<hbm>>
        %dma_wait3A_2185 = arith.constant 128 : i32
        %dma_wait3A_2186 = tpu.memref_slice %arg4[%add3A_2158, %mul3A_2176, %dma_wait3A_2185] : memref<512x512x144xf32, #tpu.memory_space<hbm>> -> memref<1x128x16xf32, #tpu.memory_space<hbm>>
        %dma_wait3A_2187 = tpu.memref_squeeze %dma_wait3A_2186 : memref<1x128x16xf32, #tpu.memory_space<hbm>> -> memref<128x16xf32, #tpu.memory_space<hbm>>
        %dma_wait3A_2188 = arith.constant 0 : i32
        %dma_wait3A_2189 = arith.constant 0 : i32
        %dma_wait3A_2190 = tpu.memref_slice %arg6[%select_n3A_1669, %dma_wait3A_2177, %dma_wait3A_2188, %dma_wait3A_2189] : memref<2x9x128x16xf32, #tpu.memory_space<vmem>> -> memref<1x1x128x16xf32, #tpu.memory_space<vmem>>
        %dma_wait3A_2191 = tpu.memref_squeeze %dma_wait3A_2190 : memref<1x1x128x16xf32, #tpu.memory_space<vmem>> -> memref<128x16xf32, #tpu.memory_space<vmem>>
        tpu.wait_dma2 semaphore(%arg9 : memref<!tpu.dma_semaphore, #tpu.memory_space<semaphore_mem>>) src(%dma_wait3A_2191 : memref<128x16xf32, #tpu.memory_space<vmem>>) dst(%dma_wait3A_2187 : memref<128x16xf32, #tpu.memory_space<hbm>>)
      } else {
      }
      %lt3A_1107 = arith.constant 64 : i32
      %lt3A_1108 = arith.cmpi slt, %add3A_381, %lt3A_1107 : i32
      %convert_element_type3A_1109 = arith.extui %lt3A_1108 : i1 to i32
      %cond3A_1110 = arith.constant 0 : i32
      %cond3A_1111 = arith.cmpi ne, %convert_element_type3A_1109, %cond3A_1110 : i32
      scf.if %cond3A_1111 {
        %jit3A_1650 = arith.constant 2 : i32
        %eq3A_1651 = arith.constant 0 : i32
        %eq3A_1652 = arith.cmpi eq, %jit3A_1650, %eq3A_1651 : i32
        %jit3A_1653 = arith.constant 1 : i32
        %select_n3A_1654 = arith.select %eq3A_1652, %jit3A_1653, %jit3A_1650 : i32
        %rem3A_1655 = arith.remsi %select_n3A, %select_n3A_1654 : i32
        %ne3A_1656 = arith.constant 0 : i32
        %ne3A_1657 = arith.cmpi ne, %rem3A_1655, %ne3A_1656 : i32
        %lt3A_1658 = arith.constant 0 : i32
        %lt3A_1659 = arith.cmpi slt, %rem3A_1655, %lt3A_1658 : i32
        %lt3A_1660 = arith.constant 0 : i32
        %lt3A_1661 = arith.cmpi slt, %select_n3A_1654, %lt3A_1660 : i32
        %ne3A_1662 = arith.xori %lt3A_1659, %lt3A_1661 : i1
        %and3A_1663 = arith.andi %ne3A_1662, %ne3A_1657 : i1
        %add3A_1664 = arith.addi %rem3A_1655, %select_n3A_1654 : i32
        %select_n3A_1665 = arith.select %and3A_1663, %add3A_1664, %rem3A_1655 : i32
        %jit3A_1666 = arith.constant 2 : i32
        %eq3A_1667 = arith.constant 0 : i32
        %eq3A_1668 = arith.cmpi eq, %jit3A_1666, %eq3A_1667 : i32
        %jit3A_1669 = arith.constant 1 : i32
        %select_n3A_1670 = arith.select %eq3A_1668, %jit3A_1669, %jit3A_1666 : i32
        %rem3A_1671 = arith.remsi %add3A_381, %select_n3A_1670 : i32
        %ne3A_1672 = arith.constant 0 : i32
        %ne3A_1673 = arith.cmpi ne, %rem3A_1671, %ne3A_1672 : i32
        %lt3A_1674 = arith.constant 0 : i32
        %lt3A_1675 = arith.cmpi slt, %rem3A_1671, %lt3A_1674 : i32
        %lt3A_1676 = arith.constant 0 : i32
        %lt3A_1677 = arith.cmpi slt, %select_n3A_1670, %lt3A_1676 : i32
        %ne3A_1678 = arith.xori %lt3A_1675, %lt3A_1677 : i1
        %and3A_1679 = arith.andi %ne3A_1678, %ne3A_1673 : i1
        %add3A_1680 = arith.addi %rem3A_1671, %select_n3A_1670 : i32
        %select_n3A_1681 = arith.select %and3A_1679, %add3A_1680, %rem3A_1671 : i32
        %jit3A_1682 = arith.constant 4 : i32
        %div3A_1683 = arith.divsi %add3A_381, %jit3A_1682 : i32
        %sign3A_1684 = arith.constant 0 : i32
        %sign3A_1685 = arith.cmpi sgt, %add3A_381, %sign3A_1684 : i32
        %sign3A_1686 = arith.extui %sign3A_1685 : i1 to i32
        %sign3A_1687 = arith.constant 0 : i32
        %sign3A_1688 = arith.cmpi slt, %add3A_381, %sign3A_1687 : i32
        %sign3A_1689 = arith.extui %sign3A_1688 : i1 to i32
        %sign3A_1690 = arith.subi %sign3A_1686, %sign3A_1689 : i32
        %sign3A_1691 = arith.constant 0 : i32
        %sign3A_1692 = arith.cmpi sgt, %jit3A_1682, %sign3A_1691 : i32
        %sign3A_1693 = arith.extui %sign3A_1692 : i1 to i32
        %sign3A_1694 = arith.constant 0 : i32
        %sign3A_1695 = arith.cmpi slt, %jit3A_1682, %sign3A_1694 : i32
        %sign3A_1696 = arith.extui %sign3A_1695 : i1 to i32
        %sign3A_1697 = arith.subi %sign3A_1693, %sign3A_1696 : i32
        %ne3A_1698 = arith.cmpi ne, %sign3A_1690, %sign3A_1697 : i32
        %rem3A_1699 = arith.remsi %add3A_381, %jit3A_1682 : i32
        %ne3A_1700 = arith.constant 0 : i32
        %ne3A_1701 = arith.cmpi ne, %rem3A_1699, %ne3A_1700 : i32
        %and3A_1702 = arith.andi %ne3A_1698, %ne3A_1701 : i1
        %sub3A_1703 = arith.constant 1 : i32
        %sub3A_1704 = arith.subi %div3A_1683, %sub3A_1703 : i32
        %select_n3A_1705 = arith.select %and3A_1702, %sub3A_1704, %div3A_1683 : i32
        %jit3A_1706 = arith.constant 2 : i32
        %eq3A_1707 = arith.constant 0 : i32
        %eq3A_1708 = arith.cmpi eq, %jit3A_1706, %eq3A_1707 : i32
        %jit3A_1709 = arith.constant 1 : i32
        %select_n3A_1710 = arith.select %eq3A_1708, %jit3A_1709, %jit3A_1706 : i32
        %rem3A_1711 = arith.remsi %select_n3A_1705, %select_n3A_1710 : i32
        %ne3A_1712 = arith.constant 0 : i32
        %ne3A_1713 = arith.cmpi ne, %rem3A_1711, %ne3A_1712 : i32
        %lt3A_1714 = arith.constant 0 : i32
        %lt3A_1715 = arith.cmpi slt, %rem3A_1711, %lt3A_1714 : i32
        %lt3A_1716 = arith.constant 0 : i32
        %lt3A_1717 = arith.cmpi slt, %select_n3A_1710, %lt3A_1716 : i32
        %ne3A_1718 = arith.xori %lt3A_1715, %lt3A_1717 : i1
        %and3A_1719 = arith.andi %ne3A_1718, %ne3A_1713 : i1
        %add3A_1720 = arith.addi %rem3A_1711, %select_n3A_1710 : i32
        %select_n3A_1721 = arith.select %and3A_1719, %add3A_1720, %rem3A_1711 : i32
        %jit3A_1722 = arith.constant 4 : i32
        %eq3A_1723 = arith.constant 0 : i32
        %eq3A_1724 = arith.cmpi eq, %jit3A_1722, %eq3A_1723 : i32
        %jit3A_1725 = arith.constant 1 : i32
        %select_n3A_1726 = arith.select %eq3A_1724, %jit3A_1725, %jit3A_1722 : i32
        %rem3A_1727 = arith.remsi %add3A_381, %select_n3A_1726 : i32
        %ne3A_1728 = arith.constant 0 : i32
        %ne3A_1729 = arith.cmpi ne, %rem3A_1727, %ne3A_1728 : i32
        %lt3A_1730 = arith.constant 0 : i32
        %lt3A_1731 = arith.cmpi slt, %rem3A_1727, %lt3A_1730 : i32
        %lt3A_1732 = arith.constant 0 : i32
        %lt3A_1733 = arith.cmpi slt, %select_n3A_1726, %lt3A_1732 : i32
        %ne3A_1734 = arith.xori %lt3A_1731, %lt3A_1733 : i1
        %and3A_1735 = arith.andi %ne3A_1734, %ne3A_1729 : i1
        %add3A_1736 = arith.addi %rem3A_1727, %select_n3A_1726 : i32
        %select_n3A_1737 = arith.select %and3A_1735, %add3A_1736, %rem3A_1727 : i32
        %mul3A_1738 = arith.constant 128 : i32
        %mul3A_1739 = arith.muli %select_n3A_1737, %mul3A_1738 : i32
        %dma_start3A_1740 = arith.constant 0 : i32
        %dma_start3A_1741 = arith.constant 0 : i32
        %dma_start3A_1742 = arith.constant 0 : i32
        %dma_start3A_1743 = arith.constant 0 : i32
        %dma_start3A_1744 = tpu.memref_slice %arg6[%select_n3A_1681, %dma_start3A_1741, %dma_start3A_1742, %dma_start3A_1743] : memref<2x9x128x16xf32, #tpu.memory_space<vmem>> -> memref<1x1x128x16xf32, #tpu.memory_space<vmem>>
        %dma_start3A_1745 = tpu.memref_squeeze %dma_start3A_1744 : memref<1x1x128x16xf32, #tpu.memory_space<vmem>> -> memref<128x16xf32, #tpu.memory_space<vmem>>
        %dma_start3A_1746 = tpu.memref_slice %arg5[%select_n3A_1665, %dma_start3A_1740, %select_n3A_1721, %mul3A_1739] : memref<2x9x2x512xi32, #tpu.memory_space<vmem>> -> memref<1x1x1x128xi32, #tpu.memory_space<vmem>>
        %dma_start3A_1747 = tpu.memref_squeeze %dma_start3A_1746 : memref<1x1x1x128xi32, #tpu.memory_space<vmem>> -> memref<128xi32, #tpu.memory_space<vmem>>
        %dma_start3A_1748 = arith.constant 0 : i32
        %dma_start3A_1749 = arith.constant 0 : i32
        %dma_start3A_1750 = tpu.memref_slice %arg2[%dma_start3A_1748, %dma_start3A_1749] : memref<349184x16xf32, #tpu.memory_space<hbm>> -> memref<349184x16xf32, #tpu.memory_space<hbm>>
        tpu.enqueue_indirect_dma source(%dma_start3A_1750 : memref<349184x16xf32, #tpu.memory_space<hbm>>) target(%dma_start3A_1745 : memref<128x16xf32, #tpu.memory_space<vmem>>) offsets(%dma_start3A_1747 : memref<128xi32, #tpu.memory_space<vmem>>) semaphore(%arg8 : memref<!tpu.dma_semaphore, #tpu.memory_space<semaphore_mem>>)
        %jit3A_1751 = arith.constant 4 : i32
        %div3A_1752 = arith.divsi %add3A_381, %jit3A_1751 : i32
        %sign3A_1753 = arith.constant 0 : i32
        %sign3A_1754 = arith.cmpi sgt, %add3A_381, %sign3A_1753 : i32
        %sign3A_1755 = arith.extui %sign3A_1754 : i1 to i32
        %sign3A_1756 = arith.constant 0 : i32
        %sign3A_1757 = arith.cmpi slt, %add3A_381, %sign3A_1756 : i32
        %sign3A_1758 = arith.extui %sign3A_1757 : i1 to i32
        %sign3A_1759 = arith.subi %sign3A_1755, %sign3A_1758 : i32
        %sign3A_1760 = arith.constant 0 : i32
        %sign3A_1761 = arith.cmpi sgt, %jit3A_1751, %sign3A_1760 : i32
        %sign3A_1762 = arith.extui %sign3A_1761 : i1 to i32
        %sign3A_1763 = arith.constant 0 : i32
        %sign3A_1764 = arith.cmpi slt, %jit3A_1751, %sign3A_1763 : i32
        %sign3A_1765 = arith.extui %sign3A_1764 : i1 to i32
        %sign3A_1766 = arith.subi %sign3A_1762, %sign3A_1765 : i32
        %ne3A_1767 = arith.cmpi ne, %sign3A_1759, %sign3A_1766 : i32
        %rem3A_1768 = arith.remsi %add3A_381, %jit3A_1751 : i32
        %ne3A_1769 = arith.constant 0 : i32
        %ne3A_1770 = arith.cmpi ne, %rem3A_1768, %ne3A_1769 : i32
        %and3A_1771 = arith.andi %ne3A_1767, %ne3A_1770 : i1
        %sub3A_1772 = arith.constant 1 : i32
        %sub3A_1773 = arith.subi %div3A_1752, %sub3A_1772 : i32
        %select_n3A_1774 = arith.select %and3A_1771, %sub3A_1773, %div3A_1752 : i32
        %jit3A_1775 = arith.constant 2 : i32
        %eq3A_1776 = arith.constant 0 : i32
        %eq3A_1777 = arith.cmpi eq, %jit3A_1775, %eq3A_1776 : i32
        %jit3A_1778 = arith.constant 1 : i32
        %select_n3A_1779 = arith.select %eq3A_1777, %jit3A_1778, %jit3A_1775 : i32
        %rem3A_1780 = arith.remsi %select_n3A_1774, %select_n3A_1779 : i32
        %ne3A_1781 = arith.constant 0 : i32
        %ne3A_1782 = arith.cmpi ne, %rem3A_1780, %ne3A_1781 : i32
        %lt3A_1783 = arith.constant 0 : i32
        %lt3A_1784 = arith.cmpi slt, %rem3A_1780, %lt3A_1783 : i32
        %lt3A_1785 = arith.constant 0 : i32
        %lt3A_1786 = arith.cmpi slt, %select_n3A_1779, %lt3A_1785 : i32
        %ne3A_1787 = arith.xori %lt3A_1784, %lt3A_1786 : i1
        %and3A_1788 = arith.andi %ne3A_1787, %ne3A_1782 : i1
        %add3A_1789 = arith.addi %rem3A_1780, %select_n3A_1779 : i32
        %select_n3A_1790 = arith.select %and3A_1788, %add3A_1789, %rem3A_1780 : i32
        %jit3A_1791 = arith.constant 4 : i32
        %eq3A_1792 = arith.constant 0 : i32
        %eq3A_1793 = arith.cmpi eq, %jit3A_1791, %eq3A_1792 : i32
        %jit3A_1794 = arith.constant 1 : i32
        %select_n3A_1795 = arith.select %eq3A_1793, %jit3A_1794, %jit3A_1791 : i32
        %rem3A_1796 = arith.remsi %add3A_381, %select_n3A_1795 : i32
        %ne3A_1797 = arith.constant 0 : i32
        %ne3A_1798 = arith.cmpi ne, %rem3A_1796, %ne3A_1797 : i32
        %lt3A_1799 = arith.constant 0 : i32
        %lt3A_1800 = arith.cmpi slt, %rem3A_1796, %lt3A_1799 : i32
        %lt3A_1801 = arith.constant 0 : i32
        %lt3A_1802 = arith.cmpi slt, %select_n3A_1795, %lt3A_1801 : i32
        %ne3A_1803 = arith.xori %lt3A_1800, %lt3A_1802 : i1
        %and3A_1804 = arith.andi %ne3A_1803, %ne3A_1798 : i1
        %add3A_1805 = arith.addi %rem3A_1796, %select_n3A_1795 : i32
        %select_n3A_1806 = arith.select %and3A_1804, %add3A_1805, %rem3A_1796 : i32
        %mul3A_1807 = arith.constant 128 : i32
        %mul3A_1808 = arith.muli %select_n3A_1806, %mul3A_1807 : i32
        %dma_start3A_1809 = arith.constant 1 : i32
        %dma_start3A_1810 = arith.constant 1 : i32
        %dma_start3A_1811 = arith.constant 0 : i32
        %dma_start3A_1812 = arith.constant 0 : i32
        %dma_start3A_1813 = tpu.memref_slice %arg6[%select_n3A_1681, %dma_start3A_1810, %dma_start3A_1811, %dma_start3A_1812] : memref<2x9x128x16xf32, #tpu.memory_space<vmem>> -> memref<1x1x128x16xf32, #tpu.memory_space<vmem>>
        %dma_start3A_1814 = tpu.memref_squeeze %dma_start3A_1813 : memref<1x1x128x16xf32, #tpu.memory_space<vmem>> -> memref<128x16xf32, #tpu.memory_space<vmem>>
        %dma_start3A_1815 = tpu.memref_slice %arg5[%select_n3A_1665, %dma_start3A_1809, %select_n3A_1790, %mul3A_1808] : memref<2x9x2x512xi32, #tpu.memory_space<vmem>> -> memref<1x1x1x128xi32, #tpu.memory_space<vmem>>
        %dma_start3A_1816 = tpu.memref_squeeze %dma_start3A_1815 : memref<1x1x1x128xi32, #tpu.memory_space<vmem>> -> memref<128xi32, #tpu.memory_space<vmem>>
        %dma_start3A_1817 = arith.constant 0 : i32
        %dma_start3A_1818 = arith.constant 0 : i32
        %dma_start3A_1819 = tpu.memref_slice %arg2[%dma_start3A_1817, %dma_start3A_1818] : memref<349184x16xf32, #tpu.memory_space<hbm>> -> memref<349184x16xf32, #tpu.memory_space<hbm>>
        tpu.enqueue_indirect_dma source(%dma_start3A_1819 : memref<349184x16xf32, #tpu.memory_space<hbm>>) target(%dma_start3A_1814 : memref<128x16xf32, #tpu.memory_space<vmem>>) offsets(%dma_start3A_1816 : memref<128xi32, #tpu.memory_space<vmem>>) semaphore(%arg8 : memref<!tpu.dma_semaphore, #tpu.memory_space<semaphore_mem>>)
        %jit3A_1820 = arith.constant 4 : i32
        %div3A_1821 = arith.divsi %add3A_381, %jit3A_1820 : i32
        %sign3A_1822 = arith.constant 0 : i32
        %sign3A_1823 = arith.cmpi sgt, %add3A_381, %sign3A_1822 : i32
        %sign3A_1824 = arith.extui %sign3A_1823 : i1 to i32
        %sign3A_1825 = arith.constant 0 : i32
        %sign3A_1826 = arith.cmpi slt, %add3A_381, %sign3A_1825 : i32
        %sign3A_1827 = arith.extui %sign3A_1826 : i1 to i32
        %sign3A_1828 = arith.subi %sign3A_1824, %sign3A_1827 : i32
        %sign3A_1829 = arith.constant 0 : i32
        %sign3A_1830 = arith.cmpi sgt, %jit3A_1820, %sign3A_1829 : i32
        %sign3A_1831 = arith.extui %sign3A_1830 : i1 to i32
        %sign3A_1832 = arith.constant 0 : i32
        %sign3A_1833 = arith.cmpi slt, %jit3A_1820, %sign3A_1832 : i32
        %sign3A_1834 = arith.extui %sign3A_1833 : i1 to i32
        %sign3A_1835 = arith.subi %sign3A_1831, %sign3A_1834 : i32
        %ne3A_1836 = arith.cmpi ne, %sign3A_1828, %sign3A_1835 : i32
        %rem3A_1837 = arith.remsi %add3A_381, %jit3A_1820 : i32
        %ne3A_1838 = arith.constant 0 : i32
        %ne3A_1839 = arith.cmpi ne, %rem3A_1837, %ne3A_1838 : i32
        %and3A_1840 = arith.andi %ne3A_1836, %ne3A_1839 : i1
        %sub3A_1841 = arith.constant 1 : i32
        %sub3A_1842 = arith.subi %div3A_1821, %sub3A_1841 : i32
        %select_n3A_1843 = arith.select %and3A_1840, %sub3A_1842, %div3A_1821 : i32
        %jit3A_1844 = arith.constant 2 : i32
        %eq3A_1845 = arith.constant 0 : i32
        %eq3A_1846 = arith.cmpi eq, %jit3A_1844, %eq3A_1845 : i32
        %jit3A_1847 = arith.constant 1 : i32
        %select_n3A_1848 = arith.select %eq3A_1846, %jit3A_1847, %jit3A_1844 : i32
        %rem3A_1849 = arith.remsi %select_n3A_1843, %select_n3A_1848 : i32
        %ne3A_1850 = arith.constant 0 : i32
        %ne3A_1851 = arith.cmpi ne, %rem3A_1849, %ne3A_1850 : i32
        %lt3A_1852 = arith.constant 0 : i32
        %lt3A_1853 = arith.cmpi slt, %rem3A_1849, %lt3A_1852 : i32
        %lt3A_1854 = arith.constant 0 : i32
        %lt3A_1855 = arith.cmpi slt, %select_n3A_1848, %lt3A_1854 : i32
        %ne3A_1856 = arith.xori %lt3A_1853, %lt3A_1855 : i1
        %and3A_1857 = arith.andi %ne3A_1856, %ne3A_1851 : i1
        %add3A_1858 = arith.addi %rem3A_1849, %select_n3A_1848 : i32
        %select_n3A_1859 = arith.select %and3A_1857, %add3A_1858, %rem3A_1849 : i32
        %jit3A_1860 = arith.constant 4 : i32
        %eq3A_1861 = arith.constant 0 : i32
        %eq3A_1862 = arith.cmpi eq, %jit3A_1860, %eq3A_1861 : i32
        %jit3A_1863 = arith.constant 1 : i32
        %select_n3A_1864 = arith.select %eq3A_1862, %jit3A_1863, %jit3A_1860 : i32
        %rem3A_1865 = arith.remsi %add3A_381, %select_n3A_1864 : i32
        %ne3A_1866 = arith.constant 0 : i32
        %ne3A_1867 = arith.cmpi ne, %rem3A_1865, %ne3A_1866 : i32
        %lt3A_1868 = arith.constant 0 : i32
        %lt3A_1869 = arith.cmpi slt, %rem3A_1865, %lt3A_1868 : i32
        %lt3A_1870 = arith.constant 0 : i32
        %lt3A_1871 = arith.cmpi slt, %select_n3A_1864, %lt3A_1870 : i32
        %ne3A_1872 = arith.xori %lt3A_1869, %lt3A_1871 : i1
        %and3A_1873 = arith.andi %ne3A_1872, %ne3A_1867 : i1
        %add3A_1874 = arith.addi %rem3A_1865, %select_n3A_1864 : i32
        %select_n3A_1875 = arith.select %and3A_1873, %add3A_1874, %rem3A_1865 : i32
        %mul3A_1876 = arith.constant 128 : i32
        %mul3A_1877 = arith.muli %select_n3A_1875, %mul3A_1876 : i32
        %dma_start3A_1878 = arith.constant 2 : i32
        %dma_start3A_1879 = arith.constant 2 : i32
        %dma_start3A_1880 = arith.constant 0 : i32
        %dma_start3A_1881 = arith.constant 0 : i32
        %dma_start3A_1882 = tpu.memref_slice %arg6[%select_n3A_1681, %dma_start3A_1879, %dma_start3A_1880, %dma_start3A_1881] : memref<2x9x128x16xf32, #tpu.memory_space<vmem>> -> memref<1x1x128x16xf32, #tpu.memory_space<vmem>>
        %dma_start3A_1883 = tpu.memref_squeeze %dma_start3A_1882 : memref<1x1x128x16xf32, #tpu.memory_space<vmem>> -> memref<128x16xf32, #tpu.memory_space<vmem>>
        %dma_start3A_1884 = tpu.memref_slice %arg5[%select_n3A_1665, %dma_start3A_1878, %select_n3A_1859, %mul3A_1877] : memref<2x9x2x512xi32, #tpu.memory_space<vmem>> -> memref<1x1x1x128xi32, #tpu.memory_space<vmem>>
        %dma_start3A_1885 = tpu.memref_squeeze %dma_start3A_1884 : memref<1x1x1x128xi32, #tpu.memory_space<vmem>> -> memref<128xi32, #tpu.memory_space<vmem>>
        %dma_start3A_1886 = arith.constant 0 : i32
        %dma_start3A_1887 = arith.constant 0 : i32
        %dma_start3A_1888 = tpu.memref_slice %arg2[%dma_start3A_1886, %dma_start3A_1887] : memref<349184x16xf32, #tpu.memory_space<hbm>> -> memref<349184x16xf32, #tpu.memory_space<hbm>>
        tpu.enqueue_indirect_dma source(%dma_start3A_1888 : memref<349184x16xf32, #tpu.memory_space<hbm>>) target(%dma_start3A_1883 : memref<128x16xf32, #tpu.memory_space<vmem>>) offsets(%dma_start3A_1885 : memref<128xi32, #tpu.memory_space<vmem>>) semaphore(%arg8 : memref<!tpu.dma_semaphore, #tpu.memory_space<semaphore_mem>>)
        %jit3A_1889 = arith.constant 4 : i32
        %div3A_1890 = arith.divsi %add3A_381, %jit3A_1889 : i32
        %sign3A_1891 = arith.constant 0 : i32
        %sign3A_1892 = arith.cmpi sgt, %add3A_381, %sign3A_1891 : i32
        %sign3A_1893 = arith.extui %sign3A_1892 : i1 to i32
        %sign3A_1894 = arith.constant 0 : i32
        %sign3A_1895 = arith.cmpi slt, %add3A_381, %sign3A_1894 : i32
        %sign3A_1896 = arith.extui %sign3A_1895 : i1 to i32
        %sign3A_1897 = arith.subi %sign3A_1893, %sign3A_1896 : i32
        %sign3A_1898 = arith.constant 0 : i32
        %sign3A_1899 = arith.cmpi sgt, %jit3A_1889, %sign3A_1898 : i32
        %sign3A_1900 = arith.extui %sign3A_1899 : i1 to i32
        %sign3A_1901 = arith.constant 0 : i32
        %sign3A_1902 = arith.cmpi slt, %jit3A_1889, %sign3A_1901 : i32
        %sign3A_1903 = arith.extui %sign3A_1902 : i1 to i32
        %sign3A_1904 = arith.subi %sign3A_1900, %sign3A_1903 : i32
        %ne3A_1905 = arith.cmpi ne, %sign3A_1897, %sign3A_1904 : i32
        %rem3A_1906 = arith.remsi %add3A_381, %jit3A_1889 : i32
        %ne3A_1907 = arith.constant 0 : i32
        %ne3A_1908 = arith.cmpi ne, %rem3A_1906, %ne3A_1907 : i32
        %and3A_1909 = arith.andi %ne3A_1905, %ne3A_1908 : i1
        %sub3A_1910 = arith.constant 1 : i32
        %sub3A_1911 = arith.subi %div3A_1890, %sub3A_1910 : i32
        %select_n3A_1912 = arith.select %and3A_1909, %sub3A_1911, %div3A_1890 : i32
        %jit3A_1913 = arith.constant 2 : i32
        %eq3A_1914 = arith.constant 0 : i32
        %eq3A_1915 = arith.cmpi eq, %jit3A_1913, %eq3A_1914 : i32
        %jit3A_1916 = arith.constant 1 : i32
        %select_n3A_1917 = arith.select %eq3A_1915, %jit3A_1916, %jit3A_1913 : i32
        %rem3A_1918 = arith.remsi %select_n3A_1912, %select_n3A_1917 : i32
        %ne3A_1919 = arith.constant 0 : i32
        %ne3A_1920 = arith.cmpi ne, %rem3A_1918, %ne3A_1919 : i32
        %lt3A_1921 = arith.constant 0 : i32
        %lt3A_1922 = arith.cmpi slt, %rem3A_1918, %lt3A_1921 : i32
        %lt3A_1923 = arith.constant 0 : i32
        %lt3A_1924 = arith.cmpi slt, %select_n3A_1917, %lt3A_1923 : i32
        %ne3A_1925 = arith.xori %lt3A_1922, %lt3A_1924 : i1
        %and3A_1926 = arith.andi %ne3A_1925, %ne3A_1920 : i1
        %add3A_1927 = arith.addi %rem3A_1918, %select_n3A_1917 : i32
        %select_n3A_1928 = arith.select %and3A_1926, %add3A_1927, %rem3A_1918 : i32
        %jit3A_1929 = arith.constant 4 : i32
        %eq3A_1930 = arith.constant 0 : i32
        %eq3A_1931 = arith.cmpi eq, %jit3A_1929, %eq3A_1930 : i32
        %jit3A_1932 = arith.constant 1 : i32
        %select_n3A_1933 = arith.select %eq3A_1931, %jit3A_1932, %jit3A_1929 : i32
        %rem3A_1934 = arith.remsi %add3A_381, %select_n3A_1933 : i32
        %ne3A_1935 = arith.constant 0 : i32
        %ne3A_1936 = arith.cmpi ne, %rem3A_1934, %ne3A_1935 : i32
        %lt3A_1937 = arith.constant 0 : i32
        %lt3A_1938 = arith.cmpi slt, %rem3A_1934, %lt3A_1937 : i32
        %lt3A_1939 = arith.constant 0 : i32
        %lt3A_1940 = arith.cmpi slt, %select_n3A_1933, %lt3A_1939 : i32
        %ne3A_1941 = arith.xori %lt3A_1938, %lt3A_1940 : i1
        %and3A_1942 = arith.andi %ne3A_1941, %ne3A_1936 : i1
        %add3A_1943 = arith.addi %rem3A_1934, %select_n3A_1933 : i32
        %select_n3A_1944 = arith.select %and3A_1942, %add3A_1943, %rem3A_1934 : i32
        %mul3A_1945 = arith.constant 128 : i32
        %mul3A_1946 = arith.muli %select_n3A_1944, %mul3A_1945 : i32
        %dma_start3A_1947 = arith.constant 3 : i32
        %dma_start3A_1948 = arith.constant 3 : i32
        %dma_start3A_1949 = arith.constant 0 : i32
        %dma_start3A_1950 = arith.constant 0 : i32
        %dma_start3A_1951 = tpu.memref_slice %arg6[%select_n3A_1681, %dma_start3A_1948, %dma_start3A_1949, %dma_start3A_1950] : memref<2x9x128x16xf32, #tpu.memory_space<vmem>> -> memref<1x1x128x16xf32, #tpu.memory_space<vmem>>
        %dma_start3A_1952 = tpu.memref_squeeze %dma_start3A_1951 : memref<1x1x128x16xf32, #tpu.memory_space<vmem>> -> memref<128x16xf32, #tpu.memory_space<vmem>>
        %dma_start3A_1953 = tpu.memref_slice %arg5[%select_n3A_1665, %dma_start3A_1947, %select_n3A_1928, %mul3A_1946] : memref<2x9x2x512xi32, #tpu.memory_space<vmem>> -> memref<1x1x1x128xi32, #tpu.memory_space<vmem>>
        %dma_start3A_1954 = tpu.memref_squeeze %dma_start3A_1953 : memref<1x1x1x128xi32, #tpu.memory_space<vmem>> -> memref<128xi32, #tpu.memory_space<vmem>>
        %dma_start3A_1955 = arith.constant 0 : i32
        %dma_start3A_1956 = arith.constant 0 : i32
        %dma_start3A_1957 = tpu.memref_slice %arg2[%dma_start3A_1955, %dma_start3A_1956] : memref<349184x16xf32, #tpu.memory_space<hbm>> -> memref<349184x16xf32, #tpu.memory_space<hbm>>
        tpu.enqueue_indirect_dma source(%dma_start3A_1957 : memref<349184x16xf32, #tpu.memory_space<hbm>>) target(%dma_start3A_1952 : memref<128x16xf32, #tpu.memory_space<vmem>>) offsets(%dma_start3A_1954 : memref<128xi32, #tpu.memory_space<vmem>>) semaphore(%arg8 : memref<!tpu.dma_semaphore, #tpu.memory_space<semaphore_mem>>)
        %jit3A_1958 = arith.constant 4 : i32
        %div3A_1959 = arith.divsi %add3A_381, %jit3A_1958 : i32
        %sign3A_1960 = arith.constant 0 : i32
        %sign3A_1961 = arith.cmpi sgt, %add3A_381, %sign3A_1960 : i32
        %sign3A_1962 = arith.extui %sign3A_1961 : i1 to i32
        %sign3A_1963 = arith.constant 0 : i32
        %sign3A_1964 = arith.cmpi slt, %add3A_381, %sign3A_1963 : i32
        %sign3A_1965 = arith.extui %sign3A_1964 : i1 to i32
        %sign3A_1966 = arith.subi %sign3A_1962, %sign3A_1965 : i32
        %sign3A_1967 = arith.constant 0 : i32
        %sign3A_1968 = arith.cmpi sgt, %jit3A_1958, %sign3A_1967 : i32
        %sign3A_1969 = arith.extui %sign3A_1968 : i1 to i32
        %sign3A_1970 = arith.constant 0 : i32
        %sign3A_1971 = arith.cmpi slt, %jit3A_1958, %sign3A_1970 : i32
        %sign3A_1972 = arith.extui %sign3A_1971 : i1 to i32
        %sign3A_1973 = arith.subi %sign3A_1969, %sign3A_1972 : i32
        %ne3A_1974 = arith.cmpi ne, %sign3A_1966, %sign3A_1973 : i32
        %rem3A_1975 = arith.remsi %add3A_381, %jit3A_1958 : i32
        %ne3A_1976 = arith.constant 0 : i32
        %ne3A_1977 = arith.cmpi ne, %rem3A_1975, %ne3A_1976 : i32
        %and3A_1978 = arith.andi %ne3A_1974, %ne3A_1977 : i1
        %sub3A_1979 = arith.constant 1 : i32
        %sub3A_1980 = arith.subi %div3A_1959, %sub3A_1979 : i32
        %select_n3A_1981 = arith.select %and3A_1978, %sub3A_1980, %div3A_1959 : i32
        %jit3A_1982 = arith.constant 2 : i32
        %eq3A_1983 = arith.constant 0 : i32
        %eq3A_1984 = arith.cmpi eq, %jit3A_1982, %eq3A_1983 : i32
        %jit3A_1985 = arith.constant 1 : i32
        %select_n3A_1986 = arith.select %eq3A_1984, %jit3A_1985, %jit3A_1982 : i32
        %rem3A_1987 = arith.remsi %select_n3A_1981, %select_n3A_1986 : i32
        %ne3A_1988 = arith.constant 0 : i32
        %ne3A_1989 = arith.cmpi ne, %rem3A_1987, %ne3A_1988 : i32
        %lt3A_1990 = arith.constant 0 : i32
        %lt3A_1991 = arith.cmpi slt, %rem3A_1987, %lt3A_1990 : i32
        %lt3A_1992 = arith.constant 0 : i32
        %lt3A_1993 = arith.cmpi slt, %select_n3A_1986, %lt3A_1992 : i32
        %ne3A_1994 = arith.xori %lt3A_1991, %lt3A_1993 : i1
        %and3A_1995 = arith.andi %ne3A_1994, %ne3A_1989 : i1
        %add3A_1996 = arith.addi %rem3A_1987, %select_n3A_1986 : i32
        %select_n3A_1997 = arith.select %and3A_1995, %add3A_1996, %rem3A_1987 : i32
        %jit3A_1998 = arith.constant 4 : i32
        %eq3A_1999 = arith.constant 0 : i32
        %eq3A_2000 = arith.cmpi eq, %jit3A_1998, %eq3A_1999 : i32
        %jit3A_2001 = arith.constant 1 : i32
        %select_n3A_2002 = arith.select %eq3A_2000, %jit3A_2001, %jit3A_1998 : i32
        %rem3A_2003 = arith.remsi %add3A_381, %select_n3A_2002 : i32
        %ne3A_2004 = arith.constant 0 : i32
        %ne3A_2005 = arith.cmpi ne, %rem3A_2003, %ne3A_2004 : i32
        %lt3A_2006 = arith.constant 0 : i32
        %lt3A_2007 = arith.cmpi slt, %rem3A_2003, %lt3A_2006 : i32
        %lt3A_2008 = arith.constant 0 : i32
        %lt3A_2009 = arith.cmpi slt, %select_n3A_2002, %lt3A_2008 : i32
        %ne3A_2010 = arith.xori %lt3A_2007, %lt3A_2009 : i1
        %and3A_2011 = arith.andi %ne3A_2010, %ne3A_2005 : i1
        %add3A_2012 = arith.addi %rem3A_2003, %select_n3A_2002 : i32
        %select_n3A_2013 = arith.select %and3A_2011, %add3A_2012, %rem3A_2003 : i32
        %mul3A_2014 = arith.constant 128 : i32
        %mul3A_2015 = arith.muli %select_n3A_2013, %mul3A_2014 : i32
        %dma_start3A_2016 = arith.constant 4 : i32
        %dma_start3A_2017 = arith.constant 4 : i32
        %dma_start3A_2018 = arith.constant 0 : i32
        %dma_start3A_2019 = arith.constant 0 : i32
        %dma_start3A_2020 = tpu.memref_slice %arg6[%select_n3A_1681, %dma_start3A_2017, %dma_start3A_2018, %dma_start3A_2019] : memref<2x9x128x16xf32, #tpu.memory_space<vmem>> -> memref<1x1x128x16xf32, #tpu.memory_space<vmem>>
        %dma_start3A_2021 = tpu.memref_squeeze %dma_start3A_2020 : memref<1x1x128x16xf32, #tpu.memory_space<vmem>> -> memref<128x16xf32, #tpu.memory_space<vmem>>
        %dma_start3A_2022 = tpu.memref_slice %arg5[%select_n3A_1665, %dma_start3A_2016, %select_n3A_1997, %mul3A_2015] : memref<2x9x2x512xi32, #tpu.memory_space<vmem>> -> memref<1x1x1x128xi32, #tpu.memory_space<vmem>>
        %dma_start3A_2023 = tpu.memref_squeeze %dma_start3A_2022 : memref<1x1x1x128xi32, #tpu.memory_space<vmem>> -> memref<128xi32, #tpu.memory_space<vmem>>
        %dma_start3A_2024 = arith.constant 0 : i32
        %dma_start3A_2025 = arith.constant 0 : i32
        %dma_start3A_2026 = tpu.memref_slice %arg2[%dma_start3A_2024, %dma_start3A_2025] : memref<349184x16xf32, #tpu.memory_space<hbm>> -> memref<349184x16xf32, #tpu.memory_space<hbm>>
        tpu.enqueue_indirect_dma source(%dma_start3A_2026 : memref<349184x16xf32, #tpu.memory_space<hbm>>) target(%dma_start3A_2021 : memref<128x16xf32, #tpu.memory_space<vmem>>) offsets(%dma_start3A_2023 : memref<128xi32, #tpu.memory_space<vmem>>) semaphore(%arg8 : memref<!tpu.dma_semaphore, #tpu.memory_space<semaphore_mem>>)
        %jit3A_2027 = arith.constant 4 : i32
        %div3A_2028 = arith.divsi %add3A_381, %jit3A_2027 : i32
        %sign3A_2029 = arith.constant 0 : i32
        %sign3A_2030 = arith.cmpi sgt, %add3A_381, %sign3A_2029 : i32
        %sign3A_2031 = arith.extui %sign3A_2030 : i1 to i32
        %sign3A_2032 = arith.constant 0 : i32
        %sign3A_2033 = arith.cmpi slt, %add3A_381, %sign3A_2032 : i32
        %sign3A_2034 = arith.extui %sign3A_2033 : i1 to i32
        %sign3A_2035 = arith.subi %sign3A_2031, %sign3A_2034 : i32
        %sign3A_2036 = arith.constant 0 : i32
        %sign3A_2037 = arith.cmpi sgt, %jit3A_2027, %sign3A_2036 : i32
        %sign3A_2038 = arith.extui %sign3A_2037 : i1 to i32
        %sign3A_2039 = arith.constant 0 : i32
        %sign3A_2040 = arith.cmpi slt, %jit3A_2027, %sign3A_2039 : i32
        %sign3A_2041 = arith.extui %sign3A_2040 : i1 to i32
        %sign3A_2042 = arith.subi %sign3A_2038, %sign3A_2041 : i32
        %ne3A_2043 = arith.cmpi ne, %sign3A_2035, %sign3A_2042 : i32
        %rem3A_2044 = arith.remsi %add3A_381, %jit3A_2027 : i32
        %ne3A_2045 = arith.constant 0 : i32
        %ne3A_2046 = arith.cmpi ne, %rem3A_2044, %ne3A_2045 : i32
        %and3A_2047 = arith.andi %ne3A_2043, %ne3A_2046 : i1
        %sub3A_2048 = arith.constant 1 : i32
        %sub3A_2049 = arith.subi %div3A_2028, %sub3A_2048 : i32
        %select_n3A_2050 = arith.select %and3A_2047, %sub3A_2049, %div3A_2028 : i32
        %jit3A_2051 = arith.constant 2 : i32
        %eq3A_2052 = arith.constant 0 : i32
        %eq3A_2053 = arith.cmpi eq, %jit3A_2051, %eq3A_2052 : i32
        %jit3A_2054 = arith.constant 1 : i32
        %select_n3A_2055 = arith.select %eq3A_2053, %jit3A_2054, %jit3A_2051 : i32
        %rem3A_2056 = arith.remsi %select_n3A_2050, %select_n3A_2055 : i32
        %ne3A_2057 = arith.constant 0 : i32
        %ne3A_2058 = arith.cmpi ne, %rem3A_2056, %ne3A_2057 : i32
        %lt3A_2059 = arith.constant 0 : i32
        %lt3A_2060 = arith.cmpi slt, %rem3A_2056, %lt3A_2059 : i32
        %lt3A_2061 = arith.constant 0 : i32
        %lt3A_2062 = arith.cmpi slt, %select_n3A_2055, %lt3A_2061 : i32
        %ne3A_2063 = arith.xori %lt3A_2060, %lt3A_2062 : i1
        %and3A_2064 = arith.andi %ne3A_2063, %ne3A_2058 : i1
        %add3A_2065 = arith.addi %rem3A_2056, %select_n3A_2055 : i32
        %select_n3A_2066 = arith.select %and3A_2064, %add3A_2065, %rem3A_2056 : i32
        %jit3A_2067 = arith.constant 4 : i32
        %eq3A_2068 = arith.constant 0 : i32
        %eq3A_2069 = arith.cmpi eq, %jit3A_2067, %eq3A_2068 : i32
        %jit3A_2070 = arith.constant 1 : i32
        %select_n3A_2071 = arith.select %eq3A_2069, %jit3A_2070, %jit3A_2067 : i32
        %rem3A_2072 = arith.remsi %add3A_381, %select_n3A_2071 : i32
        %ne3A_2073 = arith.constant 0 : i32
        %ne3A_2074 = arith.cmpi ne, %rem3A_2072, %ne3A_2073 : i32
        %lt3A_2075 = arith.constant 0 : i32
        %lt3A_2076 = arith.cmpi slt, %rem3A_2072, %lt3A_2075 : i32
        %lt3A_2077 = arith.constant 0 : i32
        %lt3A_2078 = arith.cmpi slt, %select_n3A_2071, %lt3A_2077 : i32
        %ne3A_2079 = arith.xori %lt3A_2076, %lt3A_2078 : i1
        %and3A_2080 = arith.andi %ne3A_2079, %ne3A_2074 : i1
        %add3A_2081 = arith.addi %rem3A_2072, %select_n3A_2071 : i32
        %select_n3A_2082 = arith.select %and3A_2080, %add3A_2081, %rem3A_2072 : i32
        %mul3A_2083 = arith.constant 128 : i32
        %mul3A_2084 = arith.muli %select_n3A_2082, %mul3A_2083 : i32
        %dma_start3A_2085 = arith.constant 5 : i32
        %dma_start3A_2086 = arith.constant 5 : i32
        %dma_start3A_2087 = arith.constant 0 : i32
        %dma_start3A_2088 = arith.constant 0 : i32
        %dma_start3A_2089 = tpu.memref_slice %arg6[%select_n3A_1681, %dma_start3A_2086, %dma_start3A_2087, %dma_start3A_2088] : memref<2x9x128x16xf32, #tpu.memory_space<vmem>> -> memref<1x1x128x16xf32, #tpu.memory_space<vmem>>
        %dma_start3A_2090 = tpu.memref_squeeze %dma_start3A_2089 : memref<1x1x128x16xf32, #tpu.memory_space<vmem>> -> memref<128x16xf32, #tpu.memory_space<vmem>>
        %dma_start3A_2091 = tpu.memref_slice %arg5[%select_n3A_1665, %dma_start3A_2085, %select_n3A_2066, %mul3A_2084] : memref<2x9x2x512xi32, #tpu.memory_space<vmem>> -> memref<1x1x1x128xi32, #tpu.memory_space<vmem>>
        %dma_start3A_2092 = tpu.memref_squeeze %dma_start3A_2091 : memref<1x1x1x128xi32, #tpu.memory_space<vmem>> -> memref<128xi32, #tpu.memory_space<vmem>>
        %dma_start3A_2093 = arith.constant 0 : i32
        %dma_start3A_2094 = arith.constant 0 : i32
        %dma_start3A_2095 = tpu.memref_slice %arg2[%dma_start3A_2093, %dma_start3A_2094] : memref<349184x16xf32, #tpu.memory_space<hbm>> -> memref<349184x16xf32, #tpu.memory_space<hbm>>
        tpu.enqueue_indirect_dma source(%dma_start3A_2095 : memref<349184x16xf32, #tpu.memory_space<hbm>>) target(%dma_start3A_2090 : memref<128x16xf32, #tpu.memory_space<vmem>>) offsets(%dma_start3A_2092 : memref<128xi32, #tpu.memory_space<vmem>>) semaphore(%arg8 : memref<!tpu.dma_semaphore, #tpu.memory_space<semaphore_mem>>)
        %jit3A_2096 = arith.constant 4 : i32
        %div3A_2097 = arith.divsi %add3A_381, %jit3A_2096 : i32
        %sign3A_2098 = arith.constant 0 : i32
        %sign3A_2099 = arith.cmpi sgt, %add3A_381, %sign3A_2098 : i32
        %sign3A_2100 = arith.extui %sign3A_2099 : i1 to i32
        %sign3A_2101 = arith.constant 0 : i32
        %sign3A_2102 = arith.cmpi slt, %add3A_381, %sign3A_2101 : i32
        %sign3A_2103 = arith.extui %sign3A_2102 : i1 to i32
        %sign3A_2104 = arith.subi %sign3A_2100, %sign3A_2103 : i32
        %sign3A_2105 = arith.constant 0 : i32
        %sign3A_2106 = arith.cmpi sgt, %jit3A_2096, %sign3A_2105 : i32
        %sign3A_2107 = arith.extui %sign3A_2106 : i1 to i32
        %sign3A_2108 = arith.constant 0 : i32
        %sign3A_2109 = arith.cmpi slt, %jit3A_2096, %sign3A_2108 : i32
        %sign3A_2110 = arith.extui %sign3A_2109 : i1 to i32
        %sign3A_2111 = arith.subi %sign3A_2107, %sign3A_2110 : i32
        %ne3A_2112 = arith.cmpi ne, %sign3A_2104, %sign3A_2111 : i32
        %rem3A_2113 = arith.remsi %add3A_381, %jit3A_2096 : i32
        %ne3A_2114 = arith.constant 0 : i32
        %ne3A_2115 = arith.cmpi ne, %rem3A_2113, %ne3A_2114 : i32
        %and3A_2116 = arith.andi %ne3A_2112, %ne3A_2115 : i1
        %sub3A_2117 = arith.constant 1 : i32
        %sub3A_2118 = arith.subi %div3A_2097, %sub3A_2117 : i32
        %select_n3A_2119 = arith.select %and3A_2116, %sub3A_2118, %div3A_2097 : i32
        %jit3A_2120 = arith.constant 2 : i32
        %eq3A_2121 = arith.constant 0 : i32
        %eq3A_2122 = arith.cmpi eq, %jit3A_2120, %eq3A_2121 : i32
        %jit3A_2123 = arith.constant 1 : i32
        %select_n3A_2124 = arith.select %eq3A_2122, %jit3A_2123, %jit3A_2120 : i32
        %rem3A_2125 = arith.remsi %select_n3A_2119, %select_n3A_2124 : i32
        %ne3A_2126 = arith.constant 0 : i32
        %ne3A_2127 = arith.cmpi ne, %rem3A_2125, %ne3A_2126 : i32
        %lt3A_2128 = arith.constant 0 : i32
        %lt3A_2129 = arith.cmpi slt, %rem3A_2125, %lt3A_2128 : i32
        %lt3A_2130 = arith.constant 0 : i32
        %lt3A_2131 = arith.cmpi slt, %select_n3A_2124, %lt3A_2130 : i32
        %ne3A_2132 = arith.xori %lt3A_2129, %lt3A_2131 : i1
        %and3A_2133 = arith.andi %ne3A_2132, %ne3A_2127 : i1
        %add3A_2134 = arith.addi %rem3A_2125, %select_n3A_2124 : i32
        %select_n3A_2135 = arith.select %and3A_2133, %add3A_2134, %rem3A_2125 : i32
        %jit3A_2136 = arith.constant 4 : i32
        %eq3A_2137 = arith.constant 0 : i32
        %eq3A_2138 = arith.cmpi eq, %jit3A_2136, %eq3A_2137 : i32
        %jit3A_2139 = arith.constant 1 : i32
        %select_n3A_2140 = arith.select %eq3A_2138, %jit3A_2139, %jit3A_2136 : i32
        %rem3A_2141 = arith.remsi %add3A_381, %select_n3A_2140 : i32
        %ne3A_2142 = arith.constant 0 : i32
        %ne3A_2143 = arith.cmpi ne, %rem3A_2141, %ne3A_2142 : i32
        %lt3A_2144 = arith.constant 0 : i32
        %lt3A_2145 = arith.cmpi slt, %rem3A_2141, %lt3A_2144 : i32
        %lt3A_2146 = arith.constant 0 : i32
        %lt3A_2147 = arith.cmpi slt, %select_n3A_2140, %lt3A_2146 : i32
        %ne3A_2148 = arith.xori %lt3A_2145, %lt3A_2147 : i1
        %and3A_2149 = arith.andi %ne3A_2148, %ne3A_2143 : i1
        %add3A_2150 = arith.addi %rem3A_2141, %select_n3A_2140 : i32
        %select_n3A_2151 = arith.select %and3A_2149, %add3A_2150, %rem3A_2141 : i32
        %mul3A_2152 = arith.constant 128 : i32
        %mul3A_2153 = arith.muli %select_n3A_2151, %mul3A_2152 : i32
        %dma_start3A_2154 = arith.constant 6 : i32
        %dma_start3A_2155 = arith.constant 6 : i32
        %dma_start3A_2156 = arith.constant 0 : i32
        %dma_start3A_2157 = arith.constant 0 : i32
        %dma_start3A_2158 = tpu.memref_slice %arg6[%select_n3A_1681, %dma_start3A_2155, %dma_start3A_2156, %dma_start3A_2157] : memref<2x9x128x16xf32, #tpu.memory_space<vmem>> -> memref<1x1x128x16xf32, #tpu.memory_space<vmem>>
        %dma_start3A_2159 = tpu.memref_squeeze %dma_start3A_2158 : memref<1x1x128x16xf32, #tpu.memory_space<vmem>> -> memref<128x16xf32, #tpu.memory_space<vmem>>
        %dma_start3A_2160 = tpu.memref_slice %arg5[%select_n3A_1665, %dma_start3A_2154, %select_n3A_2135, %mul3A_2153] : memref<2x9x2x512xi32, #tpu.memory_space<vmem>> -> memref<1x1x1x128xi32, #tpu.memory_space<vmem>>
        %dma_start3A_2161 = tpu.memref_squeeze %dma_start3A_2160 : memref<1x1x1x128xi32, #tpu.memory_space<vmem>> -> memref<128xi32, #tpu.memory_space<vmem>>
        %dma_start3A_2162 = arith.constant 0 : i32
        %dma_start3A_2163 = arith.constant 0 : i32
        %dma_start3A_2164 = tpu.memref_slice %arg2[%dma_start3A_2162, %dma_start3A_2163] : memref<349184x16xf32, #tpu.memory_space<hbm>> -> memref<349184x16xf32, #tpu.memory_space<hbm>>
        tpu.enqueue_indirect_dma source(%dma_start3A_2164 : memref<349184x16xf32, #tpu.memory_space<hbm>>) target(%dma_start3A_2159 : memref<128x16xf32, #tpu.memory_space<vmem>>) offsets(%dma_start3A_2161 : memref<128xi32, #tpu.memory_space<vmem>>) semaphore(%arg8 : memref<!tpu.dma_semaphore, #tpu.memory_space<semaphore_mem>>)
        %jit3A_2165 = arith.constant 4 : i32
        %div3A_2166 = arith.divsi %add3A_381, %jit3A_2165 : i32
        %sign3A_2167 = arith.constant 0 : i32
        %sign3A_2168 = arith.cmpi sgt, %add3A_381, %sign3A_2167 : i32
        %sign3A_2169 = arith.extui %sign3A_2168 : i1 to i32
        %sign3A_2170 = arith.constant 0 : i32
        %sign3A_2171 = arith.cmpi slt, %add3A_381, %sign3A_2170 : i32
        %sign3A_2172 = arith.extui %sign3A_2171 : i1 to i32
        %sign3A_2173 = arith.subi %sign3A_2169, %sign3A_2172 : i32
        %sign3A_2174 = arith.constant 0 : i32
        %sign3A_2175 = arith.cmpi sgt, %jit3A_2165, %sign3A_2174 : i32
        %sign3A_2176 = arith.extui %sign3A_2175 : i1 to i32
        %sign3A_2177 = arith.constant 0 : i32
        %sign3A_2178 = arith.cmpi slt, %jit3A_2165, %sign3A_2177 : i32
        %sign3A_2179 = arith.extui %sign3A_2178 : i1 to i32
        %sign3A_2180 = arith.subi %sign3A_2176, %sign3A_2179 : i32
        %ne3A_2181 = arith.cmpi ne, %sign3A_2173, %sign3A_2180 : i32
        %rem3A_2182 = arith.remsi %add3A_381, %jit3A_2165 : i32
        %ne3A_2183 = arith.constant 0 : i32
        %ne3A_2184 = arith.cmpi ne, %rem3A_2182, %ne3A_2183 : i32
        %and3A_2185 = arith.andi %ne3A_2181, %ne3A_2184 : i1
        %sub3A_2186 = arith.constant 1 : i32
        %sub3A_2187 = arith.subi %div3A_2166, %sub3A_2186 : i32
        %select_n3A_2188 = arith.select %and3A_2185, %sub3A_2187, %div3A_2166 : i32
        %jit3A_2189 = arith.constant 2 : i32
        %eq3A_2190 = arith.constant 0 : i32
        %eq3A_2191 = arith.cmpi eq, %jit3A_2189, %eq3A_2190 : i32
        %jit3A_2192 = arith.constant 1 : i32
        %select_n3A_2193 = arith.select %eq3A_2191, %jit3A_2192, %jit3A_2189 : i32
        %rem3A_2194 = arith.remsi %select_n3A_2188, %select_n3A_2193 : i32
        %ne3A_2195 = arith.constant 0 : i32
        %ne3A_2196 = arith.cmpi ne, %rem3A_2194, %ne3A_2195 : i32
        %lt3A_2197 = arith.constant 0 : i32
        %lt3A_2198 = arith.cmpi slt, %rem3A_2194, %lt3A_2197 : i32
        %lt3A_2199 = arith.constant 0 : i32
        %lt3A_2200 = arith.cmpi slt, %select_n3A_2193, %lt3A_2199 : i32
        %ne3A_2201 = arith.xori %lt3A_2198, %lt3A_2200 : i1
        %and3A_2202 = arith.andi %ne3A_2201, %ne3A_2196 : i1
        %add3A_2203 = arith.addi %rem3A_2194, %select_n3A_2193 : i32
        %select_n3A_2204 = arith.select %and3A_2202, %add3A_2203, %rem3A_2194 : i32
        %jit3A_2205 = arith.constant 4 : i32
        %eq3A_2206 = arith.constant 0 : i32
        %eq3A_2207 = arith.cmpi eq, %jit3A_2205, %eq3A_2206 : i32
        %jit3A_2208 = arith.constant 1 : i32
        %select_n3A_2209 = arith.select %eq3A_2207, %jit3A_2208, %jit3A_2205 : i32
        %rem3A_2210 = arith.remsi %add3A_381, %select_n3A_2209 : i32
        %ne3A_2211 = arith.constant 0 : i32
        %ne3A_2212 = arith.cmpi ne, %rem3A_2210, %ne3A_2211 : i32
        %lt3A_2213 = arith.constant 0 : i32
        %lt3A_2214 = arith.cmpi slt, %rem3A_2210, %lt3A_2213 : i32
        %lt3A_2215 = arith.constant 0 : i32
        %lt3A_2216 = arith.cmpi slt, %select_n3A_2209, %lt3A_2215 : i32
        %ne3A_2217 = arith.xori %lt3A_2214, %lt3A_2216 : i1
        %and3A_2218 = arith.andi %ne3A_2217, %ne3A_2212 : i1
        %add3A_2219 = arith.addi %rem3A_2210, %select_n3A_2209 : i32
        %select_n3A_2220 = arith.select %and3A_2218, %add3A_2219, %rem3A_2210 : i32
        %mul3A_2221 = arith.constant 128 : i32
        %mul3A_2222 = arith.muli %select_n3A_2220, %mul3A_2221 : i32
        %dma_start3A_2223 = arith.constant 7 : i32
        %dma_start3A_2224 = arith.constant 7 : i32
        %dma_start3A_2225 = arith.constant 0 : i32
        %dma_start3A_2226 = arith.constant 0 : i32
        %dma_start3A_2227 = tpu.memref_slice %arg6[%select_n3A_1681, %dma_start3A_2224, %dma_start3A_2225, %dma_start3A_2226] : memref<2x9x128x16xf32, #tpu.memory_space<vmem>> -> memref<1x1x128x16xf32, #tpu.memory_space<vmem>>
        %dma_start3A_2228 = tpu.memref_squeeze %dma_start3A_2227 : memref<1x1x128x16xf32, #tpu.memory_space<vmem>> -> memref<128x16xf32, #tpu.memory_space<vmem>>
        %dma_start3A_2229 = tpu.memref_slice %arg5[%select_n3A_1665, %dma_start3A_2223, %select_n3A_2204, %mul3A_2222] : memref<2x9x2x512xi32, #tpu.memory_space<vmem>> -> memref<1x1x1x128xi32, #tpu.memory_space<vmem>>
        %dma_start3A_2230 = tpu.memref_squeeze %dma_start3A_2229 : memref<1x1x1x128xi32, #tpu.memory_space<vmem>> -> memref<128xi32, #tpu.memory_space<vmem>>
        %dma_start3A_2231 = arith.constant 0 : i32
        %dma_start3A_2232 = arith.constant 0 : i32
        %dma_start3A_2233 = tpu.memref_slice %arg2[%dma_start3A_2231, %dma_start3A_2232] : memref<349184x16xf32, #tpu.memory_space<hbm>> -> memref<349184x16xf32, #tpu.memory_space<hbm>>
        tpu.enqueue_indirect_dma source(%dma_start3A_2233 : memref<349184x16xf32, #tpu.memory_space<hbm>>) target(%dma_start3A_2228 : memref<128x16xf32, #tpu.memory_space<vmem>>) offsets(%dma_start3A_2230 : memref<128xi32, #tpu.memory_space<vmem>>) semaphore(%arg8 : memref<!tpu.dma_semaphore, #tpu.memory_space<semaphore_mem>>)
        %jit3A_2234 = arith.constant 4 : i32
        %div3A_2235 = arith.divsi %add3A_381, %jit3A_2234 : i32
        %sign3A_2236 = arith.constant 0 : i32
        %sign3A_2237 = arith.cmpi sgt, %add3A_381, %sign3A_2236 : i32
        %sign3A_2238 = arith.extui %sign3A_2237 : i1 to i32
        %sign3A_2239 = arith.constant 0 : i32
        %sign3A_2240 = arith.cmpi slt, %add3A_381, %sign3A_2239 : i32
        %sign3A_2241 = arith.extui %sign3A_2240 : i1 to i32
        %sign3A_2242 = arith.subi %sign3A_2238, %sign3A_2241 : i32
        %sign3A_2243 = arith.constant 0 : i32
        %sign3A_2244 = arith.cmpi sgt, %jit3A_2234, %sign3A_2243 : i32
        %sign3A_2245 = arith.extui %sign3A_2244 : i1 to i32
        %sign3A_2246 = arith.constant 0 : i32
        %sign3A_2247 = arith.cmpi slt, %jit3A_2234, %sign3A_2246 : i32
        %sign3A_2248 = arith.extui %sign3A_2247 : i1 to i32
        %sign3A_2249 = arith.subi %sign3A_2245, %sign3A_2248 : i32
        %ne3A_2250 = arith.cmpi ne, %sign3A_2242, %sign3A_2249 : i32
        %rem3A_2251 = arith.remsi %add3A_381, %jit3A_2234 : i32
        %ne3A_2252 = arith.constant 0 : i32
        %ne3A_2253 = arith.cmpi ne, %rem3A_2251, %ne3A_2252 : i32
        %and3A_2254 = arith.andi %ne3A_2250, %ne3A_2253 : i1
        %sub3A_2255 = arith.constant 1 : i32
        %sub3A_2256 = arith.subi %div3A_2235, %sub3A_2255 : i32
        %select_n3A_2257 = arith.select %and3A_2254, %sub3A_2256, %div3A_2235 : i32
        %jit3A_2258 = arith.constant 2 : i32
        %eq3A_2259 = arith.constant 0 : i32
        %eq3A_2260 = arith.cmpi eq, %jit3A_2258, %eq3A_2259 : i32
        %jit3A_2261 = arith.constant 1 : i32
        %select_n3A_2262 = arith.select %eq3A_2260, %jit3A_2261, %jit3A_2258 : i32
        %rem3A_2263 = arith.remsi %select_n3A_2257, %select_n3A_2262 : i32
        %ne3A_2264 = arith.constant 0 : i32
        %ne3A_2265 = arith.cmpi ne, %rem3A_2263, %ne3A_2264 : i32
        %lt3A_2266 = arith.constant 0 : i32
        %lt3A_2267 = arith.cmpi slt, %rem3A_2263, %lt3A_2266 : i32
        %lt3A_2268 = arith.constant 0 : i32
        %lt3A_2269 = arith.cmpi slt, %select_n3A_2262, %lt3A_2268 : i32
        %ne3A_2270 = arith.xori %lt3A_2267, %lt3A_2269 : i1
        %and3A_2271 = arith.andi %ne3A_2270, %ne3A_2265 : i1
        %add3A_2272 = arith.addi %rem3A_2263, %select_n3A_2262 : i32
        %select_n3A_2273 = arith.select %and3A_2271, %add3A_2272, %rem3A_2263 : i32
        %jit3A_2274 = arith.constant 4 : i32
        %eq3A_2275 = arith.constant 0 : i32
        %eq3A_2276 = arith.cmpi eq, %jit3A_2274, %eq3A_2275 : i32
        %jit3A_2277 = arith.constant 1 : i32
        %select_n3A_2278 = arith.select %eq3A_2276, %jit3A_2277, %jit3A_2274 : i32
        %rem3A_2279 = arith.remsi %add3A_381, %select_n3A_2278 : i32
        %ne3A_2280 = arith.constant 0 : i32
        %ne3A_2281 = arith.cmpi ne, %rem3A_2279, %ne3A_2280 : i32
        %lt3A_2282 = arith.constant 0 : i32
        %lt3A_2283 = arith.cmpi slt, %rem3A_2279, %lt3A_2282 : i32
        %lt3A_2284 = arith.constant 0 : i32
        %lt3A_2285 = arith.cmpi slt, %select_n3A_2278, %lt3A_2284 : i32
        %ne3A_2286 = arith.xori %lt3A_2283, %lt3A_2285 : i1
        %and3A_2287 = arith.andi %ne3A_2286, %ne3A_2281 : i1
        %add3A_2288 = arith.addi %rem3A_2279, %select_n3A_2278 : i32
        %select_n3A_2289 = arith.select %and3A_2287, %add3A_2288, %rem3A_2279 : i32
        %mul3A_2290 = arith.constant 128 : i32
        %mul3A_2291 = arith.muli %select_n3A_2289, %mul3A_2290 : i32
        %dma_start3A_2292 = arith.constant 8 : i32
        %dma_start3A_2293 = arith.constant 8 : i32
        %dma_start3A_2294 = arith.constant 0 : i32
        %dma_start3A_2295 = arith.constant 0 : i32
        %dma_start3A_2296 = tpu.memref_slice %arg6[%select_n3A_1681, %dma_start3A_2293, %dma_start3A_2294, %dma_start3A_2295] : memref<2x9x128x16xf32, #tpu.memory_space<vmem>> -> memref<1x1x128x16xf32, #tpu.memory_space<vmem>>
        %dma_start3A_2297 = tpu.memref_squeeze %dma_start3A_2296 : memref<1x1x128x16xf32, #tpu.memory_space<vmem>> -> memref<128x16xf32, #tpu.memory_space<vmem>>
        %dma_start3A_2298 = tpu.memref_slice %arg5[%select_n3A_1665, %dma_start3A_2292, %select_n3A_2273, %mul3A_2291] : memref<2x9x2x512xi32, #tpu.memory_space<vmem>> -> memref<1x1x1x128xi32, #tpu.memory_space<vmem>>
        %dma_start3A_2299 = tpu.memref_squeeze %dma_start3A_2298 : memref<1x1x1x128xi32, #tpu.memory_space<vmem>> -> memref<128xi32, #tpu.memory_space<vmem>>
        %dma_start3A_2300 = arith.constant 0 : i32
        %dma_start3A_2301 = arith.constant 0 : i32
        %dma_start3A_2302 = tpu.memref_slice %arg2[%dma_start3A_2300, %dma_start3A_2301] : memref<349184x16xf32, #tpu.memory_space<hbm>> -> memref<349184x16xf32, #tpu.memory_space<hbm>>
        tpu.enqueue_indirect_dma source(%dma_start3A_2302 : memref<349184x16xf32, #tpu.memory_space<hbm>>) target(%dma_start3A_2297 : memref<128x16xf32, #tpu.memory_space<vmem>>) offsets(%dma_start3A_2299 : memref<128xi32, #tpu.memory_space<vmem>>) semaphore(%arg8 : memref<!tpu.dma_semaphore, #tpu.memory_space<semaphore_mem>>)
      } else {
      }
      %jit3A_1112 = arith.constant 2 : i32
      %eq3A_1113 = arith.constant 0 : i32
      %eq3A_1114 = arith.cmpi eq, %jit3A_1112, %eq3A_1113 : i32
      %jit3A_1115 = arith.constant 1 : i32
      %select_n3A_1116 = arith.select %eq3A_1114, %jit3A_1115, %jit3A_1112 : i32
      %rem3A_1117 = arith.remsi %add3A_379, %select_n3A_1116 : i32
      %ne3A_1118 = arith.constant 0 : i32
      %ne3A_1119 = arith.cmpi ne, %rem3A_1117, %ne3A_1118 : i32
      %lt3A_1120 = arith.constant 0 : i32
      %lt3A_1121 = arith.cmpi slt, %rem3A_1117, %lt3A_1120 : i32
      %lt3A_1122 = arith.constant 0 : i32
      %lt3A_1123 = arith.cmpi slt, %select_n3A_1116, %lt3A_1122 : i32
      %ne3A_1124 = arith.xori %lt3A_1121, %lt3A_1123 : i1
      %and3A_1125 = arith.andi %ne3A_1124, %ne3A_1119 : i1
      %add3A_1126 = arith.addi %rem3A_1117, %select_n3A_1116 : i32
      %select_n3A_1127 = arith.select %and3A_1125, %add3A_1126, %rem3A_1117 : i32
      %jit3A_1128 = arith.constant 4 : i32
      %div3A_1129 = arith.divsi %add3A_379, %jit3A_1128 : i32
      %sign3A_1130 = arith.constant 0 : i32
      %sign3A_1131 = arith.cmpi sgt, %add3A_379, %sign3A_1130 : i32
      %sign3A_1132 = arith.extui %sign3A_1131 : i1 to i32
      %sign3A_1133 = arith.constant 0 : i32
      %sign3A_1134 = arith.cmpi slt, %add3A_379, %sign3A_1133 : i32
      %sign3A_1135 = arith.extui %sign3A_1134 : i1 to i32
      %sign3A_1136 = arith.subi %sign3A_1132, %sign3A_1135 : i32
      %sign3A_1137 = arith.constant 0 : i32
      %sign3A_1138 = arith.cmpi sgt, %jit3A_1128, %sign3A_1137 : i32
      %sign3A_1139 = arith.extui %sign3A_1138 : i1 to i32
      %sign3A_1140 = arith.constant 0 : i32
      %sign3A_1141 = arith.cmpi slt, %jit3A_1128, %sign3A_1140 : i32
      %sign3A_1142 = arith.extui %sign3A_1141 : i1 to i32
      %sign3A_1143 = arith.subi %sign3A_1139, %sign3A_1142 : i32
      %ne3A_1144 = arith.cmpi ne, %sign3A_1136, %sign3A_1143 : i32
      %rem3A_1145 = arith.remsi %add3A_379, %jit3A_1128 : i32
      %ne3A_1146 = arith.constant 0 : i32
      %ne3A_1147 = arith.cmpi ne, %rem3A_1145, %ne3A_1146 : i32
      %and3A_1148 = arith.andi %ne3A_1144, %ne3A_1147 : i1
      %sub3A_1149 = arith.constant 1 : i32
      %sub3A_1150 = arith.subi %div3A_1129, %sub3A_1149 : i32
      %select_n3A_1151 = arith.select %and3A_1148, %sub3A_1150, %div3A_1129 : i32
      %add3A_1152 = arith.addi %mul3A_2, %select_n3A_1151 : i32
      %jit3A_1153 = arith.constant 4 : i32
      %eq3A_1154 = arith.constant 0 : i32
      %eq3A_1155 = arith.cmpi eq, %jit3A_1153, %eq3A_1154 : i32
      %jit3A_1156 = arith.constant 1 : i32
      %select_n3A_1157 = arith.select %eq3A_1155, %jit3A_1156, %jit3A_1153 : i32
      %rem3A_1158 = arith.remsi %add3A_379, %select_n3A_1157 : i32
      %ne3A_1159 = arith.constant 0 : i32
      %ne3A_1160 = arith.cmpi ne, %rem3A_1158, %ne3A_1159 : i32
      %lt3A_1161 = arith.constant 0 : i32
      %lt3A_1162 = arith.cmpi slt, %rem3A_1158, %lt3A_1161 : i32
      %lt3A_1163 = arith.constant 0 : i32
      %lt3A_1164 = arith.cmpi slt, %select_n3A_1157, %lt3A_1163 : i32
      %ne3A_1165 = arith.xori %lt3A_1162, %lt3A_1164 : i1
      %and3A_1166 = arith.andi %ne3A_1165, %ne3A_1160 : i1
      %add3A_1167 = arith.addi %rem3A_1158, %select_n3A_1157 : i32
      %select_n3A_1168 = arith.select %and3A_1166, %add3A_1167, %rem3A_1158 : i32
      %mul3A_1169 = arith.constant 128 : i32
      %mul3A_1170 = arith.muli %select_n3A_1168, %mul3A_1169 : i32
      %dma_start3A_1171 = arith.constant 0 : i32
      %dma_start3A_1172 = arith.constant 0 : i32
      %dma_start3A_1173 = arith.constant 0 : i32
      %dma_start3A_1174 = tpu.memref_slice %arg6[%select_n3A_1127, %dma_start3A_1171, %dma_start3A_1172, %dma_start3A_1173] : memref<2x9x128x16xf32, #tpu.memory_space<vmem>> -> memref<1x1x128x16xf32, #tpu.memory_space<vmem>>
      %dma_start3A_1175 = tpu.memref_squeeze %dma_start3A_1174 : memref<1x1x128x16xf32, #tpu.memory_space<vmem>> -> memref<128x16xf32, #tpu.memory_space<vmem>>
      %dma_start3A_1176 = arith.constant 0 : i32
      %dma_start3A_1177 = tpu.memref_slice %arg4[%add3A_1152, %mul3A_1170, %dma_start3A_1176] : memref<512x512x144xf32, #tpu.memory_space<hbm>> -> memref<1x128x16xf32, #tpu.memory_space<hbm>>
      %dma_start3A_1178 = tpu.memref_squeeze %dma_start3A_1177 : memref<1x128x16xf32, #tpu.memory_space<hbm>> -> memref<128x16xf32, #tpu.memory_space<hbm>>
      %dma_start3A_1179 = arith.constant 0 : i32
      %dma_start3A_1180 = tpu.memref_slice %arg4[%add3A_1152, %mul3A_1170, %dma_start3A_1179] : memref<512x512x144xf32, #tpu.memory_space<hbm>> -> memref<1x128x16xf32, #tpu.memory_space<hbm>>
      %dma_start3A_1181 = tpu.memref_squeeze %dma_start3A_1180 : memref<1x128x16xf32, #tpu.memory_space<hbm>> -> memref<128x16xf32, #tpu.memory_space<hbm>>
      %dma_start3A_1182 = arith.constant 0 : i32
      %dma_start3A_1183 = arith.constant 0 : i32
      %dma_start3A_1184 = tpu.memref_slice %arg6[%select_n3A_1127, %dma_start3A_1171, %dma_start3A_1182, %dma_start3A_1183] : memref<2x9x128x16xf32, #tpu.memory_space<vmem>> -> memref<1x1x128x16xf32, #tpu.memory_space<vmem>>
      %dma_start3A_1185 = tpu.memref_squeeze %dma_start3A_1184 : memref<1x1x128x16xf32, #tpu.memory_space<vmem>> -> memref<128x16xf32, #tpu.memory_space<vmem>>
      tpu.enqueue_dma source(%dma_start3A_1185 : memref<128x16xf32, #tpu.memory_space<vmem>>) target(%dma_start3A_1181 : memref<128x16xf32, #tpu.memory_space<hbm>>) target_semaphore(%arg9 : memref<!tpu.dma_semaphore, #tpu.memory_space<semaphore_mem>>)
      %jit3A_1186 = arith.constant 4 : i32
      %div3A_1187 = arith.divsi %add3A_379, %jit3A_1186 : i32
      %sign3A_1188 = arith.constant 0 : i32
      %sign3A_1189 = arith.cmpi sgt, %add3A_379, %sign3A_1188 : i32
      %sign3A_1190 = arith.extui %sign3A_1189 : i1 to i32
      %sign3A_1191 = arith.constant 0 : i32
      %sign3A_1192 = arith.cmpi slt, %add3A_379, %sign3A_1191 : i32
      %sign3A_1193 = arith.extui %sign3A_1192 : i1 to i32
      %sign3A_1194 = arith.subi %sign3A_1190, %sign3A_1193 : i32
      %sign3A_1195 = arith.constant 0 : i32
      %sign3A_1196 = arith.cmpi sgt, %jit3A_1186, %sign3A_1195 : i32
      %sign3A_1197 = arith.extui %sign3A_1196 : i1 to i32
      %sign3A_1198 = arith.constant 0 : i32
      %sign3A_1199 = arith.cmpi slt, %jit3A_1186, %sign3A_1198 : i32
      %sign3A_1200 = arith.extui %sign3A_1199 : i1 to i32
      %sign3A_1201 = arith.subi %sign3A_1197, %sign3A_1200 : i32
      %ne3A_1202 = arith.cmpi ne, %sign3A_1194, %sign3A_1201 : i32
      %rem3A_1203 = arith.remsi %add3A_379, %jit3A_1186 : i32
      %ne3A_1204 = arith.constant 0 : i32
      %ne3A_1205 = arith.cmpi ne, %rem3A_1203, %ne3A_1204 : i32
      %and3A_1206 = arith.andi %ne3A_1202, %ne3A_1205 : i1
      %sub3A_1207 = arith.constant 1 : i32
      %sub3A_1208 = arith.subi %div3A_1187, %sub3A_1207 : i32
      %select_n3A_1209 = arith.select %and3A_1206, %sub3A_1208, %div3A_1187 : i32
      %add3A_1210 = arith.addi %mul3A_2, %select_n3A_1209 : i32
      %jit3A_1211 = arith.constant 4 : i32
      %eq3A_1212 = arith.constant 0 : i32
      %eq3A_1213 = arith.cmpi eq, %jit3A_1211, %eq3A_1212 : i32
      %jit3A_1214 = arith.constant 1 : i32
      %select_n3A_1215 = arith.select %eq3A_1213, %jit3A_1214, %jit3A_1211 : i32
      %rem3A_1216 = arith.remsi %add3A_379, %select_n3A_1215 : i32
      %ne3A_1217 = arith.constant 0 : i32
      %ne3A_1218 = arith.cmpi ne, %rem3A_1216, %ne3A_1217 : i32
      %lt3A_1219 = arith.constant 0 : i32
      %lt3A_1220 = arith.cmpi slt, %rem3A_1216, %lt3A_1219 : i32
      %lt3A_1221 = arith.constant 0 : i32
      %lt3A_1222 = arith.cmpi slt, %select_n3A_1215, %lt3A_1221 : i32
      %ne3A_1223 = arith.xori %lt3A_1220, %lt3A_1222 : i1
      %and3A_1224 = arith.andi %ne3A_1223, %ne3A_1218 : i1
      %add3A_1225 = arith.addi %rem3A_1216, %select_n3A_1215 : i32
      %select_n3A_1226 = arith.select %and3A_1224, %add3A_1225, %rem3A_1216 : i32
      %mul3A_1227 = arith.constant 128 : i32
      %mul3A_1228 = arith.muli %select_n3A_1226, %mul3A_1227 : i32
      %dma_start3A_1229 = arith.constant 1 : i32
      %dma_start3A_1230 = arith.constant 0 : i32
      %dma_start3A_1231 = arith.constant 0 : i32
      %dma_start3A_1232 = tpu.memref_slice %arg6[%select_n3A_1127, %dma_start3A_1229, %dma_start3A_1230, %dma_start3A_1231] : memref<2x9x128x16xf32, #tpu.memory_space<vmem>> -> memref<1x1x128x16xf32, #tpu.memory_space<vmem>>
      %dma_start3A_1233 = tpu.memref_squeeze %dma_start3A_1232 : memref<1x1x128x16xf32, #tpu.memory_space<vmem>> -> memref<128x16xf32, #tpu.memory_space<vmem>>
      %dma_start3A_1234 = arith.constant 16 : i32
      %dma_start3A_1235 = tpu.memref_slice %arg4[%add3A_1210, %mul3A_1228, %dma_start3A_1234] : memref<512x512x144xf32, #tpu.memory_space<hbm>> -> memref<1x128x16xf32, #tpu.memory_space<hbm>>
      %dma_start3A_1236 = tpu.memref_squeeze %dma_start3A_1235 : memref<1x128x16xf32, #tpu.memory_space<hbm>> -> memref<128x16xf32, #tpu.memory_space<hbm>>
      %dma_start3A_1237 = arith.constant 16 : i32
      %dma_start3A_1238 = tpu.memref_slice %arg4[%add3A_1210, %mul3A_1228, %dma_start3A_1237] : memref<512x512x144xf32, #tpu.memory_space<hbm>> -> memref<1x128x16xf32, #tpu.memory_space<hbm>>
      %dma_start3A_1239 = tpu.memref_squeeze %dma_start3A_1238 : memref<1x128x16xf32, #tpu.memory_space<hbm>> -> memref<128x16xf32, #tpu.memory_space<hbm>>
      %dma_start3A_1240 = arith.constant 0 : i32
      %dma_start3A_1241 = arith.constant 0 : i32
      %dma_start3A_1242 = tpu.memref_slice %arg6[%select_n3A_1127, %dma_start3A_1229, %dma_start3A_1240, %dma_start3A_1241] : memref<2x9x128x16xf32, #tpu.memory_space<vmem>> -> memref<1x1x128x16xf32, #tpu.memory_space<vmem>>
      %dma_start3A_1243 = tpu.memref_squeeze %dma_start3A_1242 : memref<1x1x128x16xf32, #tpu.memory_space<vmem>> -> memref<128x16xf32, #tpu.memory_space<vmem>>
      tpu.enqueue_dma source(%dma_start3A_1243 : memref<128x16xf32, #tpu.memory_space<vmem>>) target(%dma_start3A_1239 : memref<128x16xf32, #tpu.memory_space<hbm>>) target_semaphore(%arg9 : memref<!tpu.dma_semaphore, #tpu.memory_space<semaphore_mem>>)
      %jit3A_1244 = arith.constant 4 : i32
      %div3A_1245 = arith.divsi %add3A_379, %jit3A_1244 : i32
      %sign3A_1246 = arith.constant 0 : i32
      %sign3A_1247 = arith.cmpi sgt, %add3A_379, %sign3A_1246 : i32
      %sign3A_1248 = arith.extui %sign3A_1247 : i1 to i32
      %sign3A_1249 = arith.constant 0 : i32
      %sign3A_1250 = arith.cmpi slt, %add3A_379, %sign3A_1249 : i32
      %sign3A_1251 = arith.extui %sign3A_1250 : i1 to i32
      %sign3A_1252 = arith.subi %sign3A_1248, %sign3A_1251 : i32
      %sign3A_1253 = arith.constant 0 : i32
      %sign3A_1254 = arith.cmpi sgt, %jit3A_1244, %sign3A_1253 : i32
      %sign3A_1255 = arith.extui %sign3A_1254 : i1 to i32
      %sign3A_1256 = arith.constant 0 : i32
      %sign3A_1257 = arith.cmpi slt, %jit3A_1244, %sign3A_1256 : i32
      %sign3A_1258 = arith.extui %sign3A_1257 : i1 to i32
      %sign3A_1259 = arith.subi %sign3A_1255, %sign3A_1258 : i32
      %ne3A_1260 = arith.cmpi ne, %sign3A_1252, %sign3A_1259 : i32
      %rem3A_1261 = arith.remsi %add3A_379, %jit3A_1244 : i32
      %ne3A_1262 = arith.constant 0 : i32
      %ne3A_1263 = arith.cmpi ne, %rem3A_1261, %ne3A_1262 : i32
      %and3A_1264 = arith.andi %ne3A_1260, %ne3A_1263 : i1
      %sub3A_1265 = arith.constant 1 : i32
      %sub3A_1266 = arith.subi %div3A_1245, %sub3A_1265 : i32
      %select_n3A_1267 = arith.select %and3A_1264, %sub3A_1266, %div3A_1245 : i32
      %add3A_1268 = arith.addi %mul3A_2, %select_n3A_1267 : i32
      %jit3A_1269 = arith.constant 4 : i32
      %eq3A_1270 = arith.constant 0 : i32
      %eq3A_1271 = arith.cmpi eq, %jit3A_1269, %eq3A_1270 : i32
      %jit3A_1272 = arith.constant 1 : i32
      %select_n3A_1273 = arith.select %eq3A_1271, %jit3A_1272, %jit3A_1269 : i32
      %rem3A_1274 = arith.remsi %add3A_379, %select_n3A_1273 : i32
      %ne3A_1275 = arith.constant 0 : i32
      %ne3A_1276 = arith.cmpi ne, %rem3A_1274, %ne3A_1275 : i32
      %lt3A_1277 = arith.constant 0 : i32
      %lt3A_1278 = arith.cmpi slt, %rem3A_1274, %lt3A_1277 : i32
      %lt3A_1279 = arith.constant 0 : i32
      %lt3A_1280 = arith.cmpi slt, %select_n3A_1273, %lt3A_1279 : i32
      %ne3A_1281 = arith.xori %lt3A_1278, %lt3A_1280 : i1
      %and3A_1282 = arith.andi %ne3A_1281, %ne3A_1276 : i1
      %add3A_1283 = arith.addi %rem3A_1274, %select_n3A_1273 : i32
      %select_n3A_1284 = arith.select %and3A_1282, %add3A_1283, %rem3A_1274 : i32
      %mul3A_1285 = arith.constant 128 : i32
      %mul3A_1286 = arith.muli %select_n3A_1284, %mul3A_1285 : i32
      %dma_start3A_1287 = arith.constant 2 : i32
      %dma_start3A_1288 = arith.constant 0 : i32
      %dma_start3A_1289 = arith.constant 0 : i32
      %dma_start3A_1290 = tpu.memref_slice %arg6[%select_n3A_1127, %dma_start3A_1287, %dma_start3A_1288, %dma_start3A_1289] : memref<2x9x128x16xf32, #tpu.memory_space<vmem>> -> memref<1x1x128x16xf32, #tpu.memory_space<vmem>>
      %dma_start3A_1291 = tpu.memref_squeeze %dma_start3A_1290 : memref<1x1x128x16xf32, #tpu.memory_space<vmem>> -> memref<128x16xf32, #tpu.memory_space<vmem>>
      %dma_start3A_1292 = arith.constant 32 : i32
      %dma_start3A_1293 = tpu.memref_slice %arg4[%add3A_1268, %mul3A_1286, %dma_start3A_1292] : memref<512x512x144xf32, #tpu.memory_space<hbm>> -> memref<1x128x16xf32, #tpu.memory_space<hbm>>
      %dma_start3A_1294 = tpu.memref_squeeze %dma_start3A_1293 : memref<1x128x16xf32, #tpu.memory_space<hbm>> -> memref<128x16xf32, #tpu.memory_space<hbm>>
      %dma_start3A_1295 = arith.constant 32 : i32
      %dma_start3A_1296 = tpu.memref_slice %arg4[%add3A_1268, %mul3A_1286, %dma_start3A_1295] : memref<512x512x144xf32, #tpu.memory_space<hbm>> -> memref<1x128x16xf32, #tpu.memory_space<hbm>>
      %dma_start3A_1297 = tpu.memref_squeeze %dma_start3A_1296 : memref<1x128x16xf32, #tpu.memory_space<hbm>> -> memref<128x16xf32, #tpu.memory_space<hbm>>
      %dma_start3A_1298 = arith.constant 0 : i32
      %dma_start3A_1299 = arith.constant 0 : i32
      %dma_start3A_1300 = tpu.memref_slice %arg6[%select_n3A_1127, %dma_start3A_1287, %dma_start3A_1298, %dma_start3A_1299] : memref<2x9x128x16xf32, #tpu.memory_space<vmem>> -> memref<1x1x128x16xf32, #tpu.memory_space<vmem>>
      %dma_start3A_1301 = tpu.memref_squeeze %dma_start3A_1300 : memref<1x1x128x16xf32, #tpu.memory_space<vmem>> -> memref<128x16xf32, #tpu.memory_space<vmem>>
      tpu.enqueue_dma source(%dma_start3A_1301 : memref<128x16xf32, #tpu.memory_space<vmem>>) target(%dma_start3A_1297 : memref<128x16xf32, #tpu.memory_space<hbm>>) target_semaphore(%arg9 : memref<!tpu.dma_semaphore, #tpu.memory_space<semaphore_mem>>)
      %jit3A_1302 = arith.constant 4 : i32
      %div3A_1303 = arith.divsi %add3A_379, %jit3A_1302 : i32
      %sign3A_1304 = arith.constant 0 : i32
      %sign3A_1305 = arith.cmpi sgt, %add3A_379, %sign3A_1304 : i32
      %sign3A_1306 = arith.extui %sign3A_1305 : i1 to i32
      %sign3A_1307 = arith.constant 0 : i32
      %sign3A_1308 = arith.cmpi slt, %add3A_379, %sign3A_1307 : i32
      %sign3A_1309 = arith.extui %sign3A_1308 : i1 to i32
      %sign3A_1310 = arith.subi %sign3A_1306, %sign3A_1309 : i32
      %sign3A_1311 = arith.constant 0 : i32
      %sign3A_1312 = arith.cmpi sgt, %jit3A_1302, %sign3A_1311 : i32
      %sign3A_1313 = arith.extui %sign3A_1312 : i1 to i32
      %sign3A_1314 = arith.constant 0 : i32
      %sign3A_1315 = arith.cmpi slt, %jit3A_1302, %sign3A_1314 : i32
      %sign3A_1316 = arith.extui %sign3A_1315 : i1 to i32
      %sign3A_1317 = arith.subi %sign3A_1313, %sign3A_1316 : i32
      %ne3A_1318 = arith.cmpi ne, %sign3A_1310, %sign3A_1317 : i32
      %rem3A_1319 = arith.remsi %add3A_379, %jit3A_1302 : i32
      %ne3A_1320 = arith.constant 0 : i32
      %ne3A_1321 = arith.cmpi ne, %rem3A_1319, %ne3A_1320 : i32
      %and3A_1322 = arith.andi %ne3A_1318, %ne3A_1321 : i1
      %sub3A_1323 = arith.constant 1 : i32
      %sub3A_1324 = arith.subi %div3A_1303, %sub3A_1323 : i32
      %select_n3A_1325 = arith.select %and3A_1322, %sub3A_1324, %div3A_1303 : i32
      %add3A_1326 = arith.addi %mul3A_2, %select_n3A_1325 : i32
      %jit3A_1327 = arith.constant 4 : i32
      %eq3A_1328 = arith.constant 0 : i32
      %eq3A_1329 = arith.cmpi eq, %jit3A_1327, %eq3A_1328 : i32
      %jit3A_1330 = arith.constant 1 : i32
      %select_n3A_1331 = arith.select %eq3A_1329, %jit3A_1330, %jit3A_1327 : i32
      %rem3A_1332 = arith.remsi %add3A_379, %select_n3A_1331 : i32
      %ne3A_1333 = arith.constant 0 : i32
      %ne3A_1334 = arith.cmpi ne, %rem3A_1332, %ne3A_1333 : i32
      %lt3A_1335 = arith.constant 0 : i32
      %lt3A_1336 = arith.cmpi slt, %rem3A_1332, %lt3A_1335 : i32
      %lt3A_1337 = arith.constant 0 : i32
      %lt3A_1338 = arith.cmpi slt, %select_n3A_1331, %lt3A_1337 : i32
      %ne3A_1339 = arith.xori %lt3A_1336, %lt3A_1338 : i1
      %and3A_1340 = arith.andi %ne3A_1339, %ne3A_1334 : i1
      %add3A_1341 = arith.addi %rem3A_1332, %select_n3A_1331 : i32
      %select_n3A_1342 = arith.select %and3A_1340, %add3A_1341, %rem3A_1332 : i32
      %mul3A_1343 = arith.constant 128 : i32
      %mul3A_1344 = arith.muli %select_n3A_1342, %mul3A_1343 : i32
      %dma_start3A_1345 = arith.constant 3 : i32
      %dma_start3A_1346 = arith.constant 0 : i32
      %dma_start3A_1347 = arith.constant 0 : i32
      %dma_start3A_1348 = tpu.memref_slice %arg6[%select_n3A_1127, %dma_start3A_1345, %dma_start3A_1346, %dma_start3A_1347] : memref<2x9x128x16xf32, #tpu.memory_space<vmem>> -> memref<1x1x128x16xf32, #tpu.memory_space<vmem>>
      %dma_start3A_1349 = tpu.memref_squeeze %dma_start3A_1348 : memref<1x1x128x16xf32, #tpu.memory_space<vmem>> -> memref<128x16xf32, #tpu.memory_space<vmem>>
      %dma_start3A_1350 = arith.constant 48 : i32
      %dma_start3A_1351 = tpu.memref_slice %arg4[%add3A_1326, %mul3A_1344, %dma_start3A_1350] : memref<512x512x144xf32, #tpu.memory_space<hbm>> -> memref<1x128x16xf32, #tpu.memory_space<hbm>>
      %dma_start3A_1352 = tpu.memref_squeeze %dma_start3A_1351 : memref<1x128x16xf32, #tpu.memory_space<hbm>> -> memref<128x16xf32, #tpu.memory_space<hbm>>
      %dma_start3A_1353 = arith.constant 48 : i32
      %dma_start3A_1354 = tpu.memref_slice %arg4[%add3A_1326, %mul3A_1344, %dma_start3A_1353] : memref<512x512x144xf32, #tpu.memory_space<hbm>> -> memref<1x128x16xf32, #tpu.memory_space<hbm>>
      %dma_start3A_1355 = tpu.memref_squeeze %dma_start3A_1354 : memref<1x128x16xf32, #tpu.memory_space<hbm>> -> memref<128x16xf32, #tpu.memory_space<hbm>>
      %dma_start3A_1356 = arith.constant 0 : i32
      %dma_start3A_1357 = arith.constant 0 : i32
      %dma_start3A_1358 = tpu.memref_slice %arg6[%select_n3A_1127, %dma_start3A_1345, %dma_start3A_1356, %dma_start3A_1357] : memref<2x9x128x16xf32, #tpu.memory_space<vmem>> -> memref<1x1x128x16xf32, #tpu.memory_space<vmem>>
      %dma_start3A_1359 = tpu.memref_squeeze %dma_start3A_1358 : memref<1x1x128x16xf32, #tpu.memory_space<vmem>> -> memref<128x16xf32, #tpu.memory_space<vmem>>
      tpu.enqueue_dma source(%dma_start3A_1359 : memref<128x16xf32, #tpu.memory_space<vmem>>) target(%dma_start3A_1355 : memref<128x16xf32, #tpu.memory_space<hbm>>) target_semaphore(%arg9 : memref<!tpu.dma_semaphore, #tpu.memory_space<semaphore_mem>>)
      %jit3A_1360 = arith.constant 4 : i32
      %div3A_1361 = arith.divsi %add3A_379, %jit3A_1360 : i32
      %sign3A_1362 = arith.constant 0 : i32
      %sign3A_1363 = arith.cmpi sgt, %add3A_379, %sign3A_1362 : i32
      %sign3A_1364 = arith.extui %sign3A_1363 : i1 to i32
      %sign3A_1365 = arith.constant 0 : i32
      %sign3A_1366 = arith.cmpi slt, %add3A_379, %sign3A_1365 : i32
      %sign3A_1367 = arith.extui %sign3A_1366 : i1 to i32
      %sign3A_1368 = arith.subi %sign3A_1364, %sign3A_1367 : i32
      %sign3A_1369 = arith.constant 0 : i32
      %sign3A_1370 = arith.cmpi sgt, %jit3A_1360, %sign3A_1369 : i32
      %sign3A_1371 = arith.extui %sign3A_1370 : i1 to i32
      %sign3A_1372 = arith.constant 0 : i32
      %sign3A_1373 = arith.cmpi slt, %jit3A_1360, %sign3A_1372 : i32
      %sign3A_1374 = arith.extui %sign3A_1373 : i1 to i32
      %sign3A_1375 = arith.subi %sign3A_1371, %sign3A_1374 : i32
      %ne3A_1376 = arith.cmpi ne, %sign3A_1368, %sign3A_1375 : i32
      %rem3A_1377 = arith.remsi %add3A_379, %jit3A_1360 : i32
      %ne3A_1378 = arith.constant 0 : i32
      %ne3A_1379 = arith.cmpi ne, %rem3A_1377, %ne3A_1378 : i32
      %and3A_1380 = arith.andi %ne3A_1376, %ne3A_1379 : i1
      %sub3A_1381 = arith.constant 1 : i32
      %sub3A_1382 = arith.subi %div3A_1361, %sub3A_1381 : i32
      %select_n3A_1383 = arith.select %and3A_1380, %sub3A_1382, %div3A_1361 : i32
      %add3A_1384 = arith.addi %mul3A_2, %select_n3A_1383 : i32
      %jit3A_1385 = arith.constant 4 : i32
      %eq3A_1386 = arith.constant 0 : i32
      %eq3A_1387 = arith.cmpi eq, %jit3A_1385, %eq3A_1386 : i32
      %jit3A_1388 = arith.constant 1 : i32
      %select_n3A_1389 = arith.select %eq3A_1387, %jit3A_1388, %jit3A_1385 : i32
      %rem3A_1390 = arith.remsi %add3A_379, %select_n3A_1389 : i32
      %ne3A_1391 = arith.constant 0 : i32
      %ne3A_1392 = arith.cmpi ne, %rem3A_1390, %ne3A_1391 : i32
      %lt3A_1393 = arith.constant 0 : i32
      %lt3A_1394 = arith.cmpi slt, %rem3A_1390, %lt3A_1393 : i32
      %lt3A_1395 = arith.constant 0 : i32
      %lt3A_1396 = arith.cmpi slt, %select_n3A_1389, %lt3A_1395 : i32
      %ne3A_1397 = arith.xori %lt3A_1394, %lt3A_1396 : i1
      %and3A_1398 = arith.andi %ne3A_1397, %ne3A_1392 : i1
      %add3A_1399 = arith.addi %rem3A_1390, %select_n3A_1389 : i32
      %select_n3A_1400 = arith.select %and3A_1398, %add3A_1399, %rem3A_1390 : i32
      %mul3A_1401 = arith.constant 128 : i32
      %mul3A_1402 = arith.muli %select_n3A_1400, %mul3A_1401 : i32
      %dma_start3A_1403 = arith.constant 4 : i32
      %dma_start3A_1404 = arith.constant 0 : i32
      %dma_start3A_1405 = arith.constant 0 : i32
      %dma_start3A_1406 = tpu.memref_slice %arg6[%select_n3A_1127, %dma_start3A_1403, %dma_start3A_1404, %dma_start3A_1405] : memref<2x9x128x16xf32, #tpu.memory_space<vmem>> -> memref<1x1x128x16xf32, #tpu.memory_space<vmem>>
      %dma_start3A_1407 = tpu.memref_squeeze %dma_start3A_1406 : memref<1x1x128x16xf32, #tpu.memory_space<vmem>> -> memref<128x16xf32, #tpu.memory_space<vmem>>
      %dma_start3A_1408 = arith.constant 64 : i32
      %dma_start3A_1409 = tpu.memref_slice %arg4[%add3A_1384, %mul3A_1402, %dma_start3A_1408] : memref<512x512x144xf32, #tpu.memory_space<hbm>> -> memref<1x128x16xf32, #tpu.memory_space<hbm>>
      %dma_start3A_1410 = tpu.memref_squeeze %dma_start3A_1409 : memref<1x128x16xf32, #tpu.memory_space<hbm>> -> memref<128x16xf32, #tpu.memory_space<hbm>>
      %dma_start3A_1411 = arith.constant 64 : i32
      %dma_start3A_1412 = tpu.memref_slice %arg4[%add3A_1384, %mul3A_1402, %dma_start3A_1411] : memref<512x512x144xf32, #tpu.memory_space<hbm>> -> memref<1x128x16xf32, #tpu.memory_space<hbm>>
      %dma_start3A_1413 = tpu.memref_squeeze %dma_start3A_1412 : memref<1x128x16xf32, #tpu.memory_space<hbm>> -> memref<128x16xf32, #tpu.memory_space<hbm>>
      %dma_start3A_1414 = arith.constant 0 : i32
      %dma_start3A_1415 = arith.constant 0 : i32
      %dma_start3A_1416 = tpu.memref_slice %arg6[%select_n3A_1127, %dma_start3A_1403, %dma_start3A_1414, %dma_start3A_1415] : memref<2x9x128x16xf32, #tpu.memory_space<vmem>> -> memref<1x1x128x16xf32, #tpu.memory_space<vmem>>
      %dma_start3A_1417 = tpu.memref_squeeze %dma_start3A_1416 : memref<1x1x128x16xf32, #tpu.memory_space<vmem>> -> memref<128x16xf32, #tpu.memory_space<vmem>>
      tpu.enqueue_dma source(%dma_start3A_1417 : memref<128x16xf32, #tpu.memory_space<vmem>>) target(%dma_start3A_1413 : memref<128x16xf32, #tpu.memory_space<hbm>>) target_semaphore(%arg9 : memref<!tpu.dma_semaphore, #tpu.memory_space<semaphore_mem>>)
      %jit3A_1418 = arith.constant 4 : i32
      %div3A_1419 = arith.divsi %add3A_379, %jit3A_1418 : i32
      %sign3A_1420 = arith.constant 0 : i32
      %sign3A_1421 = arith.cmpi sgt, %add3A_379, %sign3A_1420 : i32
      %sign3A_1422 = arith.extui %sign3A_1421 : i1 to i32
      %sign3A_1423 = arith.constant 0 : i32
      %sign3A_1424 = arith.cmpi slt, %add3A_379, %sign3A_1423 : i32
      %sign3A_1425 = arith.extui %sign3A_1424 : i1 to i32
      %sign3A_1426 = arith.subi %sign3A_1422, %sign3A_1425 : i32
      %sign3A_1427 = arith.constant 0 : i32
      %sign3A_1428 = arith.cmpi sgt, %jit3A_1418, %sign3A_1427 : i32
      %sign3A_1429 = arith.extui %sign3A_1428 : i1 to i32
      %sign3A_1430 = arith.constant 0 : i32
      %sign3A_1431 = arith.cmpi slt, %jit3A_1418, %sign3A_1430 : i32
      %sign3A_1432 = arith.extui %sign3A_1431 : i1 to i32
      %sign3A_1433 = arith.subi %sign3A_1429, %sign3A_1432 : i32
      %ne3A_1434 = arith.cmpi ne, %sign3A_1426, %sign3A_1433 : i32
      %rem3A_1435 = arith.remsi %add3A_379, %jit3A_1418 : i32
      %ne3A_1436 = arith.constant 0 : i32
      %ne3A_1437 = arith.cmpi ne, %rem3A_1435, %ne3A_1436 : i32
      %and3A_1438 = arith.andi %ne3A_1434, %ne3A_1437 : i1
      %sub3A_1439 = arith.constant 1 : i32
      %sub3A_1440 = arith.subi %div3A_1419, %sub3A_1439 : i32
      %select_n3A_1441 = arith.select %and3A_1438, %sub3A_1440, %div3A_1419 : i32
      %add3A_1442 = arith.addi %mul3A_2, %select_n3A_1441 : i32
      %jit3A_1443 = arith.constant 4 : i32
      %eq3A_1444 = arith.constant 0 : i32
      %eq3A_1445 = arith.cmpi eq, %jit3A_1443, %eq3A_1444 : i32
      %jit3A_1446 = arith.constant 1 : i32
      %select_n3A_1447 = arith.select %eq3A_1445, %jit3A_1446, %jit3A_1443 : i32
      %rem3A_1448 = arith.remsi %add3A_379, %select_n3A_1447 : i32
      %ne3A_1449 = arith.constant 0 : i32
      %ne3A_1450 = arith.cmpi ne, %rem3A_1448, %ne3A_1449 : i32
      %lt3A_1451 = arith.constant 0 : i32
      %lt3A_1452 = arith.cmpi slt, %rem3A_1448, %lt3A_1451 : i32
      %lt3A_1453 = arith.constant 0 : i32
      %lt3A_1454 = arith.cmpi slt, %select_n3A_1447, %lt3A_1453 : i32
      %ne3A_1455 = arith.xori %lt3A_1452, %lt3A_1454 : i1
      %and3A_1456 = arith.andi %ne3A_1455, %ne3A_1450 : i1
      %add3A_1457 = arith.addi %rem3A_1448, %select_n3A_1447 : i32
      %select_n3A_1458 = arith.select %and3A_1456, %add3A_1457, %rem3A_1448 : i32
      %mul3A_1459 = arith.constant 128 : i32
      %mul3A_1460 = arith.muli %select_n3A_1458, %mul3A_1459 : i32
      %dma_start3A_1461 = arith.constant 5 : i32
      %dma_start3A_1462 = arith.constant 0 : i32
      %dma_start3A_1463 = arith.constant 0 : i32
      %dma_start3A_1464 = tpu.memref_slice %arg6[%select_n3A_1127, %dma_start3A_1461, %dma_start3A_1462, %dma_start3A_1463] : memref<2x9x128x16xf32, #tpu.memory_space<vmem>> -> memref<1x1x128x16xf32, #tpu.memory_space<vmem>>
      %dma_start3A_1465 = tpu.memref_squeeze %dma_start3A_1464 : memref<1x1x128x16xf32, #tpu.memory_space<vmem>> -> memref<128x16xf32, #tpu.memory_space<vmem>>
      %dma_start3A_1466 = arith.constant 80 : i32
      %dma_start3A_1467 = tpu.memref_slice %arg4[%add3A_1442, %mul3A_1460, %dma_start3A_1466] : memref<512x512x144xf32, #tpu.memory_space<hbm>> -> memref<1x128x16xf32, #tpu.memory_space<hbm>>
      %dma_start3A_1468 = tpu.memref_squeeze %dma_start3A_1467 : memref<1x128x16xf32, #tpu.memory_space<hbm>> -> memref<128x16xf32, #tpu.memory_space<hbm>>
      %dma_start3A_1469 = arith.constant 80 : i32
      %dma_start3A_1470 = tpu.memref_slice %arg4[%add3A_1442, %mul3A_1460, %dma_start3A_1469] : memref<512x512x144xf32, #tpu.memory_space<hbm>> -> memref<1x128x16xf32, #tpu.memory_space<hbm>>
      %dma_start3A_1471 = tpu.memref_squeeze %dma_start3A_1470 : memref<1x128x16xf32, #tpu.memory_space<hbm>> -> memref<128x16xf32, #tpu.memory_space<hbm>>
      %dma_start3A_1472 = arith.constant 0 : i32
      %dma_start3A_1473 = arith.constant 0 : i32
      %dma_start3A_1474 = tpu.memref_slice %arg6[%select_n3A_1127, %dma_start3A_1461, %dma_start3A_1472, %dma_start3A_1473] : memref<2x9x128x16xf32, #tpu.memory_space<vmem>> -> memref<1x1x128x16xf32, #tpu.memory_space<vmem>>
      %dma_start3A_1475 = tpu.memref_squeeze %dma_start3A_1474 : memref<1x1x128x16xf32, #tpu.memory_space<vmem>> -> memref<128x16xf32, #tpu.memory_space<vmem>>
      tpu.enqueue_dma source(%dma_start3A_1475 : memref<128x16xf32, #tpu.memory_space<vmem>>) target(%dma_start3A_1471 : memref<128x16xf32, #tpu.memory_space<hbm>>) target_semaphore(%arg9 : memref<!tpu.dma_semaphore, #tpu.memory_space<semaphore_mem>>)
      %jit3A_1476 = arith.constant 4 : i32
      %div3A_1477 = arith.divsi %add3A_379, %jit3A_1476 : i32
      %sign3A_1478 = arith.constant 0 : i32
      %sign3A_1479 = arith.cmpi sgt, %add3A_379, %sign3A_1478 : i32
      %sign3A_1480 = arith.extui %sign3A_1479 : i1 to i32
      %sign3A_1481 = arith.constant 0 : i32
      %sign3A_1482 = arith.cmpi slt, %add3A_379, %sign3A_1481 : i32
      %sign3A_1483 = arith.extui %sign3A_1482 : i1 to i32
      %sign3A_1484 = arith.subi %sign3A_1480, %sign3A_1483 : i32
      %sign3A_1485 = arith.constant 0 : i32
      %sign3A_1486 = arith.cmpi sgt, %jit3A_1476, %sign3A_1485 : i32
      %sign3A_1487 = arith.extui %sign3A_1486 : i1 to i32
      %sign3A_1488 = arith.constant 0 : i32
      %sign3A_1489 = arith.cmpi slt, %jit3A_1476, %sign3A_1488 : i32
      %sign3A_1490 = arith.extui %sign3A_1489 : i1 to i32
      %sign3A_1491 = arith.subi %sign3A_1487, %sign3A_1490 : i32
      %ne3A_1492 = arith.cmpi ne, %sign3A_1484, %sign3A_1491 : i32
      %rem3A_1493 = arith.remsi %add3A_379, %jit3A_1476 : i32
      %ne3A_1494 = arith.constant 0 : i32
      %ne3A_1495 = arith.cmpi ne, %rem3A_1493, %ne3A_1494 : i32
      %and3A_1496 = arith.andi %ne3A_1492, %ne3A_1495 : i1
      %sub3A_1497 = arith.constant 1 : i32
      %sub3A_1498 = arith.subi %div3A_1477, %sub3A_1497 : i32
      %select_n3A_1499 = arith.select %and3A_1496, %sub3A_1498, %div3A_1477 : i32
      %add3A_1500 = arith.addi %mul3A_2, %select_n3A_1499 : i32
      %jit3A_1501 = arith.constant 4 : i32
      %eq3A_1502 = arith.constant 0 : i32
      %eq3A_1503 = arith.cmpi eq, %jit3A_1501, %eq3A_1502 : i32
      %jit3A_1504 = arith.constant 1 : i32
      %select_n3A_1505 = arith.select %eq3A_1503, %jit3A_1504, %jit3A_1501 : i32
      %rem3A_1506 = arith.remsi %add3A_379, %select_n3A_1505 : i32
      %ne3A_1507 = arith.constant 0 : i32
      %ne3A_1508 = arith.cmpi ne, %rem3A_1506, %ne3A_1507 : i32
      %lt3A_1509 = arith.constant 0 : i32
      %lt3A_1510 = arith.cmpi slt, %rem3A_1506, %lt3A_1509 : i32
      %lt3A_1511 = arith.constant 0 : i32
      %lt3A_1512 = arith.cmpi slt, %select_n3A_1505, %lt3A_1511 : i32
      %ne3A_1513 = arith.xori %lt3A_1510, %lt3A_1512 : i1
      %and3A_1514 = arith.andi %ne3A_1513, %ne3A_1508 : i1
      %add3A_1515 = arith.addi %rem3A_1506, %select_n3A_1505 : i32
      %select_n3A_1516 = arith.select %and3A_1514, %add3A_1515, %rem3A_1506 : i32
      %mul3A_1517 = arith.constant 128 : i32
      %mul3A_1518 = arith.muli %select_n3A_1516, %mul3A_1517 : i32
      %dma_start3A_1519 = arith.constant 6 : i32
      %dma_start3A_1520 = arith.constant 0 : i32
      %dma_start3A_1521 = arith.constant 0 : i32
      %dma_start3A_1522 = tpu.memref_slice %arg6[%select_n3A_1127, %dma_start3A_1519, %dma_start3A_1520, %dma_start3A_1521] : memref<2x9x128x16xf32, #tpu.memory_space<vmem>> -> memref<1x1x128x16xf32, #tpu.memory_space<vmem>>
      %dma_start3A_1523 = tpu.memref_squeeze %dma_start3A_1522 : memref<1x1x128x16xf32, #tpu.memory_space<vmem>> -> memref<128x16xf32, #tpu.memory_space<vmem>>
      %dma_start3A_1524 = arith.constant 96 : i32
      %dma_start3A_1525 = tpu.memref_slice %arg4[%add3A_1500, %mul3A_1518, %dma_start3A_1524] : memref<512x512x144xf32, #tpu.memory_space<hbm>> -> memref<1x128x16xf32, #tpu.memory_space<hbm>>
      %dma_start3A_1526 = tpu.memref_squeeze %dma_start3A_1525 : memref<1x128x16xf32, #tpu.memory_space<hbm>> -> memref<128x16xf32, #tpu.memory_space<hbm>>
      %dma_start3A_1527 = arith.constant 96 : i32
      %dma_start3A_1528 = tpu.memref_slice %arg4[%add3A_1500, %mul3A_1518, %dma_start3A_1527] : memref<512x512x144xf32, #tpu.memory_space<hbm>> -> memref<1x128x16xf32, #tpu.memory_space<hbm>>
      %dma_start3A_1529 = tpu.memref_squeeze %dma_start3A_1528 : memref<1x128x16xf32, #tpu.memory_space<hbm>> -> memref<128x16xf32, #tpu.memory_space<hbm>>
      %dma_start3A_1530 = arith.constant 0 : i32
      %dma_start3A_1531 = arith.constant 0 : i32
      %dma_start3A_1532 = tpu.memref_slice %arg6[%select_n3A_1127, %dma_start3A_1519, %dma_start3A_1530, %dma_start3A_1531] : memref<2x9x128x16xf32, #tpu.memory_space<vmem>> -> memref<1x1x128x16xf32, #tpu.memory_space<vmem>>
      %dma_start3A_1533 = tpu.memref_squeeze %dma_start3A_1532 : memref<1x1x128x16xf32, #tpu.memory_space<vmem>> -> memref<128x16xf32, #tpu.memory_space<vmem>>
      tpu.enqueue_dma source(%dma_start3A_1533 : memref<128x16xf32, #tpu.memory_space<vmem>>) target(%dma_start3A_1529 : memref<128x16xf32, #tpu.memory_space<hbm>>) target_semaphore(%arg9 : memref<!tpu.dma_semaphore, #tpu.memory_space<semaphore_mem>>)
      %jit3A_1534 = arith.constant 4 : i32
      %div3A_1535 = arith.divsi %add3A_379, %jit3A_1534 : i32
      %sign3A_1536 = arith.constant 0 : i32
      %sign3A_1537 = arith.cmpi sgt, %add3A_379, %sign3A_1536 : i32
      %sign3A_1538 = arith.extui %sign3A_1537 : i1 to i32
      %sign3A_1539 = arith.constant 0 : i32
      %sign3A_1540 = arith.cmpi slt, %add3A_379, %sign3A_1539 : i32
      %sign3A_1541 = arith.extui %sign3A_1540 : i1 to i32
      %sign3A_1542 = arith.subi %sign3A_1538, %sign3A_1541 : i32
      %sign3A_1543 = arith.constant 0 : i32
      %sign3A_1544 = arith.cmpi sgt, %jit3A_1534, %sign3A_1543 : i32
      %sign3A_1545 = arith.extui %sign3A_1544 : i1 to i32
      %sign3A_1546 = arith.constant 0 : i32
      %sign3A_1547 = arith.cmpi slt, %jit3A_1534, %sign3A_1546 : i32
      %sign3A_1548 = arith.extui %sign3A_1547 : i1 to i32
      %sign3A_1549 = arith.subi %sign3A_1545, %sign3A_1548 : i32
      %ne3A_1550 = arith.cmpi ne, %sign3A_1542, %sign3A_1549 : i32
      %rem3A_1551 = arith.remsi %add3A_379, %jit3A_1534 : i32
      %ne3A_1552 = arith.constant 0 : i32
      %ne3A_1553 = arith.cmpi ne, %rem3A_1551, %ne3A_1552 : i32
      %and3A_1554 = arith.andi %ne3A_1550, %ne3A_1553 : i1
      %sub3A_1555 = arith.constant 1 : i32
      %sub3A_1556 = arith.subi %div3A_1535, %sub3A_1555 : i32
      %select_n3A_1557 = arith.select %and3A_1554, %sub3A_1556, %div3A_1535 : i32
      %add3A_1558 = arith.addi %mul3A_2, %select_n3A_1557 : i32
      %jit3A_1559 = arith.constant 4 : i32
      %eq3A_1560 = arith.constant 0 : i32
      %eq3A_1561 = arith.cmpi eq, %jit3A_1559, %eq3A_1560 : i32
      %jit3A_1562 = arith.constant 1 : i32
      %select_n3A_1563 = arith.select %eq3A_1561, %jit3A_1562, %jit3A_1559 : i32
      %rem3A_1564 = arith.remsi %add3A_379, %select_n3A_1563 : i32
      %ne3A_1565 = arith.constant 0 : i32
      %ne3A_1566 = arith.cmpi ne, %rem3A_1564, %ne3A_1565 : i32
      %lt3A_1567 = arith.constant 0 : i32
      %lt3A_1568 = arith.cmpi slt, %rem3A_1564, %lt3A_1567 : i32
      %lt3A_1569 = arith.constant 0 : i32
      %lt3A_1570 = arith.cmpi slt, %select_n3A_1563, %lt3A_1569 : i32
      %ne3A_1571 = arith.xori %lt3A_1568, %lt3A_1570 : i1
      %and3A_1572 = arith.andi %ne3A_1571, %ne3A_1566 : i1
      %add3A_1573 = arith.addi %rem3A_1564, %select_n3A_1563 : i32
      %select_n3A_1574 = arith.select %and3A_1572, %add3A_1573, %rem3A_1564 : i32
      %mul3A_1575 = arith.constant 128 : i32
      %mul3A_1576 = arith.muli %select_n3A_1574, %mul3A_1575 : i32
      %dma_start3A_1577 = arith.constant 7 : i32
      %dma_start3A_1578 = arith.constant 0 : i32
      %dma_start3A_1579 = arith.constant 0 : i32
      %dma_start3A_1580 = tpu.memref_slice %arg6[%select_n3A_1127, %dma_start3A_1577, %dma_start3A_1578, %dma_start3A_1579] : memref<2x9x128x16xf32, #tpu.memory_space<vmem>> -> memref<1x1x128x16xf32, #tpu.memory_space<vmem>>
      %dma_start3A_1581 = tpu.memref_squeeze %dma_start3A_1580 : memref<1x1x128x16xf32, #tpu.memory_space<vmem>> -> memref<128x16xf32, #tpu.memory_space<vmem>>
      %dma_start3A_1582 = arith.constant 112 : i32
      %dma_start3A_1583 = tpu.memref_slice %arg4[%add3A_1558, %mul3A_1576, %dma_start3A_1582] : memref<512x512x144xf32, #tpu.memory_space<hbm>> -> memref<1x128x16xf32, #tpu.memory_space<hbm>>
      %dma_start3A_1584 = tpu.memref_squeeze %dma_start3A_1583 : memref<1x128x16xf32, #tpu.memory_space<hbm>> -> memref<128x16xf32, #tpu.memory_space<hbm>>
      %dma_start3A_1585 = arith.constant 112 : i32
      %dma_start3A_1586 = tpu.memref_slice %arg4[%add3A_1558, %mul3A_1576, %dma_start3A_1585] : memref<512x512x144xf32, #tpu.memory_space<hbm>> -> memref<1x128x16xf32, #tpu.memory_space<hbm>>
      %dma_start3A_1587 = tpu.memref_squeeze %dma_start3A_1586 : memref<1x128x16xf32, #tpu.memory_space<hbm>> -> memref<128x16xf32, #tpu.memory_space<hbm>>
      %dma_start3A_1588 = arith.constant 0 : i32
      %dma_start3A_1589 = arith.constant 0 : i32
      %dma_start3A_1590 = tpu.memref_slice %arg6[%select_n3A_1127, %dma_start3A_1577, %dma_start3A_1588, %dma_start3A_1589] : memref<2x9x128x16xf32, #tpu.memory_space<vmem>> -> memref<1x1x128x16xf32, #tpu.memory_space<vmem>>
      %dma_start3A_1591 = tpu.memref_squeeze %dma_start3A_1590 : memref<1x1x128x16xf32, #tpu.memory_space<vmem>> -> memref<128x16xf32, #tpu.memory_space<vmem>>
      tpu.enqueue_dma source(%dma_start3A_1591 : memref<128x16xf32, #tpu.memory_space<vmem>>) target(%dma_start3A_1587 : memref<128x16xf32, #tpu.memory_space<hbm>>) target_semaphore(%arg9 : memref<!tpu.dma_semaphore, #tpu.memory_space<semaphore_mem>>)
      %jit3A_1592 = arith.constant 4 : i32
      %div3A_1593 = arith.divsi %add3A_379, %jit3A_1592 : i32
      %sign3A_1594 = arith.constant 0 : i32
      %sign3A_1595 = arith.cmpi sgt, %add3A_379, %sign3A_1594 : i32
      %sign3A_1596 = arith.extui %sign3A_1595 : i1 to i32
      %sign3A_1597 = arith.constant 0 : i32
      %sign3A_1598 = arith.cmpi slt, %add3A_379, %sign3A_1597 : i32
      %sign3A_1599 = arith.extui %sign3A_1598 : i1 to i32
      %sign3A_1600 = arith.subi %sign3A_1596, %sign3A_1599 : i32
      %sign3A_1601 = arith.constant 0 : i32
      %sign3A_1602 = arith.cmpi sgt, %jit3A_1592, %sign3A_1601 : i32
      %sign3A_1603 = arith.extui %sign3A_1602 : i1 to i32
      %sign3A_1604 = arith.constant 0 : i32
      %sign3A_1605 = arith.cmpi slt, %jit3A_1592, %sign3A_1604 : i32
      %sign3A_1606 = arith.extui %sign3A_1605 : i1 to i32
      %sign3A_1607 = arith.subi %sign3A_1603, %sign3A_1606 : i32
      %ne3A_1608 = arith.cmpi ne, %sign3A_1600, %sign3A_1607 : i32
      %rem3A_1609 = arith.remsi %add3A_379, %jit3A_1592 : i32
      %ne3A_1610 = arith.constant 0 : i32
      %ne3A_1611 = arith.cmpi ne, %rem3A_1609, %ne3A_1610 : i32
      %and3A_1612 = arith.andi %ne3A_1608, %ne3A_1611 : i1
      %sub3A_1613 = arith.constant 1 : i32
      %sub3A_1614 = arith.subi %div3A_1593, %sub3A_1613 : i32
      %select_n3A_1615 = arith.select %and3A_1612, %sub3A_1614, %div3A_1593 : i32
      %add3A_1616 = arith.addi %mul3A_2, %select_n3A_1615 : i32
      %jit3A_1617 = arith.constant 4 : i32
      %eq3A_1618 = arith.constant 0 : i32
      %eq3A_1619 = arith.cmpi eq, %jit3A_1617, %eq3A_1618 : i32
      %jit3A_1620 = arith.constant 1 : i32
      %select_n3A_1621 = arith.select %eq3A_1619, %jit3A_1620, %jit3A_1617 : i32
      %rem3A_1622 = arith.remsi %add3A_379, %select_n3A_1621 : i32
      %ne3A_1623 = arith.constant 0 : i32
      %ne3A_1624 = arith.cmpi ne, %rem3A_1622, %ne3A_1623 : i32
      %lt3A_1625 = arith.constant 0 : i32
      %lt3A_1626 = arith.cmpi slt, %rem3A_1622, %lt3A_1625 : i32
      %lt3A_1627 = arith.constant 0 : i32
      %lt3A_1628 = arith.cmpi slt, %select_n3A_1621, %lt3A_1627 : i32
      %ne3A_1629 = arith.xori %lt3A_1626, %lt3A_1628 : i1
      %and3A_1630 = arith.andi %ne3A_1629, %ne3A_1624 : i1
      %add3A_1631 = arith.addi %rem3A_1622, %select_n3A_1621 : i32
      %select_n3A_1632 = arith.select %and3A_1630, %add3A_1631, %rem3A_1622 : i32
      %mul3A_1633 = arith.constant 128 : i32
      %mul3A_1634 = arith.muli %select_n3A_1632, %mul3A_1633 : i32
      %dma_start3A_1635 = arith.constant 8 : i32
      %dma_start3A_1636 = arith.constant 0 : i32
      %dma_start3A_1637 = arith.constant 0 : i32
      %dma_start3A_1638 = tpu.memref_slice %arg6[%select_n3A_1127, %dma_start3A_1635, %dma_start3A_1636, %dma_start3A_1637] : memref<2x9x128x16xf32, #tpu.memory_space<vmem>> -> memref<1x1x128x16xf32, #tpu.memory_space<vmem>>
      %dma_start3A_1639 = tpu.memref_squeeze %dma_start3A_1638 : memref<1x1x128x16xf32, #tpu.memory_space<vmem>> -> memref<128x16xf32, #tpu.memory_space<vmem>>
      %dma_start3A_1640 = arith.constant 128 : i32
      %dma_start3A_1641 = tpu.memref_slice %arg4[%add3A_1616, %mul3A_1634, %dma_start3A_1640] : memref<512x512x144xf32, #tpu.memory_space<hbm>> -> memref<1x128x16xf32, #tpu.memory_space<hbm>>
      %dma_start3A_1642 = tpu.memref_squeeze %dma_start3A_1641 : memref<1x128x16xf32, #tpu.memory_space<hbm>> -> memref<128x16xf32, #tpu.memory_space<hbm>>
      %dma_start3A_1643 = arith.constant 128 : i32
      %dma_start3A_1644 = tpu.memref_slice %arg4[%add3A_1616, %mul3A_1634, %dma_start3A_1643] : memref<512x512x144xf32, #tpu.memory_space<hbm>> -> memref<1x128x16xf32, #tpu.memory_space<hbm>>
      %dma_start3A_1645 = tpu.memref_squeeze %dma_start3A_1644 : memref<1x128x16xf32, #tpu.memory_space<hbm>> -> memref<128x16xf32, #tpu.memory_space<hbm>>
      %dma_start3A_1646 = arith.constant 0 : i32
      %dma_start3A_1647 = arith.constant 0 : i32
      %dma_start3A_1648 = tpu.memref_slice %arg6[%select_n3A_1127, %dma_start3A_1635, %dma_start3A_1646, %dma_start3A_1647] : memref<2x9x128x16xf32, #tpu.memory_space<vmem>> -> memref<1x1x128x16xf32, #tpu.memory_space<vmem>>
      %dma_start3A_1649 = tpu.memref_squeeze %dma_start3A_1648 : memref<1x1x128x16xf32, #tpu.memory_space<vmem>> -> memref<128x16xf32, #tpu.memory_space<vmem>>
      tpu.enqueue_dma source(%dma_start3A_1649 : memref<128x16xf32, #tpu.memory_space<vmem>>) target(%dma_start3A_1645 : memref<128x16xf32, #tpu.memory_space<hbm>>) target_semaphore(%arg9 : memref<!tpu.dma_semaphore, #tpu.memory_space<semaphore_mem>>)
    }
    %scan3A_194 = arith.constant 64 : i32
    %add3A_195 = arith.constant 15 : i32
    %add3A_196 = arith.addi %mul3A_2, %add3A_195 : i32
    %dma_wait3A_197 = arith.constant 1 : i32
    %dma_wait3A_198 = arith.constant 0 : i32
    %dma_wait3A_199 = arith.constant 0 : i32
    %dma_wait3A_200 = arith.constant 0 : i32
    %dma_wait3A_201 = tpu.memref_slice %arg6[%dma_wait3A_197, %dma_wait3A_198, %dma_wait3A_199, %dma_wait3A_200] : memref<2x9x128x16xf32, #tpu.memory_space<vmem>> -> memref<1x1x128x16xf32, #tpu.memory_space<vmem>>
    %dma_wait3A_202 = tpu.memref_squeeze %dma_wait3A_201 : memref<1x1x128x16xf32, #tpu.memory_space<vmem>> -> memref<128x16xf32, #tpu.memory_space<vmem>>
    %dma_wait3A_203 = arith.constant 384 : i32
    %dma_wait3A_204 = arith.constant 0 : i32
    %dma_wait3A_205 = tpu.memref_slice %arg4[%add3A_196, %dma_wait3A_203, %dma_wait3A_204] : memref<512x512x144xf32, #tpu.memory_space<hbm>> -> memref<1x128x16xf32, #tpu.memory_space<hbm>>
    %dma_wait3A_206 = tpu.memref_squeeze %dma_wait3A_205 : memref<1x128x16xf32, #tpu.memory_space<hbm>> -> memref<128x16xf32, #tpu.memory_space<hbm>>
    %dma_wait3A_207 = arith.constant 384 : i32
    %dma_wait3A_208 = arith.constant 0 : i32
    %dma_wait3A_209 = tpu.memref_slice %arg4[%add3A_196, %dma_wait3A_207, %dma_wait3A_208] : memref<512x512x144xf32, #tpu.memory_space<hbm>> -> memref<1x128x16xf32, #tpu.memory_space<hbm>>
    %dma_wait3A_210 = tpu.memref_squeeze %dma_wait3A_209 : memref<1x128x16xf32, #tpu.memory_space<hbm>> -> memref<128x16xf32, #tpu.memory_space<hbm>>
    %dma_wait3A_211 = arith.constant 0 : i32
    %dma_wait3A_212 = arith.constant 0 : i32
    %dma_wait3A_213 = tpu.memref_slice %arg6[%dma_wait3A_197, %dma_wait3A_198, %dma_wait3A_211, %dma_wait3A_212] : memref<2x9x128x16xf32, #tpu.memory_space<vmem>> -> memref<1x1x128x16xf32, #tpu.memory_space<vmem>>
    %dma_wait3A_214 = tpu.memref_squeeze %dma_wait3A_213 : memref<1x1x128x16xf32, #tpu.memory_space<vmem>> -> memref<128x16xf32, #tpu.memory_space<vmem>>
    tpu.wait_dma2 semaphore(%arg9 : memref<!tpu.dma_semaphore, #tpu.memory_space<semaphore_mem>>) src(%dma_wait3A_214 : memref<128x16xf32, #tpu.memory_space<vmem>>) dst(%dma_wait3A_210 : memref<128x16xf32, #tpu.memory_space<hbm>>)
    %add3A_215 = arith.constant 15 : i32
    %add3A_216 = arith.addi %mul3A_2, %add3A_215 : i32
    %dma_wait3A_217 = arith.constant 1 : i32
    %dma_wait3A_218 = arith.constant 1 : i32
    %dma_wait3A_219 = arith.constant 0 : i32
    %dma_wait3A_220 = arith.constant 0 : i32
    %dma_wait3A_221 = tpu.memref_slice %arg6[%dma_wait3A_217, %dma_wait3A_218, %dma_wait3A_219, %dma_wait3A_220] : memref<2x9x128x16xf32, #tpu.memory_space<vmem>> -> memref<1x1x128x16xf32, #tpu.memory_space<vmem>>
    %dma_wait3A_222 = tpu.memref_squeeze %dma_wait3A_221 : memref<1x1x128x16xf32, #tpu.memory_space<vmem>> -> memref<128x16xf32, #tpu.memory_space<vmem>>
    %dma_wait3A_223 = arith.constant 384 : i32
    %dma_wait3A_224 = arith.constant 16 : i32
    %dma_wait3A_225 = tpu.memref_slice %arg4[%add3A_216, %dma_wait3A_223, %dma_wait3A_224] : memref<512x512x144xf32, #tpu.memory_space<hbm>> -> memref<1x128x16xf32, #tpu.memory_space<hbm>>
    %dma_wait3A_226 = tpu.memref_squeeze %dma_wait3A_225 : memref<1x128x16xf32, #tpu.memory_space<hbm>> -> memref<128x16xf32, #tpu.memory_space<hbm>>
    %dma_wait3A_227 = arith.constant 384 : i32
    %dma_wait3A_228 = arith.constant 16 : i32
    %dma_wait3A_229 = tpu.memref_slice %arg4[%add3A_216, %dma_wait3A_227, %dma_wait3A_228] : memref<512x512x144xf32, #tpu.memory_space<hbm>> -> memref<1x128x16xf32, #tpu.memory_space<hbm>>
    %dma_wait3A_230 = tpu.memref_squeeze %dma_wait3A_229 : memref<1x128x16xf32, #tpu.memory_space<hbm>> -> memref<128x16xf32, #tpu.memory_space<hbm>>
    %dma_wait3A_231 = arith.constant 0 : i32
    %dma_wait3A_232 = arith.constant 0 : i32
    %dma_wait3A_233 = tpu.memref_slice %arg6[%dma_wait3A_217, %dma_wait3A_218, %dma_wait3A_231, %dma_wait3A_232] : memref<2x9x128x16xf32, #tpu.memory_space<vmem>> -> memref<1x1x128x16xf32, #tpu.memory_space<vmem>>
    %dma_wait3A_234 = tpu.memref_squeeze %dma_wait3A_233 : memref<1x1x128x16xf32, #tpu.memory_space<vmem>> -> memref<128x16xf32, #tpu.memory_space<vmem>>
    tpu.wait_dma2 semaphore(%arg9 : memref<!tpu.dma_semaphore, #tpu.memory_space<semaphore_mem>>) src(%dma_wait3A_234 : memref<128x16xf32, #tpu.memory_space<vmem>>) dst(%dma_wait3A_230 : memref<128x16xf32, #tpu.memory_space<hbm>>)
    %add3A_235 = arith.constant 15 : i32
    %add3A_236 = arith.addi %mul3A_2, %add3A_235 : i32
    %dma_wait3A_237 = arith.constant 1 : i32
    %dma_wait3A_238 = arith.constant 2 : i32
    %dma_wait3A_239 = arith.constant 0 : i32
    %dma_wait3A_240 = arith.constant 0 : i32
    %dma_wait3A_241 = tpu.memref_slice %arg6[%dma_wait3A_237, %dma_wait3A_238, %dma_wait3A_239, %dma_wait3A_240] : memref<2x9x128x16xf32, #tpu.memory_space<vmem>> -> memref<1x1x128x16xf32, #tpu.memory_space<vmem>>
    %dma_wait3A_242 = tpu.memref_squeeze %dma_wait3A_241 : memref<1x1x128x16xf32, #tpu.memory_space<vmem>> -> memref<128x16xf32, #tpu.memory_space<vmem>>
    %dma_wait3A_243 = arith.constant 384 : i32
    %dma_wait3A_244 = arith.constant 32 : i32
    %dma_wait3A_245 = tpu.memref_slice %arg4[%add3A_236, %dma_wait3A_243, %dma_wait3A_244] : memref<512x512x144xf32, #tpu.memory_space<hbm>> -> memref<1x128x16xf32, #tpu.memory_space<hbm>>
    %dma_wait3A_246 = tpu.memref_squeeze %dma_wait3A_245 : memref<1x128x16xf32, #tpu.memory_space<hbm>> -> memref<128x16xf32, #tpu.memory_space<hbm>>
    %dma_wait3A_247 = arith.constant 384 : i32
    %dma_wait3A_248 = arith.constant 32 : i32
    %dma_wait3A_249 = tpu.memref_slice %arg4[%add3A_236, %dma_wait3A_247, %dma_wait3A_248] : memref<512x512x144xf32, #tpu.memory_space<hbm>> -> memref<1x128x16xf32, #tpu.memory_space<hbm>>
    %dma_wait3A_250 = tpu.memref_squeeze %dma_wait3A_249 : memref<1x128x16xf32, #tpu.memory_space<hbm>> -> memref<128x16xf32, #tpu.memory_space<hbm>>
    %dma_wait3A_251 = arith.constant 0 : i32
    %dma_wait3A_252 = arith.constant 0 : i32
    %dma_wait3A_253 = tpu.memref_slice %arg6[%dma_wait3A_237, %dma_wait3A_238, %dma_wait3A_251, %dma_wait3A_252] : memref<2x9x128x16xf32, #tpu.memory_space<vmem>> -> memref<1x1x128x16xf32, #tpu.memory_space<vmem>>
    %dma_wait3A_254 = tpu.memref_squeeze %dma_wait3A_253 : memref<1x1x128x16xf32, #tpu.memory_space<vmem>> -> memref<128x16xf32, #tpu.memory_space<vmem>>
    tpu.wait_dma2 semaphore(%arg9 : memref<!tpu.dma_semaphore, #tpu.memory_space<semaphore_mem>>) src(%dma_wait3A_254 : memref<128x16xf32, #tpu.memory_space<vmem>>) dst(%dma_wait3A_250 : memref<128x16xf32, #tpu.memory_space<hbm>>)
    %add3A_255 = arith.constant 15 : i32
    %add3A_256 = arith.addi %mul3A_2, %add3A_255 : i32
    %dma_wait3A_257 = arith.constant 1 : i32
    %dma_wait3A_258 = arith.constant 3 : i32
    %dma_wait3A_259 = arith.constant 0 : i32
    %dma_wait3A_260 = arith.constant 0 : i32
    %dma_wait3A_261 = tpu.memref_slice %arg6[%dma_wait3A_257, %dma_wait3A_258, %dma_wait3A_259, %dma_wait3A_260] : memref<2x9x128x16xf32, #tpu.memory_space<vmem>> -> memref<1x1x128x16xf32, #tpu.memory_space<vmem>>
    %dma_wait3A_262 = tpu.memref_squeeze %dma_wait3A_261 : memref<1x1x128x16xf32, #tpu.memory_space<vmem>> -> memref<128x16xf32, #tpu.memory_space<vmem>>
    %dma_wait3A_263 = arith.constant 384 : i32
    %dma_wait3A_264 = arith.constant 48 : i32
    %dma_wait3A_265 = tpu.memref_slice %arg4[%add3A_256, %dma_wait3A_263, %dma_wait3A_264] : memref<512x512x144xf32, #tpu.memory_space<hbm>> -> memref<1x128x16xf32, #tpu.memory_space<hbm>>
    %dma_wait3A_266 = tpu.memref_squeeze %dma_wait3A_265 : memref<1x128x16xf32, #tpu.memory_space<hbm>> -> memref<128x16xf32, #tpu.memory_space<hbm>>
    %dma_wait3A_267 = arith.constant 384 : i32
    %dma_wait3A_268 = arith.constant 48 : i32
    %dma_wait3A_269 = tpu.memref_slice %arg4[%add3A_256, %dma_wait3A_267, %dma_wait3A_268] : memref<512x512x144xf32, #tpu.memory_space<hbm>> -> memref<1x128x16xf32, #tpu.memory_space<hbm>>
    %dma_wait3A_270 = tpu.memref_squeeze %dma_wait3A_269 : memref<1x128x16xf32, #tpu.memory_space<hbm>> -> memref<128x16xf32, #tpu.memory_space<hbm>>
    %dma_wait3A_271 = arith.constant 0 : i32
    %dma_wait3A_272 = arith.constant 0 : i32
    %dma_wait3A_273 = tpu.memref_slice %arg6[%dma_wait3A_257, %dma_wait3A_258, %dma_wait3A_271, %dma_wait3A_272] : memref<2x9x128x16xf32, #tpu.memory_space<vmem>> -> memref<1x1x128x16xf32, #tpu.memory_space<vmem>>
    %dma_wait3A_274 = tpu.memref_squeeze %dma_wait3A_273 : memref<1x1x128x16xf32, #tpu.memory_space<vmem>> -> memref<128x16xf32, #tpu.memory_space<vmem>>
    tpu.wait_dma2 semaphore(%arg9 : memref<!tpu.dma_semaphore, #tpu.memory_space<semaphore_mem>>) src(%dma_wait3A_274 : memref<128x16xf32, #tpu.memory_space<vmem>>) dst(%dma_wait3A_270 : memref<128x16xf32, #tpu.memory_space<hbm>>)
    %add3A_275 = arith.constant 15 : i32
    %add3A_276 = arith.addi %mul3A_2, %add3A_275 : i32
    %dma_wait3A_277 = arith.constant 1 : i32
    %dma_wait3A_278 = arith.constant 4 : i32
    %dma_wait3A_279 = arith.constant 0 : i32
    %dma_wait3A_280 = arith.constant 0 : i32
    %dma_wait3A_281 = tpu.memref_slice %arg6[%dma_wait3A_277, %dma_wait3A_278, %dma_wait3A_279, %dma_wait3A_280] : memref<2x9x128x16xf32, #tpu.memory_space<vmem>> -> memref<1x1x128x16xf32, #tpu.memory_space<vmem>>
    %dma_wait3A_282 = tpu.memref_squeeze %dma_wait3A_281 : memref<1x1x128x16xf32, #tpu.memory_space<vmem>> -> memref<128x16xf32, #tpu.memory_space<vmem>>
    %dma_wait3A_283 = arith.constant 384 : i32
    %dma_wait3A_284 = arith.constant 64 : i32
    %dma_wait3A_285 = tpu.memref_slice %arg4[%add3A_276, %dma_wait3A_283, %dma_wait3A_284] : memref<512x512x144xf32, #tpu.memory_space<hbm>> -> memref<1x128x16xf32, #tpu.memory_space<hbm>>
    %dma_wait3A_286 = tpu.memref_squeeze %dma_wait3A_285 : memref<1x128x16xf32, #tpu.memory_space<hbm>> -> memref<128x16xf32, #tpu.memory_space<hbm>>
    %dma_wait3A_287 = arith.constant 384 : i32
    %dma_wait3A_288 = arith.constant 64 : i32
    %dma_wait3A_289 = tpu.memref_slice %arg4[%add3A_276, %dma_wait3A_287, %dma_wait3A_288] : memref<512x512x144xf32, #tpu.memory_space<hbm>> -> memref<1x128x16xf32, #tpu.memory_space<hbm>>
    %dma_wait3A_290 = tpu.memref_squeeze %dma_wait3A_289 : memref<1x128x16xf32, #tpu.memory_space<hbm>> -> memref<128x16xf32, #tpu.memory_space<hbm>>
    %dma_wait3A_291 = arith.constant 0 : i32
    %dma_wait3A_292 = arith.constant 0 : i32
    %dma_wait3A_293 = tpu.memref_slice %arg6[%dma_wait3A_277, %dma_wait3A_278, %dma_wait3A_291, %dma_wait3A_292] : memref<2x9x128x16xf32, #tpu.memory_space<vmem>> -> memref<1x1x128x16xf32, #tpu.memory_space<vmem>>
    %dma_wait3A_294 = tpu.memref_squeeze %dma_wait3A_293 : memref<1x1x128x16xf32, #tpu.memory_space<vmem>> -> memref<128x16xf32, #tpu.memory_space<vmem>>
    tpu.wait_dma2 semaphore(%arg9 : memref<!tpu.dma_semaphore, #tpu.memory_space<semaphore_mem>>) src(%dma_wait3A_294 : memref<128x16xf32, #tpu.memory_space<vmem>>) dst(%dma_wait3A_290 : memref<128x16xf32, #tpu.memory_space<hbm>>)
    %add3A_295 = arith.constant 15 : i32
    %add3A_296 = arith.addi %mul3A_2, %add3A_295 : i32
    %dma_wait3A_297 = arith.constant 1 : i32
    %dma_wait3A_298 = arith.constant 5 : i32
    %dma_wait3A_299 = arith.constant 0 : i32
    %dma_wait3A_300 = arith.constant 0 : i32
    %dma_wait3A_301 = tpu.memref_slice %arg6[%dma_wait3A_297, %dma_wait3A_298, %dma_wait3A_299, %dma_wait3A_300] : memref<2x9x128x16xf32, #tpu.memory_space<vmem>> -> memref<1x1x128x16xf32, #tpu.memory_space<vmem>>
    %dma_wait3A_302 = tpu.memref_squeeze %dma_wait3A_301 : memref<1x1x128x16xf32, #tpu.memory_space<vmem>> -> memref<128x16xf32, #tpu.memory_space<vmem>>
    %dma_wait3A_303 = arith.constant 384 : i32
    %dma_wait3A_304 = arith.constant 80 : i32
    %dma_wait3A_305 = tpu.memref_slice %arg4[%add3A_296, %dma_wait3A_303, %dma_wait3A_304] : memref<512x512x144xf32, #tpu.memory_space<hbm>> -> memref<1x128x16xf32, #tpu.memory_space<hbm>>
    %dma_wait3A_306 = tpu.memref_squeeze %dma_wait3A_305 : memref<1x128x16xf32, #tpu.memory_space<hbm>> -> memref<128x16xf32, #tpu.memory_space<hbm>>
    %dma_wait3A_307 = arith.constant 384 : i32
    %dma_wait3A_308 = arith.constant 80 : i32
    %dma_wait3A_309 = tpu.memref_slice %arg4[%add3A_296, %dma_wait3A_307, %dma_wait3A_308] : memref<512x512x144xf32, #tpu.memory_space<hbm>> -> memref<1x128x16xf32, #tpu.memory_space<hbm>>
    %dma_wait3A_310 = tpu.memref_squeeze %dma_wait3A_309 : memref<1x128x16xf32, #tpu.memory_space<hbm>> -> memref<128x16xf32, #tpu.memory_space<hbm>>
    %dma_wait3A_311 = arith.constant 0 : i32
    %dma_wait3A_312 = arith.constant 0 : i32
    %dma_wait3A_313 = tpu.memref_slice %arg6[%dma_wait3A_297, %dma_wait3A_298, %dma_wait3A_311, %dma_wait3A_312] : memref<2x9x128x16xf32, #tpu.memory_space<vmem>> -> memref<1x1x128x16xf32, #tpu.memory_space<vmem>>
    %dma_wait3A_314 = tpu.memref_squeeze %dma_wait3A_313 : memref<1x1x128x16xf32, #tpu.memory_space<vmem>> -> memref<128x16xf32, #tpu.memory_space<vmem>>
    tpu.wait_dma2 semaphore(%arg9 : memref<!tpu.dma_semaphore, #tpu.memory_space<semaphore_mem>>) src(%dma_wait3A_314 : memref<128x16xf32, #tpu.memory_space<vmem>>) dst(%dma_wait3A_310 : memref<128x16xf32, #tpu.memory_space<hbm>>)
    %add3A_315 = arith.constant 15 : i32
    %add3A_316 = arith.addi %mul3A_2, %add3A_315 : i32
    %dma_wait3A_317 = arith.constant 1 : i32
    %dma_wait3A_318 = arith.constant 6 : i32
    %dma_wait3A_319 = arith.constant 0 : i32
    %dma_wait3A_320 = arith.constant 0 : i32
    %dma_wait3A_321 = tpu.memref_slice %arg6[%dma_wait3A_317, %dma_wait3A_318, %dma_wait3A_319, %dma_wait3A_320] : memref<2x9x128x16xf32, #tpu.memory_space<vmem>> -> memref<1x1x128x16xf32, #tpu.memory_space<vmem>>
    %dma_wait3A_322 = tpu.memref_squeeze %dma_wait3A_321 : memref<1x1x128x16xf32, #tpu.memory_space<vmem>> -> memref<128x16xf32, #tpu.memory_space<vmem>>
    %dma_wait3A_323 = arith.constant 384 : i32
    %dma_wait3A_324 = arith.constant 96 : i32
    %dma_wait3A_325 = tpu.memref_slice %arg4[%add3A_316, %dma_wait3A_323, %dma_wait3A_324] : memref<512x512x144xf32, #tpu.memory_space<hbm>> -> memref<1x128x16xf32, #tpu.memory_space<hbm>>
    %dma_wait3A_326 = tpu.memref_squeeze %dma_wait3A_325 : memref<1x128x16xf32, #tpu.memory_space<hbm>> -> memref<128x16xf32, #tpu.memory_space<hbm>>
    %dma_wait3A_327 = arith.constant 384 : i32
    %dma_wait3A_328 = arith.constant 96 : i32
    %dma_wait3A_329 = tpu.memref_slice %arg4[%add3A_316, %dma_wait3A_327, %dma_wait3A_328] : memref<512x512x144xf32, #tpu.memory_space<hbm>> -> memref<1x128x16xf32, #tpu.memory_space<hbm>>
    %dma_wait3A_330 = tpu.memref_squeeze %dma_wait3A_329 : memref<1x128x16xf32, #tpu.memory_space<hbm>> -> memref<128x16xf32, #tpu.memory_space<hbm>>
    %dma_wait3A_331 = arith.constant 0 : i32
    %dma_wait3A_332 = arith.constant 0 : i32
    %dma_wait3A_333 = tpu.memref_slice %arg6[%dma_wait3A_317, %dma_wait3A_318, %dma_wait3A_331, %dma_wait3A_332] : memref<2x9x128x16xf32, #tpu.memory_space<vmem>> -> memref<1x1x128x16xf32, #tpu.memory_space<vmem>>
    %dma_wait3A_334 = tpu.memref_squeeze %dma_wait3A_333 : memref<1x1x128x16xf32, #tpu.memory_space<vmem>> -> memref<128x16xf32, #tpu.memory_space<vmem>>
    tpu.wait_dma2 semaphore(%arg9 : memref<!tpu.dma_semaphore, #tpu.memory_space<semaphore_mem>>) src(%dma_wait3A_334 : memref<128x16xf32, #tpu.memory_space<vmem>>) dst(%dma_wait3A_330 : memref<128x16xf32, #tpu.memory_space<hbm>>)
    %add3A_335 = arith.constant 15 : i32
    %add3A_336 = arith.addi %mul3A_2, %add3A_335 : i32
    %dma_wait3A_337 = arith.constant 1 : i32
    %dma_wait3A_338 = arith.constant 7 : i32
    %dma_wait3A_339 = arith.constant 0 : i32
    %dma_wait3A_340 = arith.constant 0 : i32
    %dma_wait3A_341 = tpu.memref_slice %arg6[%dma_wait3A_337, %dma_wait3A_338, %dma_wait3A_339, %dma_wait3A_340] : memref<2x9x128x16xf32, #tpu.memory_space<vmem>> -> memref<1x1x128x16xf32, #tpu.memory_space<vmem>>
    %dma_wait3A_342 = tpu.memref_squeeze %dma_wait3A_341 : memref<1x1x128x16xf32, #tpu.memory_space<vmem>> -> memref<128x16xf32, #tpu.memory_space<vmem>>
    %dma_wait3A_343 = arith.constant 384 : i32
    %dma_wait3A_344 = arith.constant 112 : i32
    %dma_wait3A_345 = tpu.memref_slice %arg4[%add3A_336, %dma_wait3A_343, %dma_wait3A_344] : memref<512x512x144xf32, #tpu.memory_space<hbm>> -> memref<1x128x16xf32, #tpu.memory_space<hbm>>
    %dma_wait3A_346 = tpu.memref_squeeze %dma_wait3A_345 : memref<1x128x16xf32, #tpu.memory_space<hbm>> -> memref<128x16xf32, #tpu.memory_space<hbm>>
    %dma_wait3A_347 = arith.constant 384 : i32
    %dma_wait3A_348 = arith.constant 112 : i32
    %dma_wait3A_349 = tpu.memref_slice %arg4[%add3A_336, %dma_wait3A_347, %dma_wait3A_348] : memref<512x512x144xf32, #tpu.memory_space<hbm>> -> memref<1x128x16xf32, #tpu.memory_space<hbm>>
    %dma_wait3A_350 = tpu.memref_squeeze %dma_wait3A_349 : memref<1x128x16xf32, #tpu.memory_space<hbm>> -> memref<128x16xf32, #tpu.memory_space<hbm>>
    %dma_wait3A_351 = arith.constant 0 : i32
    %dma_wait3A_352 = arith.constant 0 : i32
    %dma_wait3A_353 = tpu.memref_slice %arg6[%dma_wait3A_337, %dma_wait3A_338, %dma_wait3A_351, %dma_wait3A_352] : memref<2x9x128x16xf32, #tpu.memory_space<vmem>> -> memref<1x1x128x16xf32, #tpu.memory_space<vmem>>
    %dma_wait3A_354 = tpu.memref_squeeze %dma_wait3A_353 : memref<1x1x128x16xf32, #tpu.memory_space<vmem>> -> memref<128x16xf32, #tpu.memory_space<vmem>>
    tpu.wait_dma2 semaphore(%arg9 : memref<!tpu.dma_semaphore, #tpu.memory_space<semaphore_mem>>) src(%dma_wait3A_354 : memref<128x16xf32, #tpu.memory_space<vmem>>) dst(%dma_wait3A_350 : memref<128x16xf32, #tpu.memory_space<hbm>>)
    %add3A_355 = arith.constant 15 : i32
    %add3A_356 = arith.addi %mul3A_2, %add3A_355 : i32
    %dma_wait3A_357 = arith.constant 1 : i32
    %dma_wait3A_358 = arith.constant 8 : i32
    %dma_wait3A_359 = arith.constant 0 : i32
    %dma_wait3A_360 = arith.constant 0 : i32
    %dma_wait3A_361 = tpu.memref_slice %arg6[%dma_wait3A_357, %dma_wait3A_358, %dma_wait3A_359, %dma_wait3A_360] : memref<2x9x128x16xf32, #tpu.memory_space<vmem>> -> memref<1x1x128x16xf32, #tpu.memory_space<vmem>>
    %dma_wait3A_362 = tpu.memref_squeeze %dma_wait3A_361 : memref<1x1x128x16xf32, #tpu.memory_space<vmem>> -> memref<128x16xf32, #tpu.memory_space<vmem>>
    %dma_wait3A_363 = arith.constant 384 : i32
    %dma_wait3A_364 = arith.constant 128 : i32
    %dma_wait3A_365 = tpu.memref_slice %arg4[%add3A_356, %dma_wait3A_363, %dma_wait3A_364] : memref<512x512x144xf32, #tpu.memory_space<hbm>> -> memref<1x128x16xf32, #tpu.memory_space<hbm>>
    %dma_wait3A_366 = tpu.memref_squeeze %dma_wait3A_365 : memref<1x128x16xf32, #tpu.memory_space<hbm>> -> memref<128x16xf32, #tpu.memory_space<hbm>>
    %dma_wait3A_367 = arith.constant 384 : i32
    %dma_wait3A_368 = arith.constant 128 : i32
    %dma_wait3A_369 = tpu.memref_slice %arg4[%add3A_356, %dma_wait3A_367, %dma_wait3A_368] : memref<512x512x144xf32, #tpu.memory_space<hbm>> -> memref<1x128x16xf32, #tpu.memory_space<hbm>>
    %dma_wait3A_370 = tpu.memref_squeeze %dma_wait3A_369 : memref<1x128x16xf32, #tpu.memory_space<hbm>> -> memref<128x16xf32, #tpu.memory_space<hbm>>
    %dma_wait3A_371 = arith.constant 0 : i32
    %dma_wait3A_372 = arith.constant 0 : i32
    %dma_wait3A_373 = tpu.memref_slice %arg6[%dma_wait3A_357, %dma_wait3A_358, %dma_wait3A_371, %dma_wait3A_372] : memref<2x9x128x16xf32, #tpu.memory_space<vmem>> -> memref<1x1x128x16xf32, #tpu.memory_space<vmem>>
    %dma_wait3A_374 = tpu.memref_squeeze %dma_wait3A_373 : memref<1x1x128x16xf32, #tpu.memory_space<vmem>> -> memref<128x16xf32, #tpu.memory_space<vmem>>
    tpu.wait_dma2 semaphore(%arg9 : memref<!tpu.dma_semaphore, #tpu.memory_space<semaphore_mem>>) src(%dma_wait3A_374 : memref<128x16xf32, #tpu.memory_space<vmem>>) dst(%dma_wait3A_370 : memref<128x16xf32, #tpu.memory_space<hbm>>)
    return
  }
}

module attributes {stable_mosaic.version = 14 : i64} {
  func.func @_idx_body(%arg0: i32, %arg1: memref<64x512xf32, #tpu.memory_space<vmem>>, %arg2: memref<64x512xf32, #tpu.memory_space<vmem>>, %arg3: memref<9x64x512xi32, #tpu.memory_space<vmem>>) attributes {dimension_semantics = [#tpu.dimension_semantics<arbitrary>], iteration_bounds = array<i64: 8>, scalar_prefetch = 0 : i64, scratch_operands = 0 : i64, tpu.core_type = #tpu.core_type<tc>, window_params = [{transform_indices = @transform_0, window_bounds = array<i64: 64, 512>}, {transform_indices = @transform_1, window_bounds = array<i64: 64, 512>}, {transform_indices = @transform_2, window_bounds = array<i64: 9, 64, 512>}]} {
    %get3A = arith.constant 0 : index
    %get3A_0 = arith.constant 0 : index
    %get3A_1 = vector.load %arg1[%get3A, %get3A_0] : memref<64x512xf32, #tpu.memory_space<vmem>>, vector<64x512xf32>
    %get3A_2 = arith.constant 0 : index
    %get3A_3 = arith.constant 0 : index
    %get3A_4 = vector.load %arg2[%get3A_2, %get3A_3] : memref<64x512xf32, #tpu.memory_space<vmem>>, vector<64x512xf32>
    %mul3A = arith.constant 3.100000e+01 : f32
    %mul3A_5 = vector.broadcast %mul3A : f32 to vector<64x512xf32>
    %mul3A_6 = arith.mulf %get3A_1, %mul3A_5 : vector<64x512xf32>
    %convert_element_type3A = arith.fptosi %mul3A_6 : vector<64x512xf32> to vector<64x512xi32>
    %mul3A_7 = arith.constant 3.100000e+01 : f32
    %mul3A_8 = vector.broadcast %mul3A_7 : f32 to vector<64x512xf32>
    %mul3A_9 = arith.mulf %get3A_4, %mul3A_8 : vector<64x512xf32>
    %convert_element_type3A_10 = arith.fptosi %mul3A_9 : vector<64x512xf32> to vector<64x512xi32>
    %mul3A_11 = arith.constant 32 : i32
    %mul3A_12 = vector.broadcast %mul3A_11 : i32 to vector<64x512xi32>
    %mul3A_13 = arith.muli %convert_element_type3A, %mul3A_12 : vector<64x512xi32>
    %add3A = arith.addi %mul3A_13, %convert_element_type3A_10 : vector<64x512xi32>
    %swap3A = arith.constant 0 : index
    %swap3A_14 = arith.constant 0 : index
    %swap3A_15 = arith.constant 0 : index
    %swap3A_16 = vector.load %arg3[%swap3A, %swap3A_14, %swap3A_15] : memref<9x64x512xi32, #tpu.memory_space<vmem>>, vector<1x64x512xi32>
    %swap3A_17 = vector.shape_cast %swap3A_16 : vector<1x64x512xi32> to vector<64x512xi32>
    %swap3A_18 = vector.shape_cast %add3A : vector<64x512xi32> to vector<1x64x512xi32>
    tpu.vector_store %arg3[%swap3A, %swap3A_14, %swap3A_15], %swap3A_18 {strides = array<i32>} : memref<9x64x512xi32, #tpu.memory_space<vmem>>, vector<1x64x512xi32>,
    %mul3A_19 = arith.constant 6.28318548 : f32
    %mul3A_20 = vector.broadcast %mul3A_19 : f32 to vector<64x512xf32>
    %mul3A_21 = arith.mulf %get3A_1, %mul3A_20 : vector<64x512xf32>
    %mul3A_22 = arith.constant 6.28318548 : f32
    %mul3A_23 = vector.broadcast %mul3A_22 : f32 to vector<64x512xf32>
    %mul3A_24 = arith.mulf %get3A_4, %mul3A_23 : vector<64x512xf32>
    %sin3A = math.sin %mul3A_21 : vector<64x512xf32>
    %abs3A = math.absf %sin3A : vector<64x512xf32>
    %sin3A_25 = math.sin %mul3A_24 : vector<64x512xf32>
    %abs3A_26 = math.absf %sin3A_25 : vector<64x512xf32>
    %mul3A_27 = arith.constant 6.300000e+01 : f32
    %mul3A_28 = vector.broadcast %mul3A_27 : f32 to vector<64x512xf32>
    %mul3A_29 = arith.mulf %abs3A, %mul3A_28 : vector<64x512xf32>
    %convert_element_type3A_30 = arith.fptosi %mul3A_29 : vector<64x512xf32> to vector<64x512xi32>
    %mul3A_31 = arith.constant 64 : i32
    %mul3A_32 = vector.broadcast %mul3A_31 : i32 to vector<64x512xi32>
    %mul3A_33 = arith.muli %convert_element_type3A_30, %mul3A_32 : vector<64x512xi32>
    %add3A_34 = arith.constant 1024 : i32
    %add3A_35 = vector.broadcast %add3A_34 : i32 to vector<64x512xi32>
    %add3A_36 = arith.addi %add3A_35, %mul3A_33 : vector<64x512xi32>
    %mul3A_37 = arith.constant 6.300000e+01 : f32
    %mul3A_38 = vector.broadcast %mul3A_37 : f32 to vector<64x512xf32>
    %mul3A_39 = arith.mulf %abs3A_26, %mul3A_38 : vector<64x512xf32>
    %convert_element_type3A_40 = arith.fptosi %mul3A_39 : vector<64x512xf32> to vector<64x512xi32>
    %add3A_41 = arith.addi %add3A_36, %convert_element_type3A_40 : vector<64x512xi32>
    %swap3A_42 = arith.constant 1 : index
    %swap3A_43 = arith.constant 0 : index
    %swap3A_44 = arith.constant 0 : index
    %swap3A_45 = vector.load %arg3[%swap3A_42, %swap3A_43, %swap3A_44] : memref<9x64x512xi32, #tpu.memory_space<vmem>>, vector<1x64x512xi32>
    %swap3A_46 = vector.shape_cast %swap3A_45 : vector<1x64x512xi32> to vector<64x512xi32>
    %swap3A_47 = vector.shape_cast %add3A_41 : vector<64x512xi32> to vector<1x64x512xi32>
    tpu.vector_store %arg3[%swap3A_42, %swap3A_43, %swap3A_44], %swap3A_47 {strides = array<i32>} : memref<9x64x512xi32, #tpu.memory_space<vmem>>, vector<1x64x512xi32>,
    %cos3A = math.cos %mul3A_21 : vector<64x512xf32>
    %abs3A_48 = math.absf %cos3A : vector<64x512xf32>
    %cos3A_49 = math.cos %mul3A_24 : vector<64x512xf32>
    %abs3A_50 = math.absf %cos3A_49 : vector<64x512xf32>
    %mul3A_51 = arith.constant 6.300000e+01 : f32
    %mul3A_52 = vector.broadcast %mul3A_51 : f32 to vector<64x512xf32>
    %mul3A_53 = arith.mulf %abs3A_48, %mul3A_52 : vector<64x512xf32>
    %convert_element_type3A_54 = arith.fptosi %mul3A_53 : vector<64x512xf32> to vector<64x512xi32>
    %mul3A_55 = arith.constant 64 : i32
    %mul3A_56 = vector.broadcast %mul3A_55 : i32 to vector<64x512xi32>
    %mul3A_57 = arith.muli %convert_element_type3A_54, %mul3A_56 : vector<64x512xi32>
    %add3A_58 = arith.constant 1024 : i32
    %add3A_59 = vector.broadcast %add3A_58 : i32 to vector<64x512xi32>
    %add3A_60 = arith.addi %add3A_59, %mul3A_57 : vector<64x512xi32>
    %mul3A_61 = arith.constant 6.300000e+01 : f32
    %mul3A_62 = vector.broadcast %mul3A_61 : f32 to vector<64x512xf32>
    %mul3A_63 = arith.mulf %abs3A_50, %mul3A_62 : vector<64x512xf32>
    %convert_element_type3A_64 = arith.fptosi %mul3A_63 : vector<64x512xf32> to vector<64x512xi32>
    %add3A_65 = arith.addi %add3A_60, %convert_element_type3A_64 : vector<64x512xi32>
    %swap3A_66 = arith.constant 2 : index
    %swap3A_67 = arith.constant 0 : index
    %swap3A_68 = arith.constant 0 : index
    %swap3A_69 = vector.load %arg3[%swap3A_66, %swap3A_67, %swap3A_68] : memref<9x64x512xi32, #tpu.memory_space<vmem>>, vector<1x64x512xi32>
    %swap3A_70 = vector.shape_cast %swap3A_69 : vector<1x64x512xi32> to vector<64x512xi32>
    %swap3A_71 = vector.shape_cast %add3A_65 : vector<64x512xi32> to vector<1x64x512xi32>
    tpu.vector_store %arg3[%swap3A_66, %swap3A_67, %swap3A_68], %swap3A_71 {strides = array<i32>} : memref<9x64x512xi32, #tpu.memory_space<vmem>>, vector<1x64x512xi32>,
    %mul3A_72 = arith.constant 12.566371 : f32
    %mul3A_73 = vector.broadcast %mul3A_72 : f32 to vector<64x512xf32>
    %mul3A_74 = arith.mulf %get3A_1, %mul3A_73 : vector<64x512xf32>
    %mul3A_75 = arith.constant 12.566371 : f32
    %mul3A_76 = vector.broadcast %mul3A_75 : f32 to vector<64x512xf32>
    %mul3A_77 = arith.mulf %get3A_4, %mul3A_76 : vector<64x512xf32>
    %sin3A_78 = math.sin %mul3A_74 : vector<64x512xf32>
    %abs3A_79 = math.absf %sin3A_78 : vector<64x512xf32>
    %sin3A_80 = math.sin %mul3A_77 : vector<64x512xf32>
    %abs3A_81 = math.absf %sin3A_80 : vector<64x512xf32>
    %mul3A_82 = arith.constant 1.270000e+02 : f32
    %mul3A_83 = vector.broadcast %mul3A_82 : f32 to vector<64x512xf32>
    %mul3A_84 = arith.mulf %abs3A_79, %mul3A_83 : vector<64x512xf32>
    %convert_element_type3A_85 = arith.fptosi %mul3A_84 : vector<64x512xf32> to vector<64x512xi32>
    %mul3A_86 = arith.constant 128 : i32
    %mul3A_87 = vector.broadcast %mul3A_86 : i32 to vector<64x512xi32>
    %mul3A_88 = arith.muli %convert_element_type3A_85, %mul3A_87 : vector<64x512xi32>
    %add3A_89 = arith.constant 5120 : i32
    %add3A_90 = vector.broadcast %add3A_89 : i32 to vector<64x512xi32>
    %add3A_91 = arith.addi %add3A_90, %mul3A_88 : vector<64x512xi32>
    %mul3A_92 = arith.constant 1.270000e+02 : f32
    %mul3A_93 = vector.broadcast %mul3A_92 : f32 to vector<64x512xf32>
    %mul3A_94 = arith.mulf %abs3A_81, %mul3A_93 : vector<64x512xf32>
    %convert_element_type3A_95 = arith.fptosi %mul3A_94 : vector<64x512xf32> to vector<64x512xi32>
    %add3A_96 = arith.addi %add3A_91, %convert_element_type3A_95 : vector<64x512xi32>
    %swap3A_97 = arith.constant 3 : index
    %swap3A_98 = arith.constant 0 : index
    %swap3A_99 = arith.constant 0 : index
    %swap3A_100 = vector.load %arg3[%swap3A_97, %swap3A_98, %swap3A_99] : memref<9x64x512xi32, #tpu.memory_space<vmem>>, vector<1x64x512xi32>
    %swap3A_101 = vector.shape_cast %swap3A_100 : vector<1x64x512xi32> to vector<64x512xi32>
    %swap3A_102 = vector.shape_cast %add3A_96 : vector<64x512xi32> to vector<1x64x512xi32>
    tpu.vector_store %arg3[%swap3A_97, %swap3A_98, %swap3A_99], %swap3A_102 {strides = array<i32>} : memref<9x64x512xi32, #tpu.memory_space<vmem>>, vector<1x64x512xi32>,
    %cos3A_103 = math.cos %mul3A_74 : vector<64x512xf32>
    %abs3A_104 = math.absf %cos3A_103 : vector<64x512xf32>
    %cos3A_105 = math.cos %mul3A_77 : vector<64x512xf32>
    %abs3A_106 = math.absf %cos3A_105 : vector<64x512xf32>
    %mul3A_107 = arith.constant 1.270000e+02 : f32
    %mul3A_108 = vector.broadcast %mul3A_107 : f32 to vector<64x512xf32>
    %mul3A_109 = arith.mulf %abs3A_104, %mul3A_108 : vector<64x512xf32>
    %convert_element_type3A_110 = arith.fptosi %mul3A_109 : vector<64x512xf32> to vector<64x512xi32>
    %mul3A_111 = arith.constant 128 : i32
    %mul3A_112 = vector.broadcast %mul3A_111 : i32 to vector<64x512xi32>
    %mul3A_113 = arith.muli %convert_element_type3A_110, %mul3A_112 : vector<64x512xi32>
    %add3A_114 = arith.constant 5120 : i32
    %add3A_115 = vector.broadcast %add3A_114 : i32 to vector<64x512xi32>
    %add3A_116 = arith.addi %add3A_115, %mul3A_113 : vector<64x512xi32>
    %mul3A_117 = arith.constant 1.270000e+02 : f32
    %mul3A_118 = vector.broadcast %mul3A_117 : f32 to vector<64x512xf32>
    %mul3A_119 = arith.mulf %abs3A_106, %mul3A_118 : vector<64x512xf32>
    %convert_element_type3A_120 = arith.fptosi %mul3A_119 : vector<64x512xf32> to vector<64x512xi32>
    %add3A_121 = arith.addi %add3A_116, %convert_element_type3A_120 : vector<64x512xi32>
    %swap3A_122 = arith.constant 4 : index
    %swap3A_123 = arith.constant 0 : index
    %swap3A_124 = arith.constant 0 : index
    %swap3A_125 = vector.load %arg3[%swap3A_122, %swap3A_123, %swap3A_124] : memref<9x64x512xi32, #tpu.memory_space<vmem>>, vector<1x64x512xi32>
    %swap3A_126 = vector.shape_cast %swap3A_125 : vector<1x64x512xi32> to vector<64x512xi32>
    %swap3A_127 = vector.shape_cast %add3A_121 : vector<64x512xi32> to vector<1x64x512xi32>
    tpu.vector_store %arg3[%swap3A_122, %swap3A_123, %swap3A_124], %swap3A_127 {strides = array<i32>} : memref<9x64x512xi32, #tpu.memory_space<vmem>>, vector<1x64x512xi32>,
    %mul3A_128 = arith.constant 25.1327419 : f32
    %mul3A_129 = vector.broadcast %mul3A_128 : f32 to vector<64x512xf32>
    %mul3A_130 = arith.mulf %get3A_1, %mul3A_129 : vector<64x512xf32>
    %mul3A_131 = arith.constant 25.1327419 : f32
    %mul3A_132 = vector.broadcast %mul3A_131 : f32 to vector<64x512xf32>
    %mul3A_133 = arith.mulf %get3A_4, %mul3A_132 : vector<64x512xf32>
    %sin3A_134 = math.sin %mul3A_130 : vector<64x512xf32>
    %abs3A_135 = math.absf %sin3A_134 : vector<64x512xf32>
    %sin3A_136 = math.sin %mul3A_133 : vector<64x512xf32>
    %abs3A_137 = math.absf %sin3A_136 : vector<64x512xf32>
    %mul3A_138 = arith.constant 2.550000e+02 : f32
    %mul3A_139 = vector.broadcast %mul3A_138 : f32 to vector<64x512xf32>
    %mul3A_140 = arith.mulf %abs3A_135, %mul3A_139 : vector<64x512xf32>
    %convert_element_type3A_141 = arith.fptosi %mul3A_140 : vector<64x512xf32> to vector<64x512xi32>
    %mul3A_142 = arith.constant 256 : i32
    %mul3A_143 = vector.broadcast %mul3A_142 : i32 to vector<64x512xi32>
    %mul3A_144 = arith.muli %convert_element_type3A_141, %mul3A_143 : vector<64x512xi32>
    %add3A_145 = arith.constant 21504 : i32
    %add3A_146 = vector.broadcast %add3A_145 : i32 to vector<64x512xi32>
    %add3A_147 = arith.addi %add3A_146, %mul3A_144 : vector<64x512xi32>
    %mul3A_148 = arith.constant 2.550000e+02 : f32
    %mul3A_149 = vector.broadcast %mul3A_148 : f32 to vector<64x512xf32>
    %mul3A_150 = arith.mulf %abs3A_137, %mul3A_149 : vector<64x512xf32>
    %convert_element_type3A_151 = arith.fptosi %mul3A_150 : vector<64x512xf32> to vector<64x512xi32>
    %add3A_152 = arith.addi %add3A_147, %convert_element_type3A_151 : vector<64x512xi32>
    %swap3A_153 = arith.constant 5 : index
    %swap3A_154 = arith.constant 0 : index
    %swap3A_155 = arith.constant 0 : index
    %swap3A_156 = vector.load %arg3[%swap3A_153, %swap3A_154, %swap3A_155] : memref<9x64x512xi32, #tpu.memory_space<vmem>>, vector<1x64x512xi32>
    %swap3A_157 = vector.shape_cast %swap3A_156 : vector<1x64x512xi32> to vector<64x512xi32>
    %swap3A_158 = vector.shape_cast %add3A_152 : vector<64x512xi32> to vector<1x64x512xi32>
    tpu.vector_store %arg3[%swap3A_153, %swap3A_154, %swap3A_155], %swap3A_158 {strides = array<i32>} : memref<9x64x512xi32, #tpu.memory_space<vmem>>, vector<1x64x512xi32>,
    %cos3A_159 = math.cos %mul3A_130 : vector<64x512xf32>
    %abs3A_160 = math.absf %cos3A_159 : vector<64x512xf32>
    %cos3A_161 = math.cos %mul3A_133 : vector<64x512xf32>
    %abs3A_162 = math.absf %cos3A_161 : vector<64x512xf32>
    %mul3A_163 = arith.constant 2.550000e+02 : f32
    %mul3A_164 = vector.broadcast %mul3A_163 : f32 to vector<64x512xf32>
    %mul3A_165 = arith.mulf %abs3A_160, %mul3A_164 : vector<64x512xf32>
    %convert_element_type3A_166 = arith.fptosi %mul3A_165 : vector<64x512xf32> to vector<64x512xi32>
    %mul3A_167 = arith.constant 256 : i32
    %mul3A_168 = vector.broadcast %mul3A_167 : i32 to vector<64x512xi32>
    %mul3A_169 = arith.muli %convert_element_type3A_166, %mul3A_168 : vector<64x512xi32>
    %add3A_170 = arith.constant 21504 : i32
    %add3A_171 = vector.broadcast %add3A_170 : i32 to vector<64x512xi32>
    %add3A_172 = arith.addi %add3A_171, %mul3A_169 : vector<64x512xi32>
    %mul3A_173 = arith.constant 2.550000e+02 : f32
    %mul3A_174 = vector.broadcast %mul3A_173 : f32 to vector<64x512xf32>
    %mul3A_175 = arith.mulf %abs3A_162, %mul3A_174 : vector<64x512xf32>
    %convert_element_type3A_176 = arith.fptosi %mul3A_175 : vector<64x512xf32> to vector<64x512xi32>
    %add3A_177 = arith.addi %add3A_172, %convert_element_type3A_176 : vector<64x512xi32>
    %swap3A_178 = arith.constant 6 : index
    %swap3A_179 = arith.constant 0 : index
    %swap3A_180 = arith.constant 0 : index
    %swap3A_181 = vector.load %arg3[%swap3A_178, %swap3A_179, %swap3A_180] : memref<9x64x512xi32, #tpu.memory_space<vmem>>, vector<1x64x512xi32>
    %swap3A_182 = vector.shape_cast %swap3A_181 : vector<1x64x512xi32> to vector<64x512xi32>
    %swap3A_183 = vector.shape_cast %add3A_177 : vector<64x512xi32> to vector<1x64x512xi32>
    tpu.vector_store %arg3[%swap3A_178, %swap3A_179, %swap3A_180], %swap3A_183 {strides = array<i32>} : memref<9x64x512xi32, #tpu.memory_space<vmem>>, vector<1x64x512xi32>,
    %mul3A_184 = arith.constant 50.2654839 : f32
    %mul3A_185 = vector.broadcast %mul3A_184 : f32 to vector<64x512xf32>
    %mul3A_186 = arith.mulf %get3A_1, %mul3A_185 : vector<64x512xf32>
    %mul3A_187 = arith.constant 50.2654839 : f32
    %mul3A_188 = vector.broadcast %mul3A_187 : f32 to vector<64x512xf32>
    %mul3A_189 = arith.mulf %get3A_4, %mul3A_188 : vector<64x512xf32>
    %sin3A_190 = math.sin %mul3A_186 : vector<64x512xf32>
    %abs3A_191 = math.absf %sin3A_190 : vector<64x512xf32>
    %sin3A_192 = math.sin %mul3A_189 : vector<64x512xf32>
    %abs3A_193 = math.absf %sin3A_192 : vector<64x512xf32>
    %mul3A_194 = arith.constant 5.110000e+02 : f32
    %mul3A_195 = vector.broadcast %mul3A_194 : f32 to vector<64x512xf32>
    %mul3A_196 = arith.mulf %abs3A_191, %mul3A_195 : vector<64x512xf32>
    %convert_element_type3A_197 = arith.fptosi %mul3A_196 : vector<64x512xf32> to vector<64x512xi32>
    %mul3A_198 = arith.constant 512 : i32
    %mul3A_199 = vector.broadcast %mul3A_198 : i32 to vector<64x512xi32>
    %mul3A_200 = arith.muli %convert_element_type3A_197, %mul3A_199 : vector<64x512xi32>
    %add3A_201 = arith.constant 87040 : i32
    %add3A_202 = vector.broadcast %add3A_201 : i32 to vector<64x512xi32>
    %add3A_203 = arith.addi %add3A_202, %mul3A_200 : vector<64x512xi32>
    %mul3A_204 = arith.constant 5.110000e+02 : f32
    %mul3A_205 = vector.broadcast %mul3A_204 : f32 to vector<64x512xf32>
    %mul3A_206 = arith.mulf %abs3A_193, %mul3A_205 : vector<64x512xf32>
    %convert_element_type3A_207 = arith.fptosi %mul3A_206 : vector<64x512xf32> to vector<64x512xi32>
    %add3A_208 = arith.addi %add3A_203, %convert_element_type3A_207 : vector<64x512xi32>
    %swap3A_209 = arith.constant 7 : index
    %swap3A_210 = arith.constant 0 : index
    %swap3A_211 = arith.constant 0 : index
    %swap3A_212 = vector.load %arg3[%swap3A_209, %swap3A_210, %swap3A_211] : memref<9x64x512xi32, #tpu.memory_space<vmem>>, vector<1x64x512xi32>
    %swap3A_213 = vector.shape_cast %swap3A_212 : vector<1x64x512xi32> to vector<64x512xi32>
    %swap3A_214 = vector.shape_cast %add3A_208 : vector<64x512xi32> to vector<1x64x512xi32>
    tpu.vector_store %arg3[%swap3A_209, %swap3A_210, %swap3A_211], %swap3A_214 {strides = array<i32>} : memref<9x64x512xi32, #tpu.memory_space<vmem>>, vector<1x64x512xi32>,
    %cos3A_215 = math.cos %mul3A_186 : vector<64x512xf32>
    %abs3A_216 = math.absf %cos3A_215 : vector<64x512xf32>
    %cos3A_217 = math.cos %mul3A_189 : vector<64x512xf32>
    %abs3A_218 = math.absf %cos3A_217 : vector<64x512xf32>
    %mul3A_219 = arith.constant 5.110000e+02 : f32
    %mul3A_220 = vector.broadcast %mul3A_219 : f32 to vector<64x512xf32>
    %mul3A_221 = arith.mulf %abs3A_216, %mul3A_220 : vector<64x512xf32>
    %convert_element_type3A_222 = arith.fptosi %mul3A_221 : vector<64x512xf32> to vector<64x512xi32>
    %mul3A_223 = arith.constant 512 : i32
    %mul3A_224 = vector.broadcast %mul3A_223 : i32 to vector<64x512xi32>
    %mul3A_225 = arith.muli %convert_element_type3A_222, %mul3A_224 : vector<64x512xi32>
    %add3A_226 = arith.constant 87040 : i32
    %add3A_227 = vector.broadcast %add3A_226 : i32 to vector<64x512xi32>
    %add3A_228 = arith.addi %add3A_227, %mul3A_225 : vector<64x512xi32>
    %mul3A_229 = arith.constant 5.110000e+02 : f32
    %mul3A_230 = vector.broadcast %mul3A_229 : f32 to vector<64x512xf32>
    %mul3A_231 = arith.mulf %abs3A_218, %mul3A_230 : vector<64x512xf32>
    %convert_element_type3A_232 = arith.fptosi %mul3A_231 : vector<64x512xf32> to vector<64x512xi32>
    %add3A_233 = arith.addi %add3A_228, %convert_element_type3A_232 : vector<64x512xi32>
    %swap3A_234 = arith.constant 8 : index
    %swap3A_235 = arith.constant 0 : index
    %swap3A_236 = arith.constant 0 : index
    %swap3A_237 = vector.load %arg3[%swap3A_234, %swap3A_235, %swap3A_236] : memref<9x64x512xi32, #tpu.memory_space<vmem>>, vector<1x64x512xi32>
    %swap3A_238 = vector.shape_cast %swap3A_237 : vector<1x64x512xi32> to vector<64x512xi32>
    %swap3A_239 = vector.shape_cast %add3A_233 : vector<64x512xi32> to vector<1x64x512xi32>
    tpu.vector_store %arg3[%swap3A_234, %swap3A_235, %swap3A_236], %swap3A_239 {strides = array<i32>} : memref<9x64x512xi32, #tpu.memory_space<vmem>>, vector<1x64x512xi32>,
    return
  }
  func.func @transform_0(%arg0: i32) -> (i32, i32) {
    %c0_i32 = arith.constant 0 : i32
    %c0_i32_0 = arith.constant 0 : i32
    return %arg0, %c0_i32 : i32, i32
  }
  func.func @transform_1(%arg0: i32) -> (i32, i32) {
    %c0_i32 = arith.constant 0 : i32
    %c0_i32_0 = arith.constant 0 : i32
    return %arg0, %c0_i32 : i32, i32
  }
  func.func @transform_2(%arg0: i32) -> (i32, i32, i32) {
    %c0_i32 = arith.constant 0 : i32
    %c0_i32_0 = arith.constant 0 : i32
    %c0_i32_1 = arith.constant 0 : i32
    return %c0_i32, %arg0, %c0_i32_0 : i32, i32, i32
  }
}

</mosaic_0001>

<sc_bundles>
// kernel: kernel.4.cloned.1.call-start
scs
__scs_entry_jumppad:
0x0: {  	(pc) =	sbr.rel $0x88, $3  }
0x1: {  	(tag) =	ssettag $0x0;
	lr =	simm.s32 $0x1  }
0x2: {  	[smem:$0x3F9B] =	sst lr;
	_ =	strace $0xD0000000  }
0x3: {  	_ = 	snop  }
0x4: {  	_ = 	snop  }
0x5: {  	_ = 	snop  }
0x6: {  	_ = 	snop  }
0x7: {  	_ = 	snop  }
__scs_overlays_trampoline_lowered:
0x8: {  	[smem:$0x3FAA] =	sst s0  }
0x9: {  	[smem:$0x3FAB] =	sst s1  }
0xa: {  	[smem:$0x3FAC] =	sst s2  }
0xb: {  	[smem:$0x3FAD] =	sst s3  }
0xc: {  	[smem:$0x3FAE] =	sst s4  }
0xd: {  	[smem:$0x3FAF] =	sst s5  }
0xe: {  	[smem:$0x3FB0] =	sst s6  }
0xf: {  	[smem:$0x3FB1] =	sst s7  }
0x10: {  	[smem:$0x3FB2] =	sst s8  }
0x11: {  	[smem:$0x3FB3] =	sst s9;
	s0 =	simm.s32 @!p0 $0x0  }
0x12: {  	s1 =	sld [smem:$0x3F99];
	s0 =	simm.s32 @p0 $0x1  }
0x13: {  	[smem:$0x3FB4] =	sst s0;
	s0 =	simm.s32 @!p1 $0x0  }
0x14: {  	s2 =	sld [smem:$0x3F98];
	s0 =	simm.s32 @p1 $0x1  }
0x15: {  	[smem:$0x3FB5] =	sst s0;
	s0 =	simm.s32 @!p2 $0x0  }
0x16: {  	s3 =	sld [smem:$0x3FDB];
	s0 =	simm.s32 @p2 $0x1  }
0x17: {  	s4 =	simm.s32 $0x1BF5;
	[smem:$0x3FB7] =	sst s0  }
0x18: {  	s0 =	sld [smem:$0x3F9A];
	_ =	swait.ge [sflag:s4], $0x0  }
0x19: {  	s7 =	sld [smem:$0x3F9B]  }
0x1a: {  	s8 =	sadd.s32 $0xFFFFE003, lr  }
0x1b: {  	s9 =	sadd.s32 $0xFFFFFEF7, lr;
	s5 =	simm.s32 $0xFFFFFFFF;
	p2 =	slt.u32 s8, $0xFFFFF086  }
0x1c: {  	p1 =	slt.u32 s9, $0xF7A;
	s5 =	simm.s32 @!p2 $0x0  }
0x1d: {  	s5 =	simm.s32 @p1 $0x1;
	p0 =	seq.s32 s7, s2  }
0x1e: {  	s7 =	smul.u32 @!p0 $0xF7A, s2;
	p2 =	seq.s32 @!p0 s5, $0x0  }
0x1f: {  	s9 =	smul.u32 $0xF7A, s1;
	s8 =	simm.s32 @!p0 $0x1BF5;
	p2 =	por !p2, p0  }
0x20: {  	[sflag:s8] =	ssyncset.s32 @!p0 $0xFFFFF086;
	s6 =	sadd.s32 @!p0 s3, s7;
	s7 =	simm.s32 @!p0 $0x108  }
0x21: {  	s3 =	sadd.s32 s3, s9;
	s6 =	sadd.s32 @!p0 $0x88, s6;
	s7 =	simm.s32 @p2 $0x1082  }
0x22: {  	[simem:s7], [sflag:s8] =	dma.local @!p0 [hbm:s6], $0xF7A  }
0x23: {  	s9 =	sor.u32 $0xD0000000, s2;
	s6 =	simm.s32 $0x108;
	_ =	swait.ge @!p0 [sflag:s8], $0x0  }
0x24: {  	s3 =	sadd.s32 $0x88, s3;
	s6 =	simm.s32 @!p1 $0x1082;
	[sflag:s4] =	ssyncset.s32 $0xFFFFF086  }
0x25: {  	[simem:s6], [sflag:s4] =	dma.local [hbm:s3], $0xF7A  }
0x26: {  	[smem:$0x3F9B] =	sst s1;
	(tag) =	ssettag s2;
	_ =	strace s9  }
0x27: {  	s1 =	sld [smem:$0x3FAB]  }
0x28: {  	s2 =	sld [smem:$0x3FAC]  }
0x29: {  	s4 =	sld [smem:$0x3FAE]  }
0x2a: {  	p0 =	seq.s32 s5, $0x0;
	s5 =	sld [smem:$0x3FAF]  }
0x2b: {  	s6 =	sld [smem:$0x3FB0]  }
0x2c: {  	s7 =	sld [smem:$0x3FB1]  }
0x2d: {  	s3 =	simm.s32 $0x108;
	s8 =	sld [smem:$0x3FB2]  }
0x2e: {  	s3 =	simm.s32 @!p0 $0x1082;
	s9 =	sld [smem:$0x3FB3]  }
0x2f: {  	lr =	sadd.s32 s0, s3;
	s0 =	sld [smem:$0x3FAA]  }
0x30: {  	s3 =	sld [smem:$0x3FAD]  }
0x31: {  	[smem:$0x3FB6] =	sst s10  }
0x32: {  	s10 =	sld [smem:$0x3FB4];
	_ =	sdelay $0x3  }
0x33: {  	p0 =	seq.s32 s10, $0x1;
	s10 =	sld [smem:$0x3FB6];
	_ =	sdelay $0x3  }
0x34: {  	[smem:$0x3FB6] =	sst s10  }
0x35: {  	s10 =	sld [smem:$0x3FB5];
	_ =	sdelay $0x3  }
0x36: {  	p1 =	seq.s32 s10, $0x1;
	s10 =	sld [smem:$0x3FB6];
	_ =	sdelay $0x3  }
0x37: {  	[smem:$0x3FB6] =	sst s10  }
0x38: {  	s10 =	sld [smem:$0x3FB7]  }
0x39: {  	_ = 	snop;
	(pc) =	sbr.ind lr, $3  }
0x3a: {  	_ = 	snop  }
0x3b: {  	_ = 	snop  }
0x3c: {  	p2 =	seq.s32 s10, $0x1;
	s10 =	sld [smem:$0x3FB6]  }
0x3d: {  	_ =	shalt  }
0x3e: {  	_ =	shalt  }
0x3f: {  	_ =	shalt  }
0x40: {  	_ =	shalt  }
0x41: {  	_ =	shalt  }
0x42: {  	_ =	shalt  }
0x43: {  	_ =	shalt  }
0x44: {  	_ =	shalt  }
0x45: {  	_ =	shalt  }
0x46: {  	_ =	shalt  }
0x47: {  	_ =	shalt  }
0x48: {  	_ =	shalt  }
0x49: {  	_ =	shalt  }
0x4a: {  	_ =	shalt  }
0x4b: {  	_ =	shalt  }
0x4c: {  	_ =	shalt  }
0x4d: {  	_ =	shalt  }
0x4e: {  	_ =	shalt  }
0x4f: {  	_ =	shalt  }
0x50: {  	_ =	shalt  }
0x51: {  	_ =	shalt  }
0x52: {  	_ =	shalt  }
0x53: {  	_ =	shalt  }
0x54: {  	_ =	shalt  }
0x55: {  	_ =	shalt  }
0x56: {  	_ =	shalt  }
0x57: {  	_ =	shalt  }
0x58: {  	_ =	shalt  }
0x59: {  	_ =	shalt  }
0x5a: {  	_ =	shalt  }
0x5b: {  	_ =	shalt  }
0x5c: {  	_ =	shalt  }
0x5d: {  	_ =	shalt  }
0x5e: {  	_ =	shalt  }
0x5f: {  	_ =	shalt  }
0x60: {  	_ =	shalt  }
0x61: {  	_ =	shalt  }
0x62: {  	_ =	shalt  }
0x63: {  	_ =	shalt  }
0x64: {  	_ =	shalt  }
0x65: {  	_ =	shalt  }
0x66: {  	_ =	shalt  }
0x67: {  	_ =	shalt  }
0x68: {  	_ =	shalt  }
0x69: {  	_ =	shalt  }
0x6a: {  	_ =	shalt  }
0x6b: {  	_ =	shalt  }
0x6c: {  	_ =	shalt  }
0x6d: {  	_ =	shalt  }
0x6e: {  	_ =	shalt  }
0x6f: {  	_ =	shalt  }
0x70: {  	_ =	shalt  }
0x71: {  	_ =	shalt  }
0x72: {  	_ =	shalt  }
0x73: {  	_ =	shalt  }
0x74: {  	_ =	shalt  }
0x75: {  	_ =	shalt  }
0x76: {  	_ =	shalt  }
0x77: {  	_ =	shalt  }
0x78: {  	_ =	shalt  }
0x79: {  	_ =	shalt  }
0x7a: {  	_ =	shalt  }
0x7b: {  	_ =	shalt  }
0x7c: {  	_ =	shalt  }
0x7d: {  	_ =	shalt  }
0x7e: {  	_ =	shalt  }
0x7f: {  	_ =	shalt  }
0x80: {  	_ =	shalt  }
0x81: {  	_ =	shalt  }
0x82: {  	_ =	shalt  }
0x83: {  	_ =	shalt  }
0x84: {  	_ =	shalt  }
0x85: {  	_ =	shalt  }
0x86: {  	_ =	shalt  }
0x87: {  	_ =	shalt  }
.Lfunc_end0:
.L_simem_size_0:
called_computation.1_lowered:
.L_overlay_start_0:
0x88: {  	s2 =	sld [smem:$0x3FD9]  }
0x89: {  	s3 =	sld [smem:$0x3FFE];
	_ =	sdelay $0x1  }
0x8a: {  	s1 =	srdreg.scid  }
0x8b: {  	s0 =	sand.u32 $0x1, s1  }
0x8c: {  	s17 =	sshll.u32 s0, $0xA;
	s2 =	sadd.s32 s3, s2  }
0x8d: {  	s2 =	sadd.s32 s2, s17  }
0x8e: {  	[smem:$0x3FC2] =	sst s2  }
0x8f: {  	_ = 	snop  }
0x90: {  	s2 =	sld [smem:$0x3FD0];
	(tm) =	ssettm $0x1  }
0x91: {  	s18 =	sld [smem:$0x3FFB];
	_ =	sdelay $0x3  }
0x92: {  	_ =	strace s18  }
0x93: {  	s3 =	sld [smem:$0x3FFC];
	_ =	sdelay $0x3  }
0x94: {  	_ =	strace s3  }
0x95: {  	s3 =	sld [smem:$0x3FFD];
	_ =	sdelay $0x3  }
0x96: {  	_ =	strace s3  }
0x97: {  	_ =	strace $0x8FFFFFFF  }
0x98: {  	s19 =	sld [smem:$0x3FDB];
	_ =	sdelay $0x1  }
0x99: {  	s4 =	simm.s32 $_scs_section_size  }
0x9a: {  	s5 =	simm.s32 $_size__tile_overlayer_lowered;
	s6 =	simm.s32 $_tile_overlayer_lowered  }
0x9b: {  	s22 =	simm.s32 $0x1BFF;
	s21 =	sshll.u32 s6, $0x1;
	s3 =	sadd.s32 s4, s19  }
0x9c: {  	s7 =	simm.s32 $0x0;
	s20 =	sshll.u32 s5, $0x1;
	s5 =	sadd.s32 s21, s3  }
0x9d: {  	[timem:s7], [sflag:s22] =	dma.local [hbm:s5], s20  }
0x9e: {  	_ =	swait.ge [sflag:s22], s20  }
0x9f: {  	s4 =	ssub.s32 $0x0, s20;
	[sflag:s22] =	ssyncset.done $0x0  }
0xa0: {  	[sflag:s22] =	ssyncadd.s32 s4;
	_ =	sdelay $0x1  }
0xa1: {  	s23 =	simm.s32 $0x1B8B  }
0xa2: {  	_ =	swait.ge [sflag:s23], $0x1  }
0xa3: {  	[sflag:s23] =	ssyncset.done $0x0  }
0xa4: {  	s25 =	simm.s32 $0x1B8E;
	s24 =	sld [smem:$0x3FFE];
	[sflag:s23] =	ssyncadd.s32 $0xFFFFFFFF  }
0xa5: {  	s26 =	simm.s32 $execute0_lowered;
	[smem:$0x3FD2] =	sst s25  }
0xa6: {  	s5 =	sshll.u32 s26, $0x1;
	_ =	strace $0x80000046;
	[dreg:$0x1] =	wrdreg $0xFFFFFFFF  }
0xa7: {  	s28 =	simm.s32 $_size_execute0_lowered;
	s3 =	sadd.s32 s3, s5;
	[dreg:$0x0] =	wrdreg $0x0  }
0xa8: {  	s5 =	sshll.u32 s28, $0x1;
	[dreg:$0x2] =	wrdreg s3  }
0xa9: {  	[dreg:$0x3] =	wrdreg s5  }
0xaa: {  	[dreg:$0x4] =	wrdreg $0xC0  }
0xab: {  	_ =	task [dreg:s7], $0x5FFFF  }
0xac: {  	[dreg:$0x1] =	wrdreg $0xFFFFFFFF  }
0xad: {  	[dreg:$0x0] =	wrdreg $0x60  }
0xae: {  	[dreg:$0x2] =	wrdreg s24  }
0xaf: {  	[dreg:$0x3] =	wrdreg s2  }
0xb0: {  	[dreg:$0x4] =	wrdreg $0x9  }
0xb1: {  	_ =	task.clear_ibuf [dreg:s7], $0x5FFFF;
	_ =	strace $0x90000046  }
0xb2: {  	s29 =	simm.s32 $0x9;
	_ =	strace $0x80000048  }
0xb3: {  	_ =	swait.ge [sflag:s29], $0x1  }
0xb4: {  	[sflag:s29] =	ssyncadd.s32 $0xFFFFFFFF  }
0xb5: {  	_ =	strace $0x90000048  }
0xb6: {  	_ =	sfence  }
0xb7: {  	s30 =	sld [smem:$0x0];
	_ =	sdelay $0x2  }
0xb8: {  	s31 =	sshll.u32 s1, $0xD;
	s1 =	sshrl.u32 s1, $0x2  }
0xb9: {  	s3 =	sand.u32 $0x4000, s31;
	s1 =	sadd.s32 s1, s30  }
0xba: {  	s0 =	sor.u32 s3, s0;
	s1 =	sshll.u32 s1, $0x11  }
0xbb: {  	s0 =	sor.u32 s1, s0  }
0xbc: {  	s0 =	sadd.s32 $0x8F2B, s0  }
0xbd: {  	[sflag:s0] =	ssyncadd.remote.s32 $0x1  }
0xbe: {  	_ =	sfence.sel $0xFFFF  }
0xbf: {  	[dreg:$0x0] =	wrdreg $0xFFFFFFFF;
	(pc) =	sbr.abs _section_cstart, $3  }
0xc0: {  	[dreg:$0x1] =	wrdreg $0xFFFFFFFF  }
0xc1: {  	_ =	task.clear_ibuf [dreg:s7], $0x2FFFF;
	_ =	strace $0x9FFFFFFF  }
0xc2: {  	(tm) =	ssettm $0x7FFFFFFF  }
0xc3: {  	_ =	shalt  }
tec
execute0_lowered:
.L_overlay_start_1:
0x0: {  	(tag) =	ssettag $0x1  }
0x1: {  	s0 =	rddreg [dreg:$0x0]  }
0x2: {  	s2 =	rddreg [dreg:$0x1]  }
0x3: {  	s1 =	srdreg.scid;
	s4 =	simm.s32 $0x0;
	s3 =	stileid.u32  }
0x4: {  	s18 =	simm.s32 $0x400;
	s20 =	simm.s32 $0x1;
	s28 =	simm.s32 $0x80  }
0x5: {  	s29 =	simm.s32 $0x10;
	s30 =	simm.s32 $0x90;
	s31 =	simm.s32 $0x3  }
0x6: {  	s1 =	sand.u32 $0x1, s1;
	[smem:$0x7FF] =	sst s4;
	s24 =	sshll.u32 s3, $0x5  }
0x7: {  	s6 =	sadd.s32 $0x49200, s0;
	s9 =	sadd.s32 $0x2, s2;
	s10 =	sadd.s32 $0x4, s2  }
0x8: {  	s11 =	sadd.s32 $0x6, s2;
	s12 =	sadd.s32 $0x8, s2;
	s13 =	sadd.s32 $0xA, s2  }
0x9: {  	s14 =	sadd.s32 $0xC, s2;
	s15 =	sadd.s32 $0xE, s2;
	s5 =	sshll.u32 s1, $0x4  }
.Ltmp0:
0xa: {  	s1 =	ssub.s32 $0x2, s1;
	s4 =	sor.u32 s5, s24;
	(pc) =	sbr.rel .LBB2_1-.Ltmp0, $4  }
0xb: {  	s5 =	sadd.s32 $0x1200, s0;
	s7 =	sshrl.u32 s1, $0x1;
	s8 =	sshll.u32 s4, $0x6  }
0xc: {  	s16 =	sadd.s32 $0x10, s2;
	s25 =	ssub.s32 s1, s7;
	s7 =	sadd.s32 s5, s8  }
0xd: {  	_ =	strace $0x80000047;
	s0 =	simm.s32 $0x0;
	s26 =	sadd.s32 $0x80, s7  }
0xe: {  	s17 =	smax.u32 s25, $0x1;
	[dreg:$0x3] =	wrdreg s26;
	s26 =	simm.s32 $0x2  }
.LBB2_5:
0xf: {  	_ =	swait.ge [sflag:s31], $0x800  }
0x10: {  	[sflag:s31] =	ssyncset.done $0x0  }
0x11: {  	[sflag:s31] =	ssyncadd.s32 $0xFFFFF800  }
0x12: {  	_ =	swait.ge [sflag:s31], $0x800  }
0x13: {  	[sflag:s31] =	ssyncset.done $0x0  }
0x14: {  	[sflag:s31] =	ssyncadd.s32 $0xFFFFF800  }
0x15: {  	_ =	swait.ge [sflag:s31], $0x800  }
0x16: {  	[sflag:s31] =	ssyncset.done $0x0  }
0x17: {  	[sflag:s31] =	ssyncadd.s32 $0xFFFFF800  }
0x18: {  	_ =	swait.ge [sflag:s31], $0x800  }
0x19: {  	[sflag:s31] =	ssyncset.done $0x0  }
0x1a: {  	[sflag:s31] =	ssyncadd.s32 $0xFFFFF800  }
0x1b: {  	_ =	swait.ge [sflag:s31], $0x800  }
0x1c: {  	[sflag:s31] =	ssyncset.done $0x0  }
0x1d: {  	[sflag:s31] =	ssyncadd.s32 $0xFFFFF800  }
0x1e: {  	_ =	swait.ge [sflag:s31], $0x800  }
0x1f: {  	[sflag:s31] =	ssyncset.done $0x0  }
0x20: {  	[sflag:s31] =	ssyncadd.s32 $0xFFFFF800  }
0x21: {  	_ =	swait.ge [sflag:s31], $0x800  }
0x22: {  	[sflag:s31] =	ssyncset.done $0x0  }
0x23: {  	s0 =	sadd.s32 $0x1, s0;
	[sflag:s31] =	ssyncadd.s32 $0xFFFFF800  }
0x24: {  	p0 =	sne.s32 s0, s17;
	_ =	swait.ge [sflag:s31], $0x800  }
.Ltmp1:
0x25: {  	[sflag:s31] =	ssyncset.done $0x0;
	(pc) =	sbr.rel @!p0 .LBB2_6-.Ltmp1, $4  }
0x26: {  	[sflag:s31] =	ssyncadd.s32 $0xFFFFF800  }
0x27: {  	_ =	swait.ge [sflag:s31], $0x800  }
0x28: {  	[sflag:s31] =	ssyncset.done $0x0  }
0x29: {  	[sflag:s31] =	ssyncadd.s32 $0xFFFFF800  }
.LBB2_1:
0x2a: {  	s1 =	simm.s32 $0x0;
	s8 =	simm.s32 $0x40000  }
0x2b: {  	[tilespmem:s1], [sflag:$0x1] =	stream.strided.gather [hbm4b:s7+s18], $0x2400, s8, s18, $0x38;
	[tilespmem:$0xD800] =	vst v63  }
0x2c: {  	_ =	swait.ge [sflag:s20], $0x2400  }
0x2d: {  	[sflag:s20] =	ssyncset.done $0x0  }
0x2e: {  	s19 =	simm.s32 $0x2400;
	s3 =	rddreg [dreg:$0x3];
	[sflag:s20] =	ssyncadd.s32 $0xFFFFDC00  }
0x2f: {  	[tilespmem:s19], [sflag:$0x1] =	stream.strided.gather [hbm4b:s3+s18], $0x2400, s8, s18, $0x38;
	[tilespmem:$0xD800] =	vst v63  }
0x30: {  	s25 =	simm.s32 $0x4800  }
0x31: {  	[tilespmem:s25], [sflag:$0x2] =	stream.indirect.gather [hbm4b:s6+s28], $0x10, s1, s28, $0xb8;
	[tilespmem:$0xD800] =	vst v63  }
0x32: {  	s8 =	simm.s32 $0x5000  }
0x33: {  	[tilespmem:s8], [sflag:$0x2] =	stream.indirect.gather [hbm4b:s6+s28], $0x10, s18, s28, $0xb8;
	[tilespmem:$0xD800] =	vst v63  }
0x34: {  	s21 =	simm.s32 $0x5800;
	s19 =	simm.s32 $0x800  }
0x35: {  	[tilespmem:s21], [sflag:$0x2] =	stream.indirect.gather [hbm4b:s6+s28], $0x10, s19, s28, $0xb8;
	[tilespmem:$0xD800] =	vst v63  }
0x36: {  	s22 =	simm.s32 $0xC00;
	s23 =	simm.s32 $0x6000  }
0x37: {  	[tilespmem:s23], [sflag:$0x2] =	stream.indirect.gather [hbm4b:s6+s28], $0x10, s22, s28, $0xb8;
	[tilespmem:$0xD800] =	vst v63  }
0x38: {  	s24 =	simm.s32 $0x1000;
	s25 =	simm.s32 $0x6800  }
0x39: {  	[tilespmem:s25], [sflag:$0x2] =	stream.indirect.gather [hbm4b:s6+s28], $0x10, s24, s28, $0xb8;
	[tilespmem:$0xD800] =	vst v63  }
0x3a: {  	s3 =	simm.s32 $0x1400;
	s8 =	simm.s32 $0x7000  }
0x3b: {  	[tilespmem:s8], [sflag:$0x2] =	stream.indirect.gather [hbm4b:s6+s28], $0x10, s3, s28, $0xb8;
	[tilespmem:$0xD800] =	vst v63  }
0x3c: {  	s19 =	simm.s32 $0x1800;
	s21 =	simm.s32 $0x7800  }
0x3d: {  	[tilespmem:s21], [sflag:$0x2] =	stream.indirect.gather [hbm4b:s6+s28], $0x10, s19, s28, $0xb8;
	[tilespmem:$0xD800] =	vst v63  }
.Ltmp2:
0x3e: {  	_ = 	snop;
	(pc) =	sbr.rel .LBB2_2-.Ltmp2, $4  }
0x3f: {  	s1 =	simm.s32 $0x9;
	s22 =	simm.s32 $0x1C00;
	s23 =	simm.s32 $0x8000  }
0x40: {  	[tilespmem:s23], [sflag:$0x2] =	stream.indirect.gather [hbm4b:s6+s28], $0x10, s22, s28, $0xb8;
	[tilespmem:$0xD800] =	vst v63  }
0x41: {  	s24 =	simm.s32 $0x2000;
	s25 =	simm.s32 $0x8800;
	s21 =	simm.s32 $0x80  }
0x42: {  	[tilespmem:s25], [sflag:$0x2] =	stream.indirect.gather [hbm4b:s6+s28], $0x10, s24, s28, $0xb8;
	[tilespmem:$0xD800] =	vst v63  }
.LBB2_4:
0x43: {  	s3 =	sshrl.u32 s22, $0x2  }
0x44: {  	s8 =	sadd.s32 $0xFFFFFF80, s21;
	s3 =	sadd.s32 s4, s3  }
0x45: {  	s8 =	sand.u32 $0x180, s8;
	s3 =	smul.u32 $0x12000, s3  }
0x46: {  	s8 =	smul.u32 $0x90, s8  }
0x47: {  	s19 =	sand.u32 $0x1, s22  }
0x48: {  	p0 =	seq.s32 s19, $0x1;
	s19 =	simm.s32 $0x4800;
	s3 =	sadd.s32 s8, s3  }
0x49: {  	s19 =	simm.s32 @!p0 $0x0;
	s3 =	sshrl.u32 s3, $0x3  }
0x4a: {  	s24 =	sadd.s32 $0x4800, s19;
	s25 =	sadd.s32 s2, s3  }
0x4b: {  	[hbm4b:s25+s29] =	stream.strided.scatter [tilespmem:s24], [sflag:$0x3], $0x800, s30, s29, $0x38;
	[tilespmem:$0xD800] =	vst v63  }
0x4c: {  	s22 =	sadd.s32 $0x5000, s19;
	s23 =	sadd.s32 s3, s9  }
0x4d: {  	[hbm4b:s23+s29] =	stream.strided.scatter [tilespmem:s22], [sflag:$0x3], $0x800, s30, s29, $0x38;
	[tilespmem:$0xD800] =	vst v63  }
0x4e: {  	s24 =	sadd.s32 $0x5800, s19;
	s25 =	sadd.s32 s3, s10  }
0x4f: {  	[hbm4b:s25+s29] =	stream.strided.scatter [tilespmem:s24], [sflag:$0x3], $0x800, s30, s29, $0x38;
	[tilespmem:$0xD800] =	vst v63  }
0x50: {  	s22 =	sadd.s32 $0x6000, s19;
	s23 =	sadd.s32 s3, s11  }
0x51: {  	[hbm4b:s23+s29] =	stream.strided.scatter [tilespmem:s22], [sflag:$0x3], $0x800, s30, s29, $0x38;
	[tilespmem:$0xD800] =	vst v63  }
0x52: {  	s24 =	sadd.s32 $0x6800, s19;
	s25 =	sadd.s32 s3, s12  }
0x53: {  	[hbm4b:s25+s29] =	stream.strided.scatter [tilespmem:s24], [sflag:$0x3], $0x800, s30, s29, $0x38;
	[tilespmem:$0xD800] =	vst v63  }
0x54: {  	s1 =	sadd.s32 $0x1, s1;
	s22 =	sadd.s32 $0x7000, s19;
	s23 =	sadd.s32 s3, s13  }
0x55: {  	[hbm4b:s23+s29] =	stream.strided.scatter [tilespmem:s22], [sflag:$0x3], $0x800, s30, s29, $0x38;
	[tilespmem:$0xD800] =	vst v63  }
0x56: {  	p0 =	sne.s32 s1, $0x49;
	s24 =	sadd.s32 $0x7800, s19;
	s25 =	sadd.s32 s3, s14  }
0x57: {  	[hbm4b:s25+s29] =	stream.strided.scatter [tilespmem:s24], [sflag:$0x3], $0x800, s30, s29, $0x38;
	[tilespmem:$0xD800] =	vst v63  }
.Ltmp3:
0x58: {  	_ = 	snop;
	(pc) =	sbr.rel @!p0 .LBB2_5-.Ltmp3, $4  }
0x59: {  	s23 =	sor.u32 $0x8000, s19;
	s24 =	sadd.s32 s3, s15  }
0x5a: {  	[hbm4b:s24+s29] =	stream.strided.scatter [tilespmem:s23], [sflag:$0x3], $0x800, s30, s29, $0x38;
	[tilespmem:$0xD800] =	vst v63  }
0x5b: {  	s21 =	sadd.s32 $0x80, s21;
	s25 =	sadd.s32 $0x8800, s19;
	s3 =	sadd.s32 s3, s16  }
0x5c: {  	[hbm4b:s3+s29] =	stream.strided.scatter [tilespmem:s25], [sflag:$0x3], $0x800, s30, s29, $0x38;
	[tilespmem:$0xD800] =	vst v63  }
.LBB2_2:
0x5d: {  	s23 =	sadd.s32 $0xFFFFFFF8, s1  }
0x5e: {  	p0 =	seq.s32 s1, $0x48;
	s24 =	sand.u32 $0x7, s23  }
0x5f: {  	p1 =	sne.s32 @!p0 s24, $0x0  }
0x60: {  	p0 =	por p1, p0  }
0x61: {  	s22 =	simm.s32 @!p0 $0x1  }
0x62: {  	_ =	swait.ge @!p0 [sflag:s22], $0x2400  }
0x63: {  	[sflag:s22] =	ssyncset.done @!p0 $0x0  }
0x64: {  	[sflag:s22] =	ssyncadd.s32 @!p0 $0xFFFFDC00  }
0x65: {  	_ =	swait.ge [sflag:s26], $0x800  }
0x66: {  	[sflag:s26] =	ssyncset.done $0x0  }
0x67: {  	[sflag:s26] =	ssyncadd.s32 $0xFFFFF800  }
0x68: {  	_ =	swait.ge [sflag:s26], $0x800  }
0x69: {  	[sflag:s26] =	ssyncset.done $0x0  }
0x6a: {  	[sflag:s26] =	ssyncadd.s32 $0xFFFFF800  }
0x6b: {  	_ =	swait.ge [sflag:s26], $0x800  }
0x6c: {  	[sflag:s26] =	ssyncset.done $0x0  }
0x6d: {  	[sflag:s26] =	ssyncadd.s32 $0xFFFFF800  }
0x6e: {  	_ =	swait.ge [sflag:s26], $0x800  }
0x6f: {  	[sflag:s26] =	ssyncset.done $0x0  }
0x70: {  	[sflag:s26] =	ssyncadd.s32 $0xFFFFF800  }
0x71: {  	_ =	swait.ge [sflag:s26], $0x800  }
0x72: {  	[sflag:s26] =	ssyncset.done $0x0  }
0x73: {  	[sflag:s26] =	ssyncadd.s32 $0xFFFFF800  }
0x74: {  	_ =	swait.ge [sflag:s26], $0x800  }
0x75: {  	[sflag:s26] =	ssyncset.done $0x0  }
0x76: {  	[sflag:s26] =	ssyncadd.s32 $0xFFFFF800  }
0x77: {  	s22 =	sadd.s32 $0xFFFFFFF7, s1;
	_ =	swait.ge [sflag:s26], $0x800  }
0x78: {  	p0 =	sgt.u32 s22, $0x36;
	[sflag:s26] =	ssyncset.done $0x0  }
0x79: {  	p1 =	sne.s32 @!p0 s24, $0x0;
	[sflag:s26] =	ssyncadd.s32 $0xFFFFF800  }
0x7a: {  	s24 =	sshrl.u32 s23, $0x3;
	p0 =	por p1, p0;
	_ =	swait.ge [sflag:s26], $0x800  }
0x7b: {  	s25 =	sxor.u32 @!p0 $0xFFFFFFFF, s24;
	s3 =	sshrl.u32 @!p0 s1, $0x2;
	[sflag:s26] =	ssyncset.done $0x0  }
0x7c: {  	s8 =	simm.s32 @!p0 $0x400;
	s25 =	sand.u32 @!p0 $0x1, s25;
	[sflag:s26] =	ssyncadd.s32 $0xFFFFF800  }
0x7d: {  	s3 =	sadd.s32 @!p0 s4, s3;
	s25 =	smul.u32 @!p0 $0x9000, s25;
	_ =	swait.ge [sflag:s26], $0x800  }
0x7e: {  	s19 =	simm.s32 @!p0 $0x40000;
	s3 =	sshll.u32 @!p0 s3, $0x6;
	[sflag:s26] =	ssyncset.done $0x0  }
0x7f: {  	s3 =	sadd.s32 @!p0 s5, s3;
	s25 =	sshrl.u32 @!p0 s25, $0x2;
	[sflag:s26] =	ssyncadd.s32 $0xFFFFF800  }
0x80: {  	[tilespmem:s25], [sflag:$0x1] =	stream.strided.gather @!p0 [hbm4b:s3+s8], $0x2400, s19, s8, $0x38;
	[tilespmem:$0xD800] =	vst v63  }
0x81: {  	p0 =	seq.s32 s1, $0x9  }
0x82: {  	s3 =	simm.s32 @!p0 $0x3  }
0x83: {  	_ =	swait.ge @!p0 [sflag:s3], $0x800  }
0x84: {  	[sflag:s3] =	ssyncset.done @!p0 $0x0  }
0x85: {  	[sflag:s3] =	ssyncadd.s32 @!p0 $0xFFFFF800  }
0x86: {  	_ =	swait.ge @!p0 [sflag:s3], $0x800  }
0x87: {  	[sflag:s3] =	ssyncset.done @!p0 $0x0  }
0x88: {  	[sflag:s3] =	ssyncadd.s32 @!p0 $0xFFFFF800  }
0x89: {  	_ =	swait.ge @!p0 [sflag:s3], $0x800  }
0x8a: {  	[sflag:s3] =	ssyncset.done @!p0 $0x0  }
0x8b: {  	[sflag:s3] =	ssyncadd.s32 @!p0 $0xFFFFF800  }
0x8c: {  	_ =	swait.ge @!p0 [sflag:s3], $0x800  }
0x8d: {  	[sflag:s3] =	ssyncset.done @!p0 $0x0  }
0x8e: {  	[sflag:s3] =	ssyncadd.s32 @!p0 $0xFFFFF800  }
0x8f: {  	_ =	swait.ge @!p0 [sflag:s3], $0x800  }
0x90: {  	[sflag:s3] =	ssyncset.done @!p0 $0x0  }
0x91: {  	[sflag:s3] =	ssyncadd.s32 @!p0 $0xFFFFF800  }
0x92: {  	_ =	swait.ge @!p0 [sflag:s3], $0x800  }
0x93: {  	[sflag:s3] =	ssyncset.done @!p0 $0x0  }
0x94: {  	[sflag:s3] =	ssyncadd.s32 @!p0 $0xFFFFF800  }
0x95: {  	_ =	swait.ge @!p0 [sflag:s3], $0x800  }
0x96: {  	[sflag:s3] =	ssyncset.done @!p0 $0x0  }
0x97: {  	p1 =	seq.s32 @!p0 s1, $0x48;
	[sflag:s3] =	ssyncadd.s32 @!p0 $0xFFFFF800  }
0x98: {  	p1 =	por p0, !p1;
	_ =	swait.ge @!p0 [sflag:s3], $0x800  }
.Ltmp4:
0x99: {  	[sflag:s3] =	ssyncset.done @!p0 $0x0;
	(pc) =	sbr.rel @!p1 .LBB2_4-.Ltmp4, $4  }
0x9a: {  	[sflag:s3] =	ssyncadd.s32 @!p0 $0xFFFFF800  }
0x9b: {  	_ =	swait.ge @!p0 [sflag:s3], $0x800  }
0x9c: {  	[sflag:s3] =	ssyncset.done @!p0 $0x0  }
0x9d: {  	[sflag:s3] =	ssyncadd.s32 @!p0 $0xFFFFF800  }
0x9e: {  	s3 =	sand.u32 $0x1, s23;
	s24 =	sand.u32 $0x1, s24;
	s8 =	simm.s32 $0x4800  }
0x9f: {  	p0 =	seq.s32 s3, $0x1;
	p1 =	seq.s32 s24, $0x1;
	s3 =	simm.s32 $0x2400  }
0xa0: {  	s19 =	sand.u32 $0x380, s21;
	s8 =	simm.s32 @!p0 $0x0;
	s3 =	simm.s32 @!p1 $0x0  }
0xa1: {  	s25 =	sadd.s32 $0x4800, s8;
	s3 =	sor.u32 s19, s3  }
0xa2: {  	[tilespmem:s25], [sflag:$0x2] =	stream.indirect.gather [hbm4b:s6+s28], $0x10, s3, s28, $0xb8;
	[tilespmem:$0xD800] =	vst v63  }
0xa3: {  	s24 =	sadd.s32 $0x5000, s8;
	s25 =	sadd.s32 $0x400, s3  }
0xa4: {  	[tilespmem:s24], [sflag:$0x2] =	stream.indirect.gather [hbm4b:s6+s28], $0x10, s25, s28, $0xb8;
	[tilespmem:$0xD800] =	vst v63  }
0xa5: {  	s24 =	sadd.s32 $0x5800, s8;
	s25 =	sor.u32 $0x800, s3  }
0xa6: {  	[tilespmem:s24], [sflag:$0x2] =	stream.indirect.gather [hbm4b:s6+s28], $0x10, s25, s28, $0xb8;
	[tilespmem:$0xD800] =	vst v63  }
0xa7: {  	s24 =	sadd.s32 $0x6000, s8;
	s25 =	sadd.s32 $0xC00, s3  }
0xa8: {  	[tilespmem:s24], [sflag:$0x2] =	stream.indirect.gather [hbm4b:s6+s28], $0x10, s25, s28, $0xb8;
	[tilespmem:$0xD800] =	vst v63  }
0xa9: {  	s24 =	sadd.s32 $0x6800, s8;
	s25 =	sor.u32 $0x1000, s3  }
0xaa: {  	[tilespmem:s24], [sflag:$0x2] =	stream.indirect.gather [hbm4b:s6+s28], $0x10, s25, s28, $0xb8;
	[tilespmem:$0xD800] =	vst v63  }
0xab: {  	s24 =	sadd.s32 $0x7000, s8;
	s25 =	sadd.s32 $0x1400, s3  }
0xac: {  	[tilespmem:s24], [sflag:$0x2] =	stream.indirect.gather [hbm4b:s6+s28], $0x10, s25, s28, $0xb8;
	[tilespmem:$0xD800] =	vst v63  }
0xad: {  	s24 =	sadd.s32 $0x7800, s8;
	s25 =	sor.u32 $0x1800, s3  }
0xae: {  	[tilespmem:s24], [sflag:$0x2] =	stream.indirect.gather [hbm4b:s6+s28], $0x10, s25, s28, $0xb8;
	[tilespmem:$0xD800] =	vst v63  }
.Ltmp5:
0xaf: {  	_ = 	snop;
	(pc) =	sbr.rel .LBB2_4-.Ltmp5, $4  }
0xb0: {  	s24 =	sor.u32 $0x8000, s8;
	s25 =	sadd.s32 $0x1C00, s3  }
0xb1: {  	[tilespmem:s24], [sflag:$0x2] =	stream.indirect.gather [hbm4b:s6+s28], $0x10, s25, s28, $0xb8;
	[tilespmem:$0xD800] =	vst v63  }
0xb2: {  	s8 =	sadd.s32 $0x8800, s8;
	s3 =	sadd.s32 $0x2000, s3  }
0xb3: {  	[tilespmem:s8], [sflag:$0x2] =	stream.indirect.gather [hbm4b:s6+s28], $0x10, s3, s28, $0xb8;
	[tilespmem:$0xD800] =	vst v63  }
.LBB2_6:
0xb4: {  	_ =	sfence.sel $0x180000  }
0xb5: {  	[bflag:$0x0] =	sbarrier.arrive $0xFFFF  }
0xb6: {  	_ =	strace $0x90000047  }
0xb7: {  	s0 =	stileid.u32;
	[bflag:$0x2] =	sbarrier.arrive $0xFFFF  }
0xb8: {  	p0 =	sne.s32 s0, $0x0;
	s0 =	rddreg [dreg:$0x2]  }
0xb9: {  	s0 =	sadd.s32 @!p0 $0x100000, s0  }
0xba: {  	[sflag:s0] =	ssyncadd.tile.s32 @!p0 $0x1;
	_ =	shalt  }
.Lfunc_end2:
_tile_overlayer_lowered:
.L_overlay_start_2:
0xbb: {  	(tag) =	ssettag $0x2  }
0xbc: {  	s0 =	rddreg [dreg:$0x0];
	s2 =	stileid.u32  }
0xbd: {  	s1 =	rddreg [dreg:$0x1];
	p0 =	sne.s32 s2, $0x0  }
0xbe: {  	s3 =	rddreg [dreg:$0x2];
	[bflag:$0x3] =	sbarrier.arrive $0xFFFF;
	s2 =	simm.s32 @!p0 $0x1C04  }
0xbf: {  	[timem:s3], [sflag:s2] =	dma.local @!p0 [hbm:s0], s1  }
0xc0: {  	s0 =	simm.s32 @!p0 $0x4  }
0xc1: {  	_ =	swait.ge @!p0 [sflag:s0], s1  }
0xc2: {  	s1 =	ssub.s32 @!p0 $0x0, s1;
	[sflag:s0] =	ssyncset.done @!p0 $0x0  }
0xc3: {  	[sflag:s0] =	ssyncadd.s32 @!p0 s1  }
0xc4: {  	[bflag:$0x3] =	sbarrier.arrive $0xFFFF  }
0xc5: {  	_ =	shalt  }

// kernel: sparse-core-data-format-call.cloned.1.call-start
scs
called_computation_lowered:
.L_overlay_start_0:
0x0: {  	s2 =	sld [smem:$0x3FD9]  }
0x1: {  	s3 =	sld [smem:$0x3FFE];
	_ =	sdelay $0x1  }
0x2: {  	s1 =	srdreg.scid  }
0x3: {  	s0 =	sand.u32 $0x1, s1  }
0x4: {  	s18 =	sshll.u32 s0, $0xA;
	s2 =	sadd.s32 s3, s2  }
0x5: {  	s2 =	sadd.s32 s2, s18  }
0x6: {  	[smem:$0x3FC2] =	sst s2  }
0x7: {  	_ = 	snop  }
0x8: {  	s2 =	sld [smem:$0x3FD0];
	(tm) =	ssettm $0x1  }
0x9: {  	s19 =	sld [smem:$0x3FFB];
	_ =	sdelay $0x3  }
0xa: {  	_ =	strace s19  }
0xb: {  	s3 =	sld [smem:$0x3FFC];
	_ =	sdelay $0x3  }
0xc: {  	_ =	strace s3  }
0xd: {  	s3 =	sld [smem:$0x3FFD];
	_ =	sdelay $0x3  }
0xe: {  	_ =	strace s3  }
0xf: {  	_ =	strace $0x8FFFFFFF  }
0x10: {  	s20 =	sld [smem:$0x3FDB];
	_ =	sdelay $0x1  }
0x11: {  	s4 =	simm.s32 $_scs_section_size  }
0x12: {  	s5 =	simm.s32 $_size__tile_overlayer_lowered;
	s6 =	simm.s32 $_tile_overlayer_lowered  }
0x13: {  	s23 =	simm.s32 $0x1BFF;
	s22 =	sshll.u32 s6, $0x1;
	s3 =	sadd.s32 s4, s20  }
0x14: {  	s7 =	simm.s32 $0x0;
	s21 =	sshll.u32 s5, $0x1;
	s5 =	sadd.s32 s22, s3  }
0x15: {  	[timem:s7], [sflag:s23] =	dma.local [hbm:s5], s21  }
0x16: {  	_ =	swait.ge [sflag:s23], s21  }
0x17: {  	s4 =	ssub.s32 $0x0, s21;
	[sflag:s23] =	ssyncset.done $0x0  }
0x18: {  	[sflag:s23] =	ssyncadd.s32 s4;
	_ =	sdelay $0x1  }
0x19: {  	s24 =	simm.s32 $0x1B8B  }
0x1a: {  	_ =	swait.ge [sflag:s24], $0x1  }
0x1b: {  	[sflag:s24] =	ssyncset.done $0x0  }
0x1c: {  	s26 =	simm.s32 $0x1B8E;
	s25 =	sld [smem:$0x3FFE];
	[sflag:s24] =	ssyncadd.s32 $0xFFFFFFFF  }
0x1d: {  	s27 =	simm.s32 $execute0_lowered;
	[smem:$0x3FD2] =	sst s26  }
0x1e: {  	s5 =	sshll.u32 s27, $0x1;
	_ =	strace $0x80000049;
	[dreg:$0x1] =	wrdreg $0xFFFFFFFF  }
0x1f: {  	s28 =	simm.s32 $_size_execute0_lowered;
	s3 =	sadd.s32 s3, s5;
	[dreg:$0x0] =	wrdreg $0x0  }
0x20: {  	s5 =	sshll.u32 s28, $0x1;
	[dreg:$0x2] =	wrdreg s3  }
0x21: {  	[dreg:$0x3] =	wrdreg s5  }
0x22: {  	[dreg:$0x4] =	wrdreg $0xC0  }
0x23: {  	_ =	task [dreg:s7], $0x5FFFF  }
0x24: {  	[dreg:$0x1] =	wrdreg $0xFFFFFFFF  }
0x25: {  	[dreg:$0x0] =	wrdreg $0x60  }
0x26: {  	[dreg:$0x2] =	wrdreg s25  }
0x27: {  	[dreg:$0x3] =	wrdreg s2  }
0x28: {  	[dreg:$0x4] =	wrdreg $0x9  }
0x29: {  	_ =	task.clear_ibuf [dreg:s7], $0x5FFFF;
	_ =	strace $0x90000049  }
0x2a: {  	s29 =	simm.s32 $0x9;
	_ =	strace $0x8000004B  }
0x2b: {  	_ =	swait.ge [sflag:s29], $0x1  }
0x2c: {  	[sflag:s29] =	ssyncadd.s32 $0xFFFFFFFF  }
0x2d: {  	_ =	strace $0x9000004B  }
0x2e: {  	_ =	sfence  }
0x2f: {  	s30 =	sld [smem:$0x0];
	_ =	sdelay $0x2  }
0x30: {  	s31 =	sshll.u32 s1, $0xD;
	s1 =	sshrl.u32 s1, $0x2  }
0x31: {  	s3 =	sand.u32 $0x4000, s31;
	s1 =	sadd.s32 s1, s30  }
0x32: {  	s0 =	sor.u32 s3, s0;
	s1 =	sshll.u32 s1, $0x11  }
0x33: {  	s0 =	sor.u32 s1, s0  }
0x34: {  	s0 =	sadd.s32 $0x8F2B, s0  }
0x35: {  	[sflag:s0] =	ssyncadd.remote.s32 $0x1  }
0x36: {  	_ =	sfence.sel $0xFFFF  }
0x37: {  	[dreg:$0x0] =	wrdreg $0xFFFFFFFF;
	(pc) =	sbr.abs _section_cstart, $3  }
0x38: {  	[dreg:$0x1] =	wrdreg $0xFFFFFFFF  }
0x39: {  	_ =	task.clear_ibuf [dreg:s7], $0x2FFFF;
	_ =	strace $0x9FFFFFFF  }
0x3a: {  	(tm) =	ssettm $0x7FFFFFFF  }
0x3b: {  	_ =	shalt  }
tec
execute0_lowered:
.L_overlay_start_1:
0x0: {  	(tag) =	ssettag $0x1  }
0x1: {  	s1 =	rddreg [dreg:$0x0]  }
0x2: {  	s2 =	rddreg [dreg:$0x1]  }
0x3: {  	s0 =	rddreg [dreg:$0x2]  }
0x4: {  	s4 =	srdreg.scid;
	_ =	strace $0x8000004A;
	s6 =	simm.s32 $0x2  }
0x5: {  	s14 =	simm.s32 $0x0;
	p0 =	por $0x0, $0x0;
	s15 =	simm.s32 $0x0  }
0x6: {  	s16 =	simm.s32 $0x0;
	s7 =	simm.s32 $0x0;
	s9 =	simm.s32 $0x0  }
.Ltmp0:
0x7: {  	s10 =	simm.s32 $0x0;
	s11 =	simm.s32 $0x0;
	(pc) =	sbr.rel .LBB1_1-.Ltmp0, $4  }
0x8: {  	s12 =	simm.s32 $0x0;
	s3 =	sadd.s32 $0x1200, s1;
	s4 =	sshll.u32 s4, $0x4  }
0x9: {  	s1 =	stileid.u32;
	s5 =	sand.u32 $0x10, s4;
	s4 =	simm.s32 $0x1  }
0xa: {  	s8 =	simm.s32 $0x0;
	s5 =	sor.u32 s1, s5;
	[sflag:s4] =	ssyncpa.u1 $0x0  }
0xb: {  	[sflag:s6] =	ssyncpa.u1 $0x0;
	s6 =	simm.s32 $0x1000;
	s13 =	smov.u32 s5  }
.LBB1_5:
0xc: {  	p1 =	slt.u32 s8, $0x2  }
0xd: {  	p2 =	sgt.s32 @!p1 s16, $0x1FF  }
0xe: {  	s17 =	smov.u32 s16;
	s18 =	sshra.s32 @!p1 s16, $0x1F;
	p2 =	por !p2, p1  }
0xf: {  	s16 =	sand.u32 @!p1 s18, s16;
	s17 =	simm.s32 @p2 $0x1FF  }
0x10: {  	p3 =	sgt.s32 @!p1 s15, $0x180;
	s16 =	ssub.s32 @!p1 s17, s16  }
0x11: {  	p3 =	por !p3, p1;
	s18 =	sshra.s32 @!p1 s15, $0x1F;
	s17 =	sadd.s32 @!p1 $0xFFFFFE01, s16  }
0x12: {  	s16 =	ssub.s32 @!p1 $0x200, s16;
	p2 =	sgt.s32 @!p1 s17, $0x0;
	s17 =	smov.u32 s15  }
0x13: {  	s15 =	sand.u32 @!p1 s18, s15;
	s17 =	simm.s32 @p3 $0x180;
	p3 =	sgt.s32 @!p1 s14, $0x10  }
0x14: {  	s18 =	smov.u32 s14;
	p2 =	por !p2, p1;
	p3 =	por !p3, p1  }
0x15: {  	s15 =	ssub.s32 @!p1 s17, s15;
	s17 =	sshra.s32 @!p1 s14, $0x1F;
	s16 =	simm.s32 @!p2 $0x0  }
0x16: {  	s18 =	simm.s32 @p3 $0x10;
	s14 =	sand.u32 @!p1 s17, s14;
	s17 =	sadd.s32 @!p1 $0xFFFFFE80, s15  }
0x17: {  	s15 =	ssub.s32 @!p1 $0x200, s15;
	s14 =	ssub.s32 @!p1 s18, s14;
	p2 =	sgt.s32 @!p1 s17, $0x7F  }
0x18: {  	s18 =	smov.u32 s12;
	s17 =	sadd.s32 @!p1 $0xFFFFFFF0, s14;
	p2 =	por !p2, p1  }
0x19: {  	s14 =	ssub.s32 @!p1 $0x90, s14;
	p3 =	sgt.s32 @!p1 s17, $0x7F;
	s15 =	simm.s32 @!p2 $0x0  }
0x1a: {  	s17 =	sadd.s32 $0x80, s11;
	p2 =	por !p3, p1;
	s15 =	smul.u32 @!p1 s16, s15  }
0x1b: {  	s16 =	sadd.s32 $0x80, s12;
	s14 =	simm.s32 @!p2 $0x0;
	p2 =	sgt.s32 s17, $0x8F  }
0x1c: {  	s19 =	smov.u32 s13;
	s18 =	smov.u32 @p2 s16  }
0x1d: {  	s14 =	smul.u32 @!p1 s14, s15;
	s15 =	sadd.s32 $0x20, s13;
	p3 =	sgt.s32 s18, $0x1FF  }
0x1e: {  	s8 =	sadd.s32 $0x1, s8;
	p0 =	por !p0, !p0;
	s19 =	smov.u32 @p3 s15  }
0x1f: {  	s20 =	simm.s32 @!p1 $0x2;
	s17 =	simm.s32 @p2 $0x0;
	p2 =	sgt.s32 s19, $0x1FF  }
0x20: {  	s16 =	smov.u32 s10;
	s19 =	smov.u32 @p2 s5;
	p2 =	sne.s32 s8, $0x82  }
.Ltmp1:
0x21: {  	s10 =	smov.u32 s13;
	s14 =	sand.u32 @!p1 $0x3FFFFFFF, s14;
	(pc) =	sbr.rel @!p2 .LBB1_6-.Ltmp1, $4  }
0x22: {  	s18 =	simm.s32 @p3 $0x0;
	s15 =	smov.u32 s9;
	s9 =	smov.u32 s12  }
0x23: {  	_ =	swait.ge @!p1 [sflag:s20], s14;
	s21 =	ssub.s32 @!p1 $0x0, s14;
	s14 =	smov.u32 s7  }
0x24: {  	s7 =	smov.u32 s11;
	s11 =	smov.u32 s17;
	[sflag:s20] =	ssyncset.done @!p1 $0x0  }
0x25: {  	s12 =	smov.u32 s18;
	[sflag:s20] =	ssyncadd.s32 @!p1 s21;
	s13 =	smov.u32 s19  }
.LBB1_1:
0x26: {  	p1 =	sgt.u32 s8, $0x7F  }
0x27: {  	s17 =	sxor.u32 @!p1 $0xFFFFFFFF, s8  }
0x28: {  	s18 =	sshll.u32 @!p1 s12, $0x8;
	s19 =	sshll.u32 @!p1 s11, $0x3;
	s20 =	sshll.u32 @!p1 s12, $0x7  }
0x29: {  	s21 =	sand.u32 @!p1 $0x78, s11;
	s18 =	sand.u32 @!p1 $0x1F800, s18;
	s19 =	sand.u32 @!p1 $0x1FC00, s19  }
0x2a: {  	s17 =	sshll.u32 @!p1 s17, $0xE;
	s18 =	sadd.s32 @!p1 s18, s19;
	s19 =	sand.u32 @!p1 $0x300, s20  }
0x2b: {  	s17 =	sand.u32 @!p1 $0x4000, s17;
	s18 =	sor.u32 @!p1 s19, s18;
	s19 =	sand.u32 @!p1 $0x80, s20  }
0x2c: {  	s20 =	sshll.u32 @!p1 s13, $0xE;
	s19 =	sor.u32 @!p1 s21, s19;
	s18 =	sshrl.u32 @!p1 s18, $0x3  }
0x2d: {  	s20 =	sadd.s32 @!p1 s3, s20;
	s21 =	sand.u32 @!p1 $0x7, s11;
	s19 =	sshrl.u32 @!p1 s19, $0x3  }
0x2e: {  	s18 =	sand.u32 @!p1 $0x3FE0, s18;
	s19 =	sadd.s32 @!p1 s19, s20;
	s20 =	sshll.u32 @!p1 s21, $0x12  }
0x2f: {  	s18 =	sadd.s32 @!p1 s18, s19;
	s19 =	sor.u32 @!p1 $0x400, s20;
	s20 =	simm.s32 @!p1 $0x800  }
0x30: {  	[tilespmem:s17], [sflag:$0x1] =	stream.strided.gather @!p1 [hbm4b:s18+s19], $0x4000, s20, s19, $0x38;
	[tilespmem:$0x10100] =	vst v63  }
0x31: {  	p1 =	seq.s32 s8, $0x0  }
0x32: {  	p2 =	seq.s32 @!p1 s8, $0x81  }
0x33: {  	p1 =	por p1, p2  }
.Ltmp2:
0x34: {  	_ = 	snop;
	(pc) =	sbr.rel @p1 .LBB1_5-.Ltmp2, $1  }
0x35: {  	_ =	sdelay $0x3  }
0x36: {  	s17 =	simm.s32 $0x1  }
0x37: {  	_ =	swait.ge [sflag:s4], $0x4000;
	s17 =	simm.s32 @!p0 $0x0  }
0x38: {  	[sflag:s4] =	ssyncset.done $0x0;
	s18 =	sshll.u32 s17, $0xE  }
0x39: {  	[sflag:s4] =	ssyncadd.s32 $0xFFFFC000;
	s18 =	sor.u32 $0x40, s18  }
0x3a: {  	s17 =	smul.u32 $0x10200, s17;
	v0 =	vld [tilespmem:s18+$0x30]  }
0x3b: {  	v1 =	vld [tilespmem:s18+$0xFFFFFFD0]  }
0x3c: {  	s17 =	sshrl.u32 s17, $0x2;
	v5 =	vld [tilespmem:s18+$0xFFFFFFE0]  }
0x3d: {  	v6 =	vld [tilespmem:s18+$0xFFFFFFF0];
	s20 =	sor.u32 $0x8000, s17  }
0x3e: {  	s31 =	sand.u32 $0x1, s8;
	v4 =	vld [tilespmem:s18+$0x0];
	s19 =	sadd.s32 $0x0, s20  }
0x3f: {  	v3 =	vld [tilespmem:s18+$0x10];
	s17 =	smul.u32 $0x10200, s31;
	[tilespmem:s19+$0x3870 ss:$0x81] =	vst.msk $0xffff, v0  }
0x40: {  	v2 =	vld [tilespmem:s18+$0x20];
	[tilespmem:s19+$0x810 ss:$0x81] =	vst.msk $0xffff, v1  }
0x41: {  	s17 =	sshrl.u32 s17, $0x2;
	v1 =	vld [tilespmem:s18+$0xFFFFFFC0];
	[tilespmem:s19+$0x1020 ss:$0x81] =	vst.msk $0xffff, v5;
	s18 =	sadd.s32 $0x80, s18  }
0x42: {  	s21 =	simm.s32 $0x4;
	s22 =	simm.s32 $0x8;
	s17 =	sor.u32 $0x8000, s17;
	[tilespmem:s19+$0x1830 ss:$0x81] =	vst.msk $0xffff, v6;
	v0 =	vld [tilespmem:s18+$0x30]  }
.LBB1_3:
0x43: {  	p1 =	sne.s32 s22, $0x1FC;
	v5 =	vld [tilespmem:s18+$0xFFFFFFD0];
	[tilespmem:s19+$0x2040 ss:$0x81] =	vst.msk $0xffff, v4  }
0x44: {  	v6 =	vld [tilespmem:s18+$0xFFFFFFE0];
	[tilespmem:s19+$0x2850 ss:$0x81] =	vst.msk $0xffff, v3  }
0x45: {  	s23 =	sshra.s32 s21, $0x2;
	s21 =	smov.u32 s22;
	v7 =	vld [tilespmem:s18+$0xFFFFFFF0];
	[tilespmem:s19+$0x3060 ss:$0x81] =	vst.msk $0xffff, v2  }
.Ltmp3:
0x46: {  	v4 =	vld [tilespmem:s18+$0x0];
	[tilespmem:s19+$0x0 ss:$0x81] =	vst.msk $0xffff, v1;
	s19 =	sadd.s32 s23, s20;
	(pc) =	sbr.rel @p1 .LBB1_3-.Ltmp3, $4  }
0x47: {  	v3 =	vld [tilespmem:s18+$0x10];
	[tilespmem:s19+$0x3870 ss:$0x81] =	vst.msk $0xffff, v0  }
0x48: {  	[tilespmem:s19+$0x810 ss:$0x81] =	vst.msk $0xffff, v5;
	v2 =	vld [tilespmem:s18+$0x20]  }
0x49: {  	v1 =	vld [tilespmem:s18+$0xFFFFFFC0];
	[tilespmem:s19+$0x1020 ss:$0x81] =	vst.msk $0xffff, v6;
	s18 =	sadd.s32 $0x80, s18  }
0x4a: {  	s22 =	sadd.s32 $0x4, s22;
	v0 =	vld [tilespmem:s18+$0x30];
	[tilespmem:s19+$0x1830 ss:$0x81] =	vst.msk $0xffff, v7  }
0x4b: {  	s22 =	sshll.u32 s7, $0x9;
	s23 =	sshll.u32 s9, $0x3;
	s24 =	sshll.u32 s7, $0x7  }
0x4c: {  	s21 =	sshra.s32 s21, $0x2;
	p1 =	sgt.s32 s10, $0x1FF;
	s25 =	sshra.s32 s10, $0x1F  }
0x4d: {  	p2 =	sgt.s32 s9, $0x180;
	s26 =	smov.u32 s9;
	s27 =	sshra.s32 s9, $0x1F  }
0x4e: {  	s28 =	sshra.s32 s7, $0x1F;
	s22 =	sand.u32 $0xFFFFF000, s22;
	s23 =	sand.u32 $0xFFFFFC00, s23  }
0x4f: {  	s30 =	sand.u32 $0x200, s24;
	s25 =	sand.u32 s25, s10;
	s20 =	sadd.s32 s21, s20  }
0x50: {  	s26 =	simm.s32 @!p2 $0x180;
	s31 =	sand.u32 s27, s9;
	p2 =	sgt.s32 s7, $0x10  }
0x51: {  	s27 =	smov.u32 s7;
	s22 =	sadd.s32 s23, s22;
	s23 =	smov.u32 s10  }
0x52: {  	v5 =	vld [tilespmem:s18+$0xFFFFFFD0];
	s24 =	sand.u32 $0x180, s24;
	s22 =	sor.u32 s30, s22;
	s23 =	simm.s32 @!p1 $0x1FF  }
0x53: {  	[tilespmem:s19+$0x2040 ss:$0x81] =	vst.msk $0xffff, v4;
	v58 =	vld [tilespmem:s18+$0xFFFFFFE0];
	s27 =	simm.s32 @!p2 $0x10;
	s22 =	sshrl.u32 s22, $0x9;
	s23 =	ssub.s32 s23, s25  }
0x54: {  	[tilespmem:s19+$0x2850 ss:$0x81] =	vst.msk $0xffff, v3;
	s21 =	smulhi.u32 $0x1C71C72, s22;
	s25 =	sadd.s32 $0xFFFFFE01, s23;
	s23 =	ssub.s32 $0x200, s23  }
0x55: {  	v59 =	vld [tilespmem:s18+$0xFFFFFFF0];
	[tilespmem:s19+$0x3060 ss:$0x81] =	vst.msk $0xffff, v2;
	p1 =	sgt.s32 s25, $0x0;
	s25 =	ssub.s32 s26, s31;
	s26 =	sand.u32 s28, s7  }
0x56: {  	v60 =	vld [tilespmem:s18+$0x0];
	[tilespmem:s19+$0x0 ss:$0x81] =	vst.msk $0xffff, v1;
	s23 =	simm.s32 @p1 $0x0;
	s29 =	ssub.s32 s27, s26;
	s30 =	sadd.s32 $0xFFFFFE80, s25  }
0x57: {  	v61 =	vld [tilespmem:s18+$0x10];
	[tilespmem:s20+$0x3870 ss:$0x81] =	vst.msk $0xffff, v0;
	s25 =	ssub.s32 $0x200, s25;
	s21 =	smul.u32 $0x90, s21;
	s26 =	sand.u32 $0x78, s9  }
0x58: {  	v62 =	vld [tilespmem:s18+$0x20];
	[tilespmem:s20+$0x810 ss:$0x81] =	vst.msk $0xffff, v5;
	s27 =	smul.u32 $0x2400, s10;
	p1 =	sgt.s32 s30, $0x7F;
	s31 =	sadd.s32 $0xFFFFFFF0, s29  }
0x59: {  	v63 =	vld [tilespmem:s18+$0xFFFFFFC0];
	[tilespmem:s20+$0x1020 ss:$0x81] =	vst.msk $0xffff, v58;
	s19 =	ssub.s32 $0x90, s29;
	s18 =	sor.u32 s26, s24;
	s25 =	simm.s32 @p1 $0x0  }
0x5a: {  	[tilespmem:s20+$0x1830 ss:$0x81] =	vst.msk $0xffff, v59;
	s29 =	sand.u32 $0x7, s9;
	p2 =	sgt.s32 s31, $0x7F;
	s23 =	smul.u32 s23, s25  }
.Ltmp4:
0x5b: {  	[tilespmem:s20+$0x2040 ss:$0x81] =	vst.msk $0xffff, v60;
	s21 =	ssub.s32 s22, s21;
	s19 =	simm.s32 @p2 $0x0;
	(pc) =	sbr.rel .LBB1_5-.Ltmp4, $4  }
0x5c: {  	[tilespmem:s20+$0x2850 ss:$0x81] =	vst.msk $0xffff, v61;
	s18 =	sshrl.u32 s18, $0x3;
	s28 =	sadd.s32 s2, s27;
	s19 =	smul.u32 s19, s23  }
0x5d: {  	[tilespmem:s20+$0x3060 ss:$0x81] =	vst.msk $0xffff, v62;
	s30 =	sshll.u32 s29, $0x12;
	s21 =	sshll.u32 s21, $0x6;
	s18 =	sadd.s32 s18, s28  }
0x5e: {  	[tilespmem:s20+$0x0 ss:$0x81] =	vst.msk $0xffff, v63;
	s31 =	sor.u32 $0x400, s30;
	s18 =	sadd.s32 s21, s18;
	s19 =	sand.u32 $0x3FFFFFFF, s19  }
0x5f: {  	[hbm4b:s18+s31] =	stream.strided.scatter [tilespmem:s17], [sflag:$0x2], s19, s6, s31, $0x20;
	[tilespmem:$0x10100] =	vst v63  }
.LBB1_6:
0x60: {  	_ =	sfence.sel $0x180000  }
0x61: {  	s2 =	simm.s32 $0x1;
	[bflag:$0x0] =	sbarrier.arrive $0xFFFF  }
0x62: {  	s31 =	simm.s32 $0x2;
	[sflag:s2] =	ssyncpa.u1 $0x1  }
0x63: {  	[sflag:s31] =	ssyncpa.u1 $0x1  }
0x64: {  	p0 =	sne.s32 s1, $0x0;
	_ =	strace $0x9000004A  }
0x65: {  	s0 =	sadd.s32 @!p0 $0x100000, s0;
	[bflag:$0x2] =	sbarrier.arrive $0xFFFF  }
0x66: {  	[sflag:s0] =	ssyncadd.tile.s32 @!p0 $0x1;
	_ =	shalt  }
.Lfunc_end1:
_tile_overlayer_lowered:
.L_overlay_start_2:
0x67: {  	(tag) =	ssettag $0x2  }
0x68: {  	s0 =	rddreg [dreg:$0x0];
	s2 =	stileid.u32  }
0x69: {  	s1 =	rddreg [dreg:$0x1];
	p0 =	sne.s32 s2, $0x0  }
0x6a: {  	s3 =	rddreg [dreg:$0x2];
	[bflag:$0x3] =	sbarrier.arrive $0xFFFF;
	s2 =	simm.s32 @!p0 $0x1C01  }
0x6b: {  	[timem:s3], [sflag:s2] =	dma.local @!p0 [hbm:s0], s1  }
0x6c: {  	s0 =	simm.s32 @!p0 $0x1  }
0x6d: {  	_ =	swait.ge @!p0 [sflag:s0], s1  }
0x6e: {  	s1 =	ssub.s32 @!p0 $0x0, s1;
	[sflag:s0] =	ssyncset.done @!p0 $0x0  }
0x6f: {  	[sflag:s0] =	ssyncadd.s32 @!p0 s1  }
0x70: {  	[bflag:$0x3] =	sbarrier.arrive $0xFFFF  }
0x71: {  	_ =	shalt  }

</sc_bundles>
